<compile_context>
chip_gen: v7x
topology: tpu7x:2x2x1
jax: 0.10.2.dev20260603
libtpu: 0.0.44.dev20260713+nightly
codegen_flags: <defaults>
</compile_context>

<pallas_src>
import functools

import jax
import jax.numpy as jnp
import numpy as np
from jax.experimental import pallas as pl
from jax.experimental.pallas import tpu as pltpu

EPS = 1e-6
NS = 0.2
B, N, K = 8, 1024, 20
NEG = np.float32(-3.0e38)


def _pad_rows(w, cp):
    o, c = w.shape
    return jnp.pad(w, ((0, 0), (0, cp - c)))



def _knn_body(yt_ref, yf_ref, xxi_ref, xxj_ref, out_ref, *, nb, k):
    b = pl.program_id(0)
    yt = yt_ref[0]
    yf = yf_ref[0]
    g = jax.lax.dot(yt, yf, preferred_element_type=jnp.float32)
    xxj = xxj_ref[0]
    xxi = xxi_ref[0]
    pd = 2.0 * g - xxi - xxj
    cols = jax.lax.broadcasted_iota(jnp.int32, pd.shape, 1)
    kcols = jax.lax.broadcasted_iota(jnp.int32, (nb, k), 1)

    def body(j, carry):
        pd, idxs = carry
        m = jnp.max(pd, axis=1, keepdims=True)
        sel = pd >= m
        idxj = jnp.min(jnp.where(sel, cols, N), axis=1, keepdims=True)
        idxs = jnp.where(kcols == j, idxj, idxs)
        pd = jnp.where(cols == idxj, NEG, pd)
        return pd, idxs

    idxs0 = jnp.zeros((nb, k), jnp.int32)
    _, idxs = jax.lax.fori_loop(0, k, body, (pd, idxs0))
    out_ref[0] = idxs + b * N


def _knn(table, tablet, xx, nb=256):
    _, _, W = table.shape
    grid = (B, N // nb)
    return pl.pallas_call(
        functools.partial(_knn_body, nb=nb, k=K),
        grid=grid,
        in_specs=[
            pl.BlockSpec((1, nb, W), lambda b, i: (b, i, 0)),
            pl.BlockSpec((1, W, N), lambda b, i: (b, 0, 0)),
            pl.BlockSpec((1, nb, 1), lambda b, i: (b, i, 0)),
            pl.BlockSpec((1, 1, N), lambda b, i: (b, 0, 0)),
        ],
        out_specs=pl.BlockSpec((1, nb, K), lambda b, i: (b, i, 0)),
        out_shape=jax.ShapeDtypeStruct((B, N, K), jnp.int32),
    )(table, tablet, xx.reshape(B, N, 1), xx.reshape(B, 1, N))



def _edge_vecs(gt, ct, wcat, cp, o, e, k):
    out = []
    nb = e // k
    for v in range(3):
        xv = gt[v * cp:(v + 1) * cp, :]
        cv = ct[v * cp:(v + 1) * cp, :]
        cv_rep = jnp.broadcast_to(cv[:, :, None], (cp, nb, k)).reshape(cp, e)
        feat = jnp.concatenate([xv - cv_rep, cv_rep], axis=0)
        out.append(jax.lax.dot(wcat, feat,
                               preferred_element_type=jnp.float32))
    return out


def _passA_body(g_ref, c_ref, wf_ref, norms_ref, *, cp, o, e, k):
    gt = jnp.transpose(g_ref[0])
    ct = jnp.transpose(c_ref[0])
    p0, p1, p2 = _edge_vecs(gt, ct, wf_ref[:], cp, o, e, k)
    norm = jnp.sqrt(p0 * p0 + p1 * p1 + p2 * p2) + EPS
    norms_ref[0] = norm


def _passB_body(g_ref, c_ref, wf_ref, wd_ref, stats_ref,
                var_ref, out_ref, *, cp, o, e, k):
    gt = jnp.transpose(g_ref[0])
    ct = jnp.transpose(c_ref[0])
    p0, p1, p2 = _edge_vecs(gt, ct, wf_ref[:], cp, o, e, k)
    d0, d1, d2 = _edge_vecs(gt, ct, wd_ref[:], cp, o, e, k)
    m = stats_ref[...]
    var = var_ref[...]
    norm = jnp.sqrt(p0 * p0 + p1 * p1 + p2 * p2) + EPS
    nbn = (norm - m) / jnp.sqrt(var + 1e-5)
    q0 = (p0 / norm) * nbn
    q1 = (p1 / norm) * nbn
    q2 = (p2 / norm) * nbn
    dot = q0 * d0 + q1 * d1 + q2 * d2
    dsq = d0 * d0 + d1 * d1 + d2 * d2
    mask = (dot >= 0).astype(jnp.float32)
    c = dot / (dsq + EPS)
    nb = e // k
    for v, (q, d) in enumerate(((q0, d0), (q1, d1), (q2, d2))):
        r = NS * q + (1.0 - NS) * (mask * q + (1.0 - mask) * (q - c * d))
        out_ref[0, :, v] = jnp.mean(r.reshape(o, nb, k), axis=2)


def _edge_block(gathered, centers, wf, wd, C, O, nb=128):
    cp = C
    W = centers.shape[-1]
    e = nb * K
    wfcat = wf
    wdcat = wd
    grid = (B, N // nb)
    g_spec = pl.BlockSpec((1, e, W), lambda b, i: (b, i, 0))
    c_spec = pl.BlockSpec((1, nb, W), lambda b, i: (b, i, 0))
    w_spec = pl.BlockSpec((O, 2 * C), lambda b, i: (0, 0))
    s_spec = pl.BlockSpec((O, 1), lambda b, i: (0, 0))
    n_spec = pl.BlockSpec((1, O, e), lambda b, i: (b, 0, i))
    norms = pl.pallas_call(
        functools.partial(_passA_body, cp=cp, o=O, e=e, k=K),
        grid=grid,
        in_specs=[g_spec, c_spec, w_spec],
        out_specs=n_spec,
        out_shape=jax.ShapeDtypeStruct((B, O, N * K), jnp.float32),
    )(gathered, centers, wfcat)
    n4 = norms.reshape(B, O, N, K)
    stats = jnp.mean(n4, axis=(0, 2, 3)).reshape(O, 1)
    var = jnp.var(n4, axis=(0, 2, 3)).reshape(O, 1)
    out = pl.pallas_call(
        functools.partial(_passB_body, cp=cp, o=O, e=e, k=K),
        grid=grid,
        in_specs=[g_spec, c_spec, w_spec, w_spec, s_spec, s_spec],
        out_specs=pl.BlockSpec((1, O, 3, nb), lambda b, i: (b, 0, 0, i)),
        out_shape=jax.ShapeDtypeStruct((B, O, 3, N), jnp.float32),
    )(gathered, centers, wfcat, wdcat, stats, var)
    return out



def _table_from_x3(x3, wrow):
    b, c, _, n = x3.shape
    rows = jnp.transpose(x3, (0, 3, 2, 1)).reshape(b, n, 3 * c)
    if wrow > 3 * c:
        rows = jnp.pad(rows, ((0, 0), (0, 0), (0, wrow - 3 * c)))
    return rows


def _gather_rows(table, idx):
    W = table.shape[-1]
    flat = table.reshape(B * N, W)
    g = jnp.take(flat, idx.reshape(-1), axis=0)
    return g.reshape(B, N * K, W)



def _sc_gather(table_flat, idx, ch=128):
    from jax.experimental.pallas import tpu_sc as plsc
    from jax import lax

    M = idx.size
    W = table_flat.shape[-1]
    info = plsc.get_sparse_core_info()
    nw = info.num_cores * info.num_subcores
    per_w = M // nw
    n_ch = per_w // ch
    assert per_w % ch == 0
    idx3 = idx.reshape(nw, n_ch, ch)
    nc = info.num_cores
    mesh = plsc.VectorSubcoreMesh(core_axis_name="c", subcore_axis_name="s")

    @functools.partial(
        pl.kernel, mesh=mesh,
        out_type=jax.ShapeDtypeStruct((M, W), jnp.float32),
        scratch_types=[
            pltpu.VMEM((ch,), jnp.int32),
            pltpu.VMEM((ch, W), jnp.float32),
            pltpu.SemaphoreType.DMA,
        ],
    )
    def k(table_hbm, idx_hbm, out_hbm, idx_v, rows_v, sem):
        wid = lax.axis_index("s") * nc + lax.axis_index("c")

        def step(i, carry):
            pltpu.sync_copy(idx_hbm.at[wid, i], idx_v)
            pltpu.async_copy(table_hbm.at[idx_v], rows_v, sem).wait()
            base = (wid * n_ch + i) * ch
            pltpu.sync_copy(rows_v, out_hbm.at[pl.ds(base, ch)])
            return carry

        lax.fori_loop(0, n_ch, step, 0)

    return k(table_flat, idx3)


def _stage(x3, C, O, wf, wd, wrow, nb=128):
    table = _table_from_x3(x3, wrow)
    xf = x3.reshape(B, C * 3, N)
    xx = jnp.sum(xf * xf, axis=1)
    dpad = ((C * 3 + 7) // 8) * 8
    xfp = jnp.pad(xf, ((0, 0), (0, dpad - C * 3), (0, 0)))
    ktable = jnp.transpose(xfp, (0, 2, 1))
    idx = _knn(ktable, xfp, xx)
    W = table.shape[-1]
    gathered = _sc_gather(table.reshape(B * N, W), idx.reshape(-1))
    gathered = gathered.reshape(B, N * K, W)
    return _edge_block(gathered, table, wf, wd, C, O, nb=nb)



def _final_mm_body(cat_ref, wf_ref, wd_ref, p_ref, d_ref, st_ref):
    first = pl.program_id(0) == 0
    wf = wf_ref[:]
    wd = wd_ref[:]
    norm2 = None
    for v in range(3):
        cv = cat_ref[v]
        pv = jax.lax.dot(wf, cv, preferred_element_type=jnp.float32)
        dv = jax.lax.dot(wd, cv, preferred_element_type=jnp.float32)
        p_ref[v] = pv
        d_ref[v] = dv
        norm2 = pv * pv if norm2 is None else norm2 + pv * pv
    norm = jnp.sqrt(norm2) + EPS
    s1 = jnp.sum(norm, axis=1, keepdims=True)
    s2 = jnp.sum(norm * norm, axis=1, keepdims=True)
    st = jnp.concatenate([s1, s2], axis=1)

    @pl.when(first)
    def _():
        st_ref[...] = jnp.zeros_like(st_ref)

    st_ref[...] += st


def _final_apply_body(p_ref, d_ref, st_ref, out_ref, *, m_total):
    cnt = jnp.float32(m_total)
    m = st_ref[:, 0:1] / cnt
    var = st_ref[:, 1:2] / cnt - m * m
    p0, p1, p2 = p_ref[0], p_ref[1], p_ref[2]
    d0, d1, d2 = d_ref[0], d_ref[1], d_ref[2]
    norm = jnp.sqrt(p0 * p0 + p1 * p1 + p2 * p2) + EPS
    scale = (norm - m) / (jnp.sqrt(var + 1e-5) * norm)
    q0 = p0 * scale
    q1 = p1 * scale
    q2 = p2 * scale
    dot = q0 * d0 + q1 * d1 + q2 * d2
    dsq = d0 * d0 + d1 * d1 + d2 * d2
    coef = (1.0 - NS) * jnp.where(dot < 0, dot / (dsq + EPS), 0.0)
    out_ref[0] = q0 - coef * d0
    out_ref[1] = q1 - coef * d1
    out_ref[2] = q2 - coef * d2


def _final_block(cat3, wf, wd, mb=1024):
    _, C, M = cat3.shape
    O = wf.shape[0]
    grid = (M // mb,)
    p, d, st = pl.pallas_call(
        _final_mm_body,
        grid=grid,
        in_specs=[
            pl.BlockSpec((3, C, mb), lambda i: (0, 0, i)),
            pl.BlockSpec((O, C), lambda i: (0, 0)),
            pl.BlockSpec((1, C), lambda i: (0, 0)),
        ],
        out_specs=[
            pl.BlockSpec((3, O, mb), lambda i: (0, 0, i)),
            pl.BlockSpec((3, 1, mb), lambda i: (0, 0, i)),
            pl.BlockSpec((O, 2), lambda i: (0, 0)),
        ],
        out_shape=[
            jax.ShapeDtypeStruct((3, O, M), jnp.float32),
            jax.ShapeDtypeStruct((3, 1, M), jnp.float32),
            jax.ShapeDtypeStruct((O, 2), jnp.float32),
        ],
    )(cat3, wf, wd)
    return pl.pallas_call(
        functools.partial(_final_apply_body, m_total=M),
        grid=grid,
        in_specs=[
            pl.BlockSpec((3, O, mb), lambda i: (0, 0, i)),
            pl.BlockSpec((3, 1, mb), lambda i: (0, 0, i)),
            pl.BlockSpec((O, 2), lambda i: (0, 0)),
        ],
        out_specs=pl.BlockSpec((3, O, mb), lambda i: (0, 0, i)),
        out_shape=jax.ShapeDtypeStruct((3, O, M), jnp.float32),
    )(p, d, st)


def kernel(x, W1f, W1d, W2f, W2d, W3f, W3d, W4f, W4d, W5f, W5d):
    h = jnp.transpose(x, (0, 2, 1))[:, None, :, :]
    x1 = _stage(h, 1, 21, W1f, W1d, wrow=128)
    x2 = _stage(x1, 21, 21, W2f, W2d, wrow=128)
    x3 = _stage(x2, 21, 42, W3f, W3d, wrow=128)
    x4 = _stage(x3, 42, 85, W4f, W4d, wrow=128)
    cat = jnp.concatenate([x1, x2, x3, x4], axis=1)
    cat3 = jnp.transpose(cat, (2, 1, 0, 3)).reshape(3, 169, B * N)
    out3 = _final_block(cat3, W5f, W5d)
    out = jnp.transpose(out3.reshape(3, 341, B, N), (2, 1, 0, 3))
    return out

# --- scband reference (transcript-rebuilt; emitter-appended) ---
"""Pipeline reference for scband-eqcnn-equi-39728447488681 (READ-ONLY COPY).

The authoritative reference and input builder live on the scoring server;
editing this copy changes nothing except your own understanding.
"""

import jax, jax.numpy as jnp
import numpy as np

EPS = 1e-6

def knn(x, k):
    # x: [B, D, N]
    inner = -2.0 * jnp.einsum('bdn,bdm->bnm', x, x)
    xx = jnp.sum(x * x, axis=1)  # [B, N]
    pd = -xx[:, :, None] - inner - xx[:, None, :]
    return jax.lax.top_k(pd, k)[1]  # [B, N, k]

def get_graph_feature(x, k=20):
    # x: [B, C, 3, N] -> [B, 2C, 3, N, k]
    B, C, _, N = x.shape
    xf = x.reshape(B, C * 3, N)
    idx = knn(xf, k)
    xt = jnp.transpose(xf, (0, 2, 1))  # [B, N, C*3]
    feat = jax.vmap(lambda pts, ind: pts[ind])(xt, idx)  # [B, N, k, C*3]
    feat = feat.reshape(B, N, k, C, 3)
    xe = xt.reshape(B, N, 1, C, 3)
    feat = jnp.concatenate([feat - xe, jnp.broadcast_to(xe, feat.shape)], axis=3)
    return jnp.transpose(feat, (0, 3, 4, 1, 2))

def vn_lin(x, W):
    # nn.Linear over channel dim (dim 1)
    return jnp.einsum('oc,bc...->bo...', W, x)

def vn_batchnorm(p):
    # VNBatchNorm: BN (batch stats, affine=identity at init) on vector norms
    norm = jnp.sqrt(jnp.sum(p * p, axis=2)) + EPS  # [B, C, N, (k)]
    axes = (0,) + tuple(range(2, norm.ndim))
    mean = jnp.mean(norm, axis=axes, keepdims=True)
    var = jnp.var(norm, axis=axes, keepdims=True)
    nbn = (norm - mean) / jnp.sqrt(var + 1e-5)
    return p / jnp.expand_dims(norm, 2) * jnp.expand_dims(nbn, 2)

def vn_block(x, Wf, Wd, ns=0.2):
    # VNLinearLeakyReLU
    p = vn_batchnorm(vn_lin(x, Wf))
    d = vn_lin(x, Wd)
    dot = jnp.sum(p * d, axis=2, keepdims=True)
    mask = (dot >= 0).astype(p.dtype)
    dsq = jnp.sum(d * d, axis=2, keepdims=True)
    return ns * p + (1.0 - ns) * (mask * p + (1.0 - mask) * (p - (dot / (dsq + EPS)) * d))

def setup_inputs(seed: int = 0):
    key = jax.random.key(seed)
    ks = jax.random.split(key, 11)
    B, N = 8, 1024
    x = jax.random.normal(ks[0], (B, N, 3), dtype=jnp.float32)
    def w(kk, o, i):
        return jax.random.normal(kk, (o, i), dtype=jnp.float32) * (1.0 / np.sqrt(i))
    return {
        'x': x,
        'W1f': w(ks[1], 21, 2),  'W1d': w(ks[2], 21, 2),
        'W2f': w(ks[3], 21, 42), 'W2d': w(ks[4], 21, 42),
        'W3f': w(ks[5], 42, 42), 'W3d': w(ks[6], 42, 42),
        'W4f': w(ks[7], 85, 84), 'W4d': w(ks[8], 85, 84),
        'W5f': w(ks[9], 341, 169), 'W5d': w(ks[10], 1, 169),
    }

def reference(x, W1f, W1d, W2f, W2d, W3f, W3d, W4f, W4d, W5f, W5d):
    k = 20
    h = jnp.transpose(x, (0, 2, 1))[:, None, :, :]  # [B, 1, 3, N]
    f = get_graph_feature(h, k)
    x1 = vn_block(f, W1f, W1d).mean(axis=-1)
    f = get_graph_feature(x1, k)
    x2 = vn_block(f, W2f, W2d).mean(axis=-1)
    f = get_graph_feature(x2, k)
    x3 = vn_block(f, W3f, W3d).mean(axis=-1)
    f = get_graph_feature(x3, k)
    x4 = vn_block(f, W4f, W4d).mean(axis=-1)
    cat = jnp.concatenate([x1, x2, x3, x4], axis=1)  # [B, 169, 3, N]
    return vn_block(cat, W5f, W5d)  # [B, 341, 3, N]

if __name__ == "__main__":
    import jax
    _d = setup_inputs()
    print(jax.jit(kernel)(*tuple(_d.values())))

</pallas_src>

<mosaic_0001>
#map = affine_map<(d0, d1) -> (0, 0)>
#map1 = affine_map<(d0, d1) -> (0, 0, 0)>
module attributes {stable_mosaic.version = 14 : i64} {
  func.func @k(%arg0: i32, %arg1: i32, %arg2: memref<8192x128xf32, #tpu.memory_space<hbm>>, %arg3: memref<32x40x128xi32, #tpu.memory_space<hbm>>, %arg4: memref<163840x128xf32, #tpu.memory_space<hbm>>, %arg5: memref<128xi32, #tpu.memory_space<vmem>>, %arg6: memref<128x128xf32, #tpu.memory_space<vmem>>, %arg7: memref<!tpu.dma_semaphore, #tpu.memory_space<semaphore_mem>>) attributes {dimension_semantics = [#tpu.dimension_semantics<core_parallel>, #tpu.dimension_semantics<subcore_parallel>], iteration_bounds = array<i64: 2, 16>, scalar_prefetch = 0 : i64, scratch_operands = 3 : i64, tpu.core_type = #tpu.core_type<sc_vector_subcore>, window_params = [{transform_indices = #map}, {transform_indices = #map1}, {transform_indices = #map}]} {
    %mul3A = arith.constant 2 : i32
    %mul3A_0 = arith.muli %arg1, %mul3A : i32
    %add3A = arith.addi %mul3A_0, %arg0 : i32
    %scan3A = arith.constant 0 : i32
    %scan3A_1 = arith.constant 0 : i32
    %scan3A_2 = arith.constant 40 : i32
    %scan3A_3 = arith.addi %scan3A_1, %scan3A_2 : i32
    %scan3A_4 = arith.constant 1 : i32
    scf.for %scan3A_6 = %scan3A_1 to %scan3A_3 step %scan3A_4  : i32 {
      "tpu.region"() ({
        %run_scoped3A = tpu.sem_alloc : memref<!tpu.dma_semaphore, #tpu.memory_space<semaphore_mem>>
        %dma_start3A_16 = arith.constant 0 : i32
        %dma_start3A_17 = tpu.memref_slice %arg3[%add3A, %scan3A_6, %dma_start3A_16] : memref<32x40x128xi32, #tpu.memory_space<hbm>> -> memref<1x1x128xi32, #tpu.memory_space<hbm>>
        %dma_start3A_18 = tpu.memref_squeeze %dma_start3A_17 : memref<1x1x128xi32, #tpu.memory_space<hbm>> -> memref<128xi32, #tpu.memory_space<hbm>>
        %dma_start3A_19 = arith.constant 0 : i32
        %dma_start3A_20 = tpu.memref_slice %arg3[%add3A, %scan3A_6, %dma_start3A_19] : memref<32x40x128xi32, #tpu.memory_space<hbm>> -> memref<1x1x128xi32, #tpu.memory_space<hbm>>
        %dma_start3A_21 = tpu.memref_squeeze %dma_start3A_20 : memref<1x1x128xi32, #tpu.memory_space<hbm>> -> memref<128xi32, #tpu.memory_space<hbm>>
        tpu.enqueue_dma source(%dma_start3A_21 : memref<128xi32, #tpu.memory_space<hbm>>) target(%arg5 : memref<128xi32, #tpu.memory_space<vmem>>) target_semaphore(%run_scoped3A : memref<!tpu.dma_semaphore, #tpu.memory_space<semaphore_mem>>)
        %dma_wait3A_22 = arith.constant 0 : i32
        %dma_wait3A_23 = tpu.memref_slice %arg3[%add3A, %scan3A_6, %dma_wait3A_22] : memref<32x40x128xi32, #tpu.memory_space<hbm>> -> memref<1x1x128xi32, #tpu.memory_space<hbm>>
        %dma_wait3A_24 = tpu.memref_squeeze %dma_wait3A_23 : memref<1x1x128xi32, #tpu.memory_space<hbm>> -> memref<128xi32, #tpu.memory_space<hbm>>
        %dma_wait3A_25 = arith.constant 0 : i32
        %dma_wait3A_26 = tpu.memref_slice %arg3[%add3A, %scan3A_6, %dma_wait3A_25] : memref<32x40x128xi32, #tpu.memory_space<hbm>> -> memref<1x1x128xi32, #tpu.memory_space<hbm>>
        %dma_wait3A_27 = tpu.memref_squeeze %dma_wait3A_26 : memref<1x1x128xi32, #tpu.memory_space<hbm>> -> memref<128xi32, #tpu.memory_space<hbm>>
        tpu.wait_dma2 semaphore(%run_scoped3A : memref<!tpu.dma_semaphore, #tpu.memory_space<semaphore_mem>>) src(%dma_wait3A_27 : memref<128xi32, #tpu.memory_space<hbm>>) dst(%arg5 : memref<128xi32, #tpu.memory_space<vmem>>)
        tpu.yield
      }) : () -> ()
      %dma_start3A = arith.constant 0 : i32
      %dma_start3A_7 = arith.constant 0 : i32
      %dma_start3A_8 = tpu.memref_slice %arg2[%dma_start3A, %dma_start3A_7] : memref<8192x128xf32, #tpu.memory_space<hbm>> -> memref<8192x128xf32, #tpu.memory_space<hbm>>
      tpu.enqueue_indirect_dma source(%dma_start3A_8 : memref<8192x128xf32, #tpu.memory_space<hbm>>) target(%arg6 : memref<128x128xf32, #tpu.memory_space<vmem>>) offsets(%arg5 : memref<128xi32, #tpu.memory_space<vmem>>) semaphore(%arg7 : memref<!tpu.dma_semaphore, #tpu.memory_space<semaphore_mem>>)
      %dma_wait3A = arith.constant 0 : i32
      %dma_wait3A_9 = arith.constant 0 : i32
      %dma_wait3A_10 = tpu.memref_slice %arg2[%dma_wait3A, %dma_wait3A_9] : memref<8192x128xf32, #tpu.memory_space<hbm>> -> memref<8192x128xf32, #tpu.memory_space<hbm>>
      tpu.wait_indirect_dma semaphore(%arg7 : memref<!tpu.dma_semaphore, #tpu.memory_space<semaphore_mem>>) src(%dma_wait3A_10 : memref<8192x128xf32, #tpu.memory_space<hbm>>) dst(%arg6 : memref<128x128xf32, #tpu.memory_space<vmem>>)
      %mul3A_11 = arith.constant 40 : i32
      %mul3A_12 = arith.muli %add3A, %mul3A_11 : i32
      %add3A_13 = arith.addi %mul3A_12, %scan3A_6 : i32
      %mul3A_14 = arith.constant 128 : i32
      %mul3A_15 = arith.muli %add3A_13, %mul3A_14 : i32
      "tpu.region"() ({
        %run_scoped3A = tpu.sem_alloc : memref<!tpu.dma_semaphore, #tpu.memory_space<semaphore_mem>>
        %dma_start3A_16 = arith.constant 0 : i32
        %dma_start3A_17 = tpu.memref_slice %arg4[%mul3A_15, %dma_start3A_16] : memref<163840x128xf32, #tpu.memory_space<hbm>> -> memref<128x128xf32, #tpu.memory_space<hbm>>
        %dma_start3A_18 = arith.constant 0 : i32
        %dma_start3A_19 = tpu.memref_slice %arg4[%mul3A_15, %dma_start3A_18] : memref<163840x128xf32, #tpu.memory_space<hbm>> -> memref<128x128xf32, #tpu.memory_space<hbm>>
        tpu.enqueue_dma source(%arg6 : memref<128x128xf32, #tpu.memory_space<vmem>>) target(%dma_start3A_19 : memref<128x128xf32, #tpu.memory_space<hbm>>) target_semaphore(%run_scoped3A : memref<!tpu.dma_semaphore, #tpu.memory_space<semaphore_mem>>)
        %dma_wait3A_20 = arith.constant 0 : i32
        %dma_wait3A_21 = tpu.memref_slice %arg4[%mul3A_15, %dma_wait3A_20] : memref<163840x128xf32, #tpu.memory_space<hbm>> -> memref<128x128xf32, #tpu.memory_space<hbm>>
        %dma_wait3A_22 = arith.constant 0 : i32
        %dma_wait3A_23 = tpu.memref_slice %arg4[%mul3A_15, %dma_wait3A_22] : memref<163840x128xf32, #tpu.memory_space<hbm>> -> memref<128x128xf32, #tpu.memory_space<hbm>>
        tpu.wait_dma2 semaphore(%run_scoped3A : memref<!tpu.dma_semaphore, #tpu.memory_space<semaphore_mem>>) src(%arg6 : memref<128x128xf32, #tpu.memory_space<vmem>>) dst(%dma_wait3A_23 : memref<128x128xf32, #tpu.memory_space<hbm>>)
        tpu.yield
      }) : () -> ()
    }
    %scan3A_5 = arith.constant 40 : i32
    return
  }
}

#map = affine_map<(d0, d1) -> (0, 0)>
#map1 = affine_map<(d0, d1) -> (0, 0, 0)>
module attributes {stable_mosaic.version = 14 : i64} {
  func.func @k(%arg0: i32, %arg1: i32, %arg2: memref<8192x128xf32, #tpu.memory_space<hbm>>, %arg3: memref<32x40x128xi32, #tpu.memory_space<hbm>>, %arg4: memref<163840x128xf32, #tpu.memory_space<hbm>>, %arg5: memref<128xi32, #tpu.memory_space<vmem>>, %arg6: memref<128x128xf32, #tpu.memory_space<vmem>>, %arg7: memref<!tpu.dma_semaphore, #tpu.memory_space<semaphore_mem>>) attributes {dimension_semantics = [#tpu.dimension_semantics<core_parallel>, #tpu.dimension_semantics<subcore_parallel>], iteration_bounds = array<i64: 2, 16>, scalar_prefetch = 0 : i64, scratch_operands = 3 : i64, tpu.core_type = #tpu.core_type<sc_vector_subcore>, window_params = [{transform_indices = #map}, {transform_indices = #map1}, {transform_indices = #map}]} {
    %mul3A = arith.constant 2 : i32
    %mul3A_0 = arith.muli %arg1, %mul3A : i32
    %add3A = arith.addi %mul3A_0, %arg0 : i32
    %scan3A = arith.constant 0 : i32
    %scan3A_1 = arith.constant 0 : i32
    %scan3A_2 = arith.constant 40 : i32
    %scan3A_3 = arith.addi %scan3A_1, %scan3A_2 : i32
    %scan3A_4 = arith.constant 1 : i32
    scf.for %scan3A_6 = %scan3A_1 to %scan3A_3 step %scan3A_4  : i32 {
      "tpu.region"() ({
        %run_scoped3A = tpu.sem_alloc : memref<!tpu.dma_semaphore, #tpu.memory_space<semaphore_mem>>
        %dma_start3A_16 = arith.constant 0 : i32
        %dma_start3A_17 = tpu.memref_slice %arg3[%add3A, %scan3A_6, %dma_start3A_16] : memref<32x40x128xi32, #tpu.memory_space<hbm>> -> memref<1x1x128xi32, #tpu.memory_space<hbm>>
        %dma_start3A_18 = tpu.memref_squeeze %dma_start3A_17 : memref<1x1x128xi32, #tpu.memory_space<hbm>> -> memref<128xi32, #tpu.memory_space<hbm>>
        %dma_start3A_19 = arith.constant 0 : i32
        %dma_start3A_20 = tpu.memref_slice %arg3[%add3A, %scan3A_6, %dma_start3A_19] : memref<32x40x128xi32, #tpu.memory_space<hbm>> -> memref<1x1x128xi32, #tpu.memory_space<hbm>>
        %dma_start3A_21 = tpu.memref_squeeze %dma_start3A_20 : memref<1x1x128xi32, #tpu.memory_space<hbm>> -> memref<128xi32, #tpu.memory_space<hbm>>
        tpu.enqueue_dma source(%dma_start3A_21 : memref<128xi32, #tpu.memory_space<hbm>>) target(%arg5 : memref<128xi32, #tpu.memory_space<vmem>>) target_semaphore(%run_scoped3A : memref<!tpu.dma_semaphore, #tpu.memory_space<semaphore_mem>>)
        %dma_wait3A_22 = arith.constant 0 : i32
        %dma_wait3A_23 = tpu.memref_slice %arg3[%add3A, %scan3A_6, %dma_wait3A_22] : memref<32x40x128xi32, #tpu.memory_space<hbm>> -> memref<1x1x128xi32, #tpu.memory_space<hbm>>
        %dma_wait3A_24 = tpu.memref_squeeze %dma_wait3A_23 : memref<1x1x128xi32, #tpu.memory_space<hbm>> -> memref<128xi32, #tpu.memory_space<hbm>>
        %dma_wait3A_25 = arith.constant 0 : i32
        %dma_wait3A_26 = tpu.memref_slice %arg3[%add3A, %scan3A_6, %dma_wait3A_25] : memref<32x40x128xi32, #tpu.memory_space<hbm>> -> memref<1x1x128xi32, #tpu.memory_space<hbm>>
        %dma_wait3A_27 = tpu.memref_squeeze %dma_wait3A_26 : memref<1x1x128xi32, #tpu.memory_space<hbm>> -> memref<128xi32, #tpu.memory_space<hbm>>
        tpu.wait_dma2 semaphore(%run_scoped3A : memref<!tpu.dma_semaphore, #tpu.memory_space<semaphore_mem>>) src(%dma_wait3A_27 : memref<128xi32, #tpu.memory_space<hbm>>) dst(%arg5 : memref<128xi32, #tpu.memory_space<vmem>>)
        tpu.yield
      }) : () -> ()
      %dma_start3A = arith.constant 0 : i32
      %dma_start3A_7 = arith.constant 0 : i32
      %dma_start3A_8 = tpu.memref_slice %arg2[%dma_start3A, %dma_start3A_7] : memref<8192x128xf32, #tpu.memory_space<hbm>> -> memref<8192x128xf32, #tpu.memory_space<hbm>>
      tpu.enqueue_indirect_dma source(%dma_start3A_8 : memref<8192x128xf32, #tpu.memory_space<hbm>>) target(%arg6 : memref<128x128xf32, #tpu.memory_space<vmem>>) offsets(%arg5 : memref<128xi32, #tpu.memory_space<vmem>>) semaphore(%arg7 : memref<!tpu.dma_semaphore, #tpu.memory_space<semaphore_mem>>)
      %dma_wait3A = arith.constant 0 : i32
      %dma_wait3A_9 = arith.constant 0 : i32
      %dma_wait3A_10 = tpu.memref_slice %arg2[%dma_wait3A, %dma_wait3A_9] : memref<8192x128xf32, #tpu.memory_space<hbm>> -> memref<8192x128xf32, #tpu.memory_space<hbm>>
      tpu.wait_indirect_dma semaphore(%arg7 : memref<!tpu.dma_semaphore, #tpu.memory_space<semaphore_mem>>) src(%dma_wait3A_10 : memref<8192x128xf32, #tpu.memory_space<hbm>>) dst(%arg6 : memref<128x128xf32, #tpu.memory_space<vmem>>)
      %mul3A_11 = arith.constant 40 : i32
      %mul3A_12 = arith.muli %add3A, %mul3A_11 : i32
      %add3A_13 = arith.addi %mul3A_12, %scan3A_6 : i32
      %mul3A_14 = arith.constant 128 : i32
      %mul3A_15 = arith.muli %add3A_13, %mul3A_14 : i32
      "tpu.region"() ({
        %run_scoped3A = tpu.sem_alloc : memref<!tpu.dma_semaphore, #tpu.memory_space<semaphore_mem>>
        %dma_start3A_16 = arith.constant 0 : i32
        %dma_start3A_17 = tpu.memref_slice %arg4[%mul3A_15, %dma_start3A_16] : memref<163840x128xf32, #tpu.memory_space<hbm>> -> memref<128x128xf32, #tpu.memory_space<hbm>>
        %dma_start3A_18 = arith.constant 0 : i32
        %dma_start3A_19 = tpu.memref_slice %arg4[%mul3A_15, %dma_start3A_18] : memref<163840x128xf32, #tpu.memory_space<hbm>> -> memref<128x128xf32, #tpu.memory_space<hbm>>
        tpu.enqueue_dma source(%arg6 : memref<128x128xf32, #tpu.memory_space<vmem>>) target(%dma_start3A_19 : memref<128x128xf32, #tpu.memory_space<hbm>>) target_semaphore(%run_scoped3A : memref<!tpu.dma_semaphore, #tpu.memory_space<semaphore_mem>>)
        %dma_wait3A_20 = arith.constant 0 : i32
        %dma_wait3A_21 = tpu.memref_slice %arg4[%mul3A_15, %dma_wait3A_20] : memref<163840x128xf32, #tpu.memory_space<hbm>> -> memref<128x128xf32, #tpu.memory_space<hbm>>
        %dma_wait3A_22 = arith.constant 0 : i32
        %dma_wait3A_23 = tpu.memref_slice %arg4[%mul3A_15, %dma_wait3A_22] : memref<163840x128xf32, #tpu.memory_space<hbm>> -> memref<128x128xf32, #tpu.memory_space<hbm>>
        tpu.wait_dma2 semaphore(%run_scoped3A : memref<!tpu.dma_semaphore, #tpu.memory_space<semaphore_mem>>) src(%arg6 : memref<128x128xf32, #tpu.memory_space<vmem>>) dst(%dma_wait3A_23 : memref<128x128xf32, #tpu.memory_space<hbm>>)
        tpu.yield
      }) : () -> ()
    }
    %scan3A_5 = arith.constant 40 : i32
    return
  }
}

#map = affine_map<(d0, d1) -> (0, 0)>
#map1 = affine_map<(d0, d1) -> (0, 0, 0)>
module attributes {stable_mosaic.version = 14 : i64} {
  func.func @k(%arg0: i32, %arg1: i32, %arg2: memref<8192x128xf32, #tpu.memory_space<hbm>>, %arg3: memref<32x40x128xi32, #tpu.memory_space<hbm>>, %arg4: memref<163840x128xf32, #tpu.memory_space<hbm>>, %arg5: memref<128xi32, #tpu.memory_space<vmem>>, %arg6: memref<128x128xf32, #tpu.memory_space<vmem>>, %arg7: memref<!tpu.dma_semaphore, #tpu.memory_space<semaphore_mem>>) attributes {dimension_semantics = [#tpu.dimension_semantics<core_parallel>, #tpu.dimension_semantics<subcore_parallel>], iteration_bounds = array<i64: 2, 16>, scalar_prefetch = 0 : i64, scratch_operands = 3 : i64, tpu.core_type = #tpu.core_type<sc_vector_subcore>, window_params = [{transform_indices = #map}, {transform_indices = #map1}, {transform_indices = #map}]} {
    %mul3A = arith.constant 2 : i32
    %mul3A_0 = arith.muli %arg1, %mul3A : i32
    %add3A = arith.addi %mul3A_0, %arg0 : i32
    %scan3A = arith.constant 0 : i32
    %scan3A_1 = arith.constant 0 : i32
    %scan3A_2 = arith.constant 40 : i32
    %scan3A_3 = arith.addi %scan3A_1, %scan3A_2 : i32
    %scan3A_4 = arith.constant 1 : i32
    scf.for %scan3A_6 = %scan3A_1 to %scan3A_3 step %scan3A_4  : i32 {
      "tpu.region"() ({
        %run_scoped3A = tpu.sem_alloc : memref<!tpu.dma_semaphore, #tpu.memory_space<semaphore_mem>>
        %dma_start3A_16 = arith.constant 0 : i32
        %dma_start3A_17 = tpu.memref_slice %arg3[%add3A, %scan3A_6, %dma_start3A_16] : memref<32x40x128xi32, #tpu.memory_space<hbm>> -> memref<1x1x128xi32, #tpu.memory_space<hbm>>
        %dma_start3A_18 = tpu.memref_squeeze %dma_start3A_17 : memref<1x1x128xi32, #tpu.memory_space<hbm>> -> memref<128xi32, #tpu.memory_space<hbm>>
        %dma_start3A_19 = arith.constant 0 : i32
        %dma_start3A_20 = tpu.memref_slice %arg3[%add3A, %scan3A_6, %dma_start3A_19] : memref<32x40x128xi32, #tpu.memory_space<hbm>> -> memref<1x1x128xi32, #tpu.memory_space<hbm>>
        %dma_start3A_21 = tpu.memref_squeeze %dma_start3A_20 : memref<1x1x128xi32, #tpu.memory_space<hbm>> -> memref<128xi32, #tpu.memory_space<hbm>>
        tpu.enqueue_dma source(%dma_start3A_21 : memref<128xi32, #tpu.memory_space<hbm>>) target(%arg5 : memref<128xi32, #tpu.memory_space<vmem>>) target_semaphore(%run_scoped3A : memref<!tpu.dma_semaphore, #tpu.memory_space<semaphore_mem>>)
        %dma_wait3A_22 = arith.constant 0 : i32
        %dma_wait3A_23 = tpu.memref_slice %arg3[%add3A, %scan3A_6, %dma_wait3A_22] : memref<32x40x128xi32, #tpu.memory_space<hbm>> -> memref<1x1x128xi32, #tpu.memory_space<hbm>>
        %dma_wait3A_24 = tpu.memref_squeeze %dma_wait3A_23 : memref<1x1x128xi32, #tpu.memory_space<hbm>> -> memref<128xi32, #tpu.memory_space<hbm>>
        %dma_wait3A_25 = arith.constant 0 : i32
        %dma_wait3A_26 = tpu.memref_slice %arg3[%add3A, %scan3A_6, %dma_wait3A_25] : memref<32x40x128xi32, #tpu.memory_space<hbm>> -> memref<1x1x128xi32, #tpu.memory_space<hbm>>
        %dma_wait3A_27 = tpu.memref_squeeze %dma_wait3A_26 : memref<1x1x128xi32, #tpu.memory_space<hbm>> -> memref<128xi32, #tpu.memory_space<hbm>>
        tpu.wait_dma2 semaphore(%run_scoped3A : memref<!tpu.dma_semaphore, #tpu.memory_space<semaphore_mem>>) src(%dma_wait3A_27 : memref<128xi32, #tpu.memory_space<hbm>>) dst(%arg5 : memref<128xi32, #tpu.memory_space<vmem>>)
        tpu.yield
      }) : () -> ()
      %dma_start3A = arith.constant 0 : i32
      %dma_start3A_7 = arith.constant 0 : i32
      %dma_start3A_8 = tpu.memref_slice %arg2[%dma_start3A, %dma_start3A_7] : memref<8192x128xf32, #tpu.memory_space<hbm>> -> memref<8192x128xf32, #tpu.memory_space<hbm>>
      tpu.enqueue_indirect_dma source(%dma_start3A_8 : memref<8192x128xf32, #tpu.memory_space<hbm>>) target(%arg6 : memref<128x128xf32, #tpu.memory_space<vmem>>) offsets(%arg5 : memref<128xi32, #tpu.memory_space<vmem>>) semaphore(%arg7 : memref<!tpu.dma_semaphore, #tpu.memory_space<semaphore_mem>>)
      %dma_wait3A = arith.constant 0 : i32
      %dma_wait3A_9 = arith.constant 0 : i32
      %dma_wait3A_10 = tpu.memref_slice %arg2[%dma_wait3A, %dma_wait3A_9] : memref<8192x128xf32, #tpu.memory_space<hbm>> -> memref<8192x128xf32, #tpu.memory_space<hbm>>
      tpu.wait_indirect_dma semaphore(%arg7 : memref<!tpu.dma_semaphore, #tpu.memory_space<semaphore_mem>>) src(%dma_wait3A_10 : memref<8192x128xf32, #tpu.memory_space<hbm>>) dst(%arg6 : memref<128x128xf32, #tpu.memory_space<vmem>>)
      %mul3A_11 = arith.constant 40 : i32
      %mul3A_12 = arith.muli %add3A, %mul3A_11 : i32
      %add3A_13 = arith.addi %mul3A_12, %scan3A_6 : i32
      %mul3A_14 = arith.constant 128 : i32
      %mul3A_15 = arith.muli %add3A_13, %mul3A_14 : i32
      "tpu.region"() ({
        %run_scoped3A = tpu.sem_alloc : memref<!tpu.dma_semaphore, #tpu.memory_space<semaphore_mem>>
        %dma_start3A_16 = arith.constant 0 : i32
        %dma_start3A_17 = tpu.memref_slice %arg4[%mul3A_15, %dma_start3A_16] : memref<163840x128xf32, #tpu.memory_space<hbm>> -> memref<128x128xf32, #tpu.memory_space<hbm>>
        %dma_start3A_18 = arith.constant 0 : i32
        %dma_start3A_19 = tpu.memref_slice %arg4[%mul3A_15, %dma_start3A_18] : memref<163840x128xf32, #tpu.memory_space<hbm>> -> memref<128x128xf32, #tpu.memory_space<hbm>>
        tpu.enqueue_dma source(%arg6 : memref<128x128xf32, #tpu.memory_space<vmem>>) target(%dma_start3A_19 : memref<128x128xf32, #tpu.memory_space<hbm>>) target_semaphore(%run_scoped3A : memref<!tpu.dma_semaphore, #tpu.memory_space<semaphore_mem>>)
        %dma_wait3A_20 = arith.constant 0 : i32
        %dma_wait3A_21 = tpu.memref_slice %arg4[%mul3A_15, %dma_wait3A_20] : memref<163840x128xf32, #tpu.memory_space<hbm>> -> memref<128x128xf32, #tpu.memory_space<hbm>>
        %dma_wait3A_22 = arith.constant 0 : i32
        %dma_wait3A_23 = tpu.memref_slice %arg4[%mul3A_15, %dma_wait3A_22] : memref<163840x128xf32, #tpu.memory_space<hbm>> -> memref<128x128xf32, #tpu.memory_space<hbm>>
        tpu.wait_dma2 semaphore(%run_scoped3A : memref<!tpu.dma_semaphore, #tpu.memory_space<semaphore_mem>>) src(%arg6 : memref<128x128xf32, #tpu.memory_space<vmem>>) dst(%dma_wait3A_23 : memref<128x128xf32, #tpu.memory_space<hbm>>)
        tpu.yield
      }) : () -> ()
    }
    %scan3A_5 = arith.constant 40 : i32
    return
  }
}

#map = affine_map<(d0, d1) -> (0, 0)>
#map1 = affine_map<(d0, d1) -> (0, 0, 0)>
module attributes {stable_mosaic.version = 14 : i64} {
  func.func @k(%arg0: i32, %arg1: i32, %arg2: memref<8192x128xf32, #tpu.memory_space<hbm>>, %arg3: memref<32x40x128xi32, #tpu.memory_space<hbm>>, %arg4: memref<163840x128xf32, #tpu.memory_space<hbm>>, %arg5: memref<128xi32, #tpu.memory_space<vmem>>, %arg6: memref<128x128xf32, #tpu.memory_space<vmem>>, %arg7: memref<!tpu.dma_semaphore, #tpu.memory_space<semaphore_mem>>) attributes {dimension_semantics = [#tpu.dimension_semantics<core_parallel>, #tpu.dimension_semantics<subcore_parallel>], iteration_bounds = array<i64: 2, 16>, scalar_prefetch = 0 : i64, scratch_operands = 3 : i64, tpu.core_type = #tpu.core_type<sc_vector_subcore>, window_params = [{transform_indices = #map}, {transform_indices = #map1}, {transform_indices = #map}]} {
    %mul3A = arith.constant 2 : i32
    %mul3A_0 = arith.muli %arg1, %mul3A : i32
    %add3A = arith.addi %mul3A_0, %arg0 : i32
    %scan3A = arith.constant 0 : i32
    %scan3A_1 = arith.constant 0 : i32
    %scan3A_2 = arith.constant 40 : i32
    %scan3A_3 = arith.addi %scan3A_1, %scan3A_2 : i32
    %scan3A_4 = arith.constant 1 : i32
    scf.for %scan3A_6 = %scan3A_1 to %scan3A_3 step %scan3A_4  : i32 {
      "tpu.region"() ({
        %run_scoped3A = tpu.sem_alloc : memref<!tpu.dma_semaphore, #tpu.memory_space<semaphore_mem>>
        %dma_start3A_16 = arith.constant 0 : i32
        %dma_start3A_17 = tpu.memref_slice %arg3[%add3A, %scan3A_6, %dma_start3A_16] : memref<32x40x128xi32, #tpu.memory_space<hbm>> -> memref<1x1x128xi32, #tpu.memory_space<hbm>>
        %dma_start3A_18 = tpu.memref_squeeze %dma_start3A_17 : memref<1x1x128xi32, #tpu.memory_space<hbm>> -> memref<128xi32, #tpu.memory_space<hbm>>
        %dma_start3A_19 = arith.constant 0 : i32
        %dma_start3A_20 = tpu.memref_slice %arg3[%add3A, %scan3A_6, %dma_start3A_19] : memref<32x40x128xi32, #tpu.memory_space<hbm>> -> memref<1x1x128xi32, #tpu.memory_space<hbm>>
        %dma_start3A_21 = tpu.memref_squeeze %dma_start3A_20 : memref<1x1x128xi32, #tpu.memory_space<hbm>> -> memref<128xi32, #tpu.memory_space<hbm>>
        tpu.enqueue_dma source(%dma_start3A_21 : memref<128xi32, #tpu.memory_space<hbm>>) target(%arg5 : memref<128xi32, #tpu.memory_space<vmem>>) target_semaphore(%run_scoped3A : memref<!tpu.dma_semaphore, #tpu.memory_space<semaphore_mem>>)
        %dma_wait3A_22 = arith.constant 0 : i32
        %dma_wait3A_23 = tpu.memref_slice %arg3[%add3A, %scan3A_6, %dma_wait3A_22] : memref<32x40x128xi32, #tpu.memory_space<hbm>> -> memref<1x1x128xi32, #tpu.memory_space<hbm>>
        %dma_wait3A_24 = tpu.memref_squeeze %dma_wait3A_23 : memref<1x1x128xi32, #tpu.memory_space<hbm>> -> memref<128xi32, #tpu.memory_space<hbm>>
        %dma_wait3A_25 = arith.constant 0 : i32
        %dma_wait3A_26 = tpu.memref_slice %arg3[%add3A, %scan3A_6, %dma_wait3A_25] : memref<32x40x128xi32, #tpu.memory_space<hbm>> -> memref<1x1x128xi32, #tpu.memory_space<hbm>>
        %dma_wait3A_27 = tpu.memref_squeeze %dma_wait3A_26 : memref<1x1x128xi32, #tpu.memory_space<hbm>> -> memref<128xi32, #tpu.memory_space<hbm>>
        tpu.wait_dma2 semaphore(%run_scoped3A : memref<!tpu.dma_semaphore, #tpu.memory_space<semaphore_mem>>) src(%dma_wait3A_27 : memref<128xi32, #tpu.memory_space<hbm>>) dst(%arg5 : memref<128xi32, #tpu.memory_space<vmem>>)
        tpu.yield
      }) : () -> ()
      %dma_start3A = arith.constant 0 : i32
      %dma_start3A_7 = arith.constant 0 : i32
      %dma_start3A_8 = tpu.memref_slice %arg2[%dma_start3A, %dma_start3A_7] : memref<8192x128xf32, #tpu.memory_space<hbm>> -> memref<8192x128xf32, #tpu.memory_space<hbm>>
      tpu.enqueue_indirect_dma source(%dma_start3A_8 : memref<8192x128xf32, #tpu.memory_space<hbm>>) target(%arg6 : memref<128x128xf32, #tpu.memory_space<vmem>>) offsets(%arg5 : memref<128xi32, #tpu.memory_space<vmem>>) semaphore(%arg7 : memref<!tpu.dma_semaphore, #tpu.memory_space<semaphore_mem>>)
      %dma_wait3A = arith.constant 0 : i32
      %dma_wait3A_9 = arith.constant 0 : i32
      %dma_wait3A_10 = tpu.memref_slice %arg2[%dma_wait3A, %dma_wait3A_9] : memref<8192x128xf32, #tpu.memory_space<hbm>> -> memref<8192x128xf32, #tpu.memory_space<hbm>>
      tpu.wait_indirect_dma semaphore(%arg7 : memref<!tpu.dma_semaphore, #tpu.memory_space<semaphore_mem>>) src(%dma_wait3A_10 : memref<8192x128xf32, #tpu.memory_space<hbm>>) dst(%arg6 : memref<128x128xf32, #tpu.memory_space<vmem>>)
      %mul3A_11 = arith.constant 40 : i32
      %mul3A_12 = arith.muli %add3A, %mul3A_11 : i32
      %add3A_13 = arith.addi %mul3A_12, %scan3A_6 : i32
      %mul3A_14 = arith.constant 128 : i32
      %mul3A_15 = arith.muli %add3A_13, %mul3A_14 : i32
      "tpu.region"() ({
        %run_scoped3A = tpu.sem_alloc : memref<!tpu.dma_semaphore, #tpu.memory_space<semaphore_mem>>
        %dma_start3A_16 = arith.constant 0 : i32
        %dma_start3A_17 = tpu.memref_slice %arg4[%mul3A_15, %dma_start3A_16] : memref<163840x128xf32, #tpu.memory_space<hbm>> -> memref<128x128xf32, #tpu.memory_space<hbm>>
        %dma_start3A_18 = arith.constant 0 : i32
        %dma_start3A_19 = tpu.memref_slice %arg4[%mul3A_15, %dma_start3A_18] : memref<163840x128xf32, #tpu.memory_space<hbm>> -> memref<128x128xf32, #tpu.memory_space<hbm>>
        tpu.enqueue_dma source(%arg6 : memref<128x128xf32, #tpu.memory_space<vmem>>) target(%dma_start3A_19 : memref<128x128xf32, #tpu.memory_space<hbm>>) target_semaphore(%run_scoped3A : memref<!tpu.dma_semaphore, #tpu.memory_space<semaphore_mem>>)
        %dma_wait3A_20 = arith.constant 0 : i32
        %dma_wait3A_21 = tpu.memref_slice %arg4[%mul3A_15, %dma_wait3A_20] : memref<163840x128xf32, #tpu.memory_space<hbm>> -> memref<128x128xf32, #tpu.memory_space<hbm>>
        %dma_wait3A_22 = arith.constant 0 : i32
        %dma_wait3A_23 = tpu.memref_slice %arg4[%mul3A_15, %dma_wait3A_22] : memref<163840x128xf32, #tpu.memory_space<hbm>> -> memref<128x128xf32, #tpu.memory_space<hbm>>
        tpu.wait_dma2 semaphore(%run_scoped3A : memref<!tpu.dma_semaphore, #tpu.memory_space<semaphore_mem>>) src(%arg6 : memref<128x128xf32, #tpu.memory_space<vmem>>) dst(%dma_wait3A_23 : memref<128x128xf32, #tpu.memory_space<hbm>>)
        tpu.yield
      }) : () -> ()
    }
    %scan3A_5 = arith.constant 40 : i32
    return
  }
}

module attributes {stable_mosaic.version = 14 : i64} {
  func.func @_knn_body(%arg0: i32, %arg1: i32, %arg2: memref<1x256x8xf32, #tpu.memory_space<vmem>>, %arg3: memref<1x8x1024xf32, #tpu.memory_space<vmem>>, %arg4: memref<1x256x1xf32, #tpu.memory_space<vmem>>, %arg5: memref<1x1x1024xf32, #tpu.memory_space<vmem>>, %arg6: memref<1x256x20xi32, #tpu.memory_space<vmem>>) attributes {dimension_semantics = [#tpu.dimension_semantics<arbitrary>, #tpu.dimension_semantics<arbitrary>], iteration_bounds = array<i64: 8, 4>, scalar_prefetch = 0 : i64, scratch_operands = 0 : i64, tpu.core_type = #tpu.core_type<tc>, window_params = [{transform_indices = @transform_0, window_bounds = array<i64: 1, 256, 8>}, {transform_indices = @transform_1, window_bounds = array<i64: 1, 8, 1024>}, {transform_indices = @transform_2, window_bounds = array<i64: 1, 256, 1>}, {transform_indices = @transform_3, window_bounds = array<i64: 1, 1, 1024>}, {transform_indices = @transform_4, window_bounds = array<i64: 1, 256, 20>}]} {
    %get3A = arith.constant 0 : index
    %get3A_0 = arith.constant 0 : index
    %get3A_1 = arith.constant 0 : index
    %get3A_2 = vector.load %arg2[%get3A, %get3A_0, %get3A_1] : memref<1x256x8xf32, #tpu.memory_space<vmem>>, vector<1x256x8xf32>
    %get3A_3 = vector.shape_cast %get3A_2 : vector<1x256x8xf32> to vector<256x8xf32>
    %get3A_4 = arith.constant 0 : index
    %get3A_5 = arith.constant 0 : index
    %get3A_6 = arith.constant 0 : index
    %get3A_7 = vector.load %arg3[%get3A_4, %get3A_5, %get3A_6] : memref<1x8x1024xf32, #tpu.memory_space<vmem>>, vector<1x8x1024xf32>
    %get3A_8 = vector.shape_cast %get3A_7 : vector<1x8x1024xf32> to vector<8x1024xf32>
    %dot_general3A = arith.constant dense<0.000000e+00> : vector<256x1024xf32>
    %dot_general3A_9 = tpu.matmul %get3A_3, %get3A_8, %dot_general3A {dimension_numbers = #tpu.dot_dimension_numbers<[1], [0], [0], [1], [0, 0, 1, 1], [], []>, transpose_lhs_hint = false} : vector<256x8xf32>, vector<8x1024xf32>, vector<256x1024xf32> -> vector<256x1024xf32>
    %get3A_10 = arith.constant 0 : index
    %get3A_11 = arith.constant 0 : index
    %get3A_12 = arith.constant 0 : index
    %get3A_13 = vector.load %arg5[%get3A_10, %get3A_11, %get3A_12] : memref<1x1x1024xf32, #tpu.memory_space<vmem>>, vector<1x1x1024xf32>
    %get3A_14 = vector.shape_cast %get3A_13 : vector<1x1x1024xf32> to vector<1x1024xf32>
    %get3A_15 = arith.constant 0 : index
    %get3A_16 = arith.constant 0 : index
    %get3A_17 = arith.constant 0 : index
    %get3A_18 = vector.load %arg4[%get3A_15, %get3A_16, %get3A_17] : memref<1x256x1xf32, #tpu.memory_space<vmem>>, vector<1x256x1xf32>
    %get3A_19 = vector.shape_cast %get3A_18 : vector<1x256x1xf32> to vector<256x1xf32>
    %mul3A = arith.constant 2.000000e+00 : f32
    %mul3A_20 = vector.broadcast %mul3A : f32 to vector<256x1024xf32>
    %mul3A_21 = arith.mulf %mul3A_20, %dot_general3A_9 : vector<256x1024xf32>
    %sub3A = vector.broadcast %get3A_19 : vector<256x1xf32> to vector<256x1024xf32>
    %sub3A_22 = arith.subf %mul3A_21, %sub3A : vector<256x1024xf32>
    %sub3A_23 = vector.broadcast %get3A_14 : vector<1x1024xf32> to vector<256x1024xf32>
    %sub3A_24 = arith.subf %sub3A_22, %sub3A_23 : vector<256x1024xf32>
    %iota3A = tpu.iota {dimensions = array<i32: 1>} : vector<256x1024xi32>
    %iota3A_25 = tpu.iota {dimensions = array<i32: 1>} : vector<256x20xi32>
    %broadcast_in_dim3A = arith.constant 0 : i32
    %broadcast_in_dim3A_26 = vector.broadcast %broadcast_in_dim3A : i32 to vector<256x20xi32>
    %scan3A = arith.constant 0 : i32
    %scan3A_27 = arith.constant 20 : i32
    %scan3A_28 = arith.addi %scan3A, %scan3A_27 : i32
    %scan3A_29 = arith.constant 1 : i32
    %scan3A_30:2 = scf.for %scan3A_40 = %scan3A to %scan3A_28 step %scan3A_29 iter_args(%scan3A_41 = %sub3A_24, %scan3A_42 = %broadcast_in_dim3A_26) -> (vector<256x1024xf32>, vector<256x20xi32>)  : i32 {
      %reduce_max3A = arith.constant dense<0xFF800000> : vector<256xf32>
      %reduce_max3A_43 = vector.multi_reduction <maximumf>, %scan3A_41, %reduce_max3A [1] : vector<256x1024xf32> to vector<256xf32>
      %broadcast_in_dim3A_44 = vector.shape_cast %reduce_max3A_43 : vector<256xf32> to vector<256x1xf32>
      %ge3A = vector.broadcast %broadcast_in_dim3A_44 : vector<256x1xf32> to vector<256x1024xf32>
      %ge3A_45 = arith.cmpf oge, %scan3A_41, %ge3A : vector<256x1024xf32>
      %jit3A = arith.constant 1024 : i32
      %broadcast_in_dim3A_46 = vector.broadcast %jit3A : i32 to vector<256x1024xi32>
      %select_n3A = arith.select %ge3A_45, %iota3A, %broadcast_in_dim3A_46 : vector<256x1024xi1>, vector<256x1024xi32>
      %reduce_min3A = arith.constant dense<2147483647> : vector<256xi32>
      %reduce_min3A_47 = vector.multi_reduction <minsi>, %select_n3A, %reduce_min3A [1] : vector<256x1024xi32> to vector<256xi32>
      %broadcast_in_dim3A_48 = vector.shape_cast %reduce_min3A_47 : vector<256xi32> to vector<256x1xi32>
      %eq3A = vector.broadcast %scan3A_40 : i32 to vector<256x20xi32>
      %eq3A_49 = arith.cmpi eq, %iota3A_25, %eq3A : vector<256x20xi32>
      %broadcast_in_dim3A_50 = vector.shape_cast %broadcast_in_dim3A_48 : vector<256x1xi32> to vector<256x1xi32>
      %broadcast_in_dim3A_51 = vector.broadcast %broadcast_in_dim3A_50 : vector<256x1xi32> to vector<256x20xi32>
      %select_n3A_52 = arith.select %eq3A_49, %broadcast_in_dim3A_51, %scan3A_42 : vector<256x20xi1>, vector<256x20xi32>
      %eq3A_53 = vector.broadcast %broadcast_in_dim3A_48 : vector<256x1xi32> to vector<256x1024xi32>
      %eq3A_54 = arith.cmpi eq, %iota3A, %eq3A_53 : vector<256x1024xi32>
      %jit3A_55 = arith.constant -3.000000e+38 : f32
      %broadcast_in_dim3A_56 = vector.broadcast %jit3A_55 : f32 to vector<256x1024xf32>
      %select_n3A_57 = arith.select %eq3A_54, %broadcast_in_dim3A_56, %scan3A_41 : vector<256x1024xi1>, vector<256x1024xf32>
      scf.yield %select_n3A_57, %select_n3A_52 : vector<256x1024xf32>, vector<256x20xi32>
    }
    %scan3A_31 = arith.constant 20 : i32
    %mul3A_32 = arith.constant 1024 : i32
    %mul3A_33 = arith.muli %arg0, %mul3A_32 : i32
    %add3A = vector.broadcast %mul3A_33 : i32 to vector<256x20xi32>
    %add3A_34 = arith.addi %scan3A_30#1, %add3A : vector<256x20xi32>
    %swap3A = arith.constant 0 : index
    %swap3A_35 = arith.constant 0 : index
    %swap3A_36 = arith.constant 0 : index
    %swap3A_37 = vector.load %arg6[%swap3A, %swap3A_35, %swap3A_36] : memref<1x256x20xi32, #tpu.memory_space<vmem>>, vector<1x256x20xi32>
    %swap3A_38 = vector.shape_cast %swap3A_37 : vector<1x256x20xi32> to vector<256x20xi32>
    %swap3A_39 = vector.shape_cast %add3A_34 : vector<256x20xi32> to vector<1x256x20xi32>
    tpu.vector_store %arg6[%swap3A, %swap3A_35, %swap3A_36], %swap3A_39 {strides = array<i32>} : memref<1x256x20xi32, #tpu.memory_space<vmem>>, vector<1x256x20xi32>,
    return
  }
  func.func @transform_0(%arg0: i32, %arg1: i32) -> (i32, i32, i32) {
    %c0_i32 = arith.constant 0 : i32
    %c0_i32_0 = arith.constant 0 : i32
    return %arg0, %arg1, %c0_i32 : i32, i32, i32
  }
  func.func @transform_1(%arg0: i32, %arg1: i32) -> (i32, i32, i32) {
    %c0_i32 = arith.constant 0 : i32
    %c0_i32_0 = arith.constant 0 : i32
    %c0_i32_1 = arith.constant 0 : i32
    return %arg0, %c0_i32, %c0_i32_0 : i32, i32, i32
  }
  func.func @transform_2(%arg0: i32, %arg1: i32) -> (i32, i32, i32) {
    %c0_i32 = arith.constant 0 : i32
    %c0_i32_0 = arith.constant 0 : i32
    return %arg0, %arg1, %c0_i32 : i32, i32, i32
  }
  func.func @transform_3(%arg0: i32, %arg1: i32) -> (i32, i32, i32) {
    %c0_i32 = arith.constant 0 : i32
    %c0_i32_0 = arith.constant 0 : i32
    %c0_i32_1 = arith.constant 0 : i32
    return %arg0, %c0_i32, %c0_i32_0 : i32, i32, i32
  }
  func.func @transform_4(%arg0: i32, %arg1: i32) -> (i32, i32, i32) {
    %c0_i32 = arith.constant 0 : i32
    %c0_i32_0 = arith.constant 0 : i32
    return %arg0, %arg1, %c0_i32 : i32, i32, i32
  }
}

module attributes {stable_mosaic.version = 14 : i64} {
  func.func @_passA_body(%arg0: i32, %arg1: i32, %arg2: memref<1x2560x128xf32, #tpu.memory_space<vmem>>, %arg3: memref<1x128x128xf32, #tpu.memory_space<vmem>>, %arg4: memref<21x2xf32, #tpu.memory_space<vmem>>, %arg5: memref<1x21x2560xf32, #tpu.memory_space<vmem>>) attributes {dimension_semantics = [#tpu.dimension_semantics<arbitrary>, #tpu.dimension_semantics<arbitrary>], iteration_bounds = array<i64: 8, 8>, scalar_prefetch = 0 : i64, scratch_operands = 0 : i64, tpu.core_type = #tpu.core_type<tc>, window_params = [{transform_indices = @transform_0, window_bounds = array<i64: 1, 2560, 128>}, {transform_indices = @transform_1, window_bounds = array<i64: 1, 128, 128>}, {pipeline_mode = #tpu.pipeline_mode<synchronous>, transform_indices = @transform_2, window_bounds = array<i64: 21, 2>}, {transform_indices = @transform_3, window_bounds = array<i64: 1, 21, 2560>}]} {
    %get3A = arith.constant 0 : index
    %get3A_0 = arith.constant 0 : index
    %get3A_1 = arith.constant 0 : index
    %get3A_2 = vector.load %arg2[%get3A, %get3A_0, %get3A_1] : memref<1x2560x128xf32, #tpu.memory_space<vmem>>, vector<1x2560x128xf32>
    %get3A_3 = vector.shape_cast %get3A_2 : vector<1x2560x128xf32> to vector<2560x128xf32>
    %transpose3A = tpu.transpose %get3A_3, [1, 0] : vector<2560x128xf32> -> vector<128x2560xf32>
    %get3A_4 = arith.constant 0 : index
    %get3A_5 = arith.constant 0 : index
    %get3A_6 = arith.constant 0 : index
    %get3A_7 = vector.load %arg3[%get3A_4, %get3A_5, %get3A_6] : memref<1x128x128xf32, #tpu.memory_space<vmem>>, vector<1x128x128xf32>
    %get3A_8 = vector.shape_cast %get3A_7 : vector<1x128x128xf32> to vector<128x128xf32>
    %transpose3A_9 = tpu.transpose %get3A_8, [1, 0] : vector<128x128xf32> -> vector<128x128xf32>
    %get3A_10 = arith.constant 0 : index
    %get3A_11 = arith.constant 0 : index
    %get3A_12 = vector.load %arg4[%get3A_10, %get3A_11] : memref<21x2xf32, #tpu.memory_space<vmem>>, vector<21x2xf32>
    %slice3A = vector.extract_strided_slice %transpose3A {offsets = [0, 0], sizes = [1, 2560], strides = [1, 1]} : vector<128x2560xf32> to vector<1x2560xf32>
    %slice3A_13 = vector.extract_strided_slice %transpose3A_9 {offsets = [0, 0], sizes = [1, 128], strides = [1, 1]} : vector<128x128xf32> to vector<1x128xf32>
    %broadcast_in_dim3A = vector.shape_cast %slice3A_13 : vector<1x128xf32> to vector<1x128x1xf32>
    %broadcast_in_dim3A_14 = vector.shape_cast %broadcast_in_dim3A : vector<1x128x1xf32> to vector<1x128x1xf32>
    %broadcast_in_dim3A_15 = vector.broadcast %broadcast_in_dim3A_14 : vector<1x128x1xf32> to vector<1x128x20xf32>
    %reshape3A = vector.shape_cast %broadcast_in_dim3A_15 : vector<1x128x20xf32> to vector<1x2560xf32>
    %sub3A = arith.subf %slice3A, %reshape3A : vector<1x2560xf32>
    %concatenate3A = tpu.concatenate %sub3A, %reshape3A in 0 : vector<1x2560xf32>, vector<1x2560xf32> -> vector<2x2560xf32>
    %dot_general3A = arith.constant dense<0.000000e+00> : vector<21x2560xf32>
    %dot_general3A_16 = tpu.matmul %get3A_12, %concatenate3A, %dot_general3A {dimension_numbers = #tpu.dot_dimension_numbers<[1], [0], [0], [1], [0, 0, 1, 1], [], []>, transpose_lhs_hint = false} : vector<21x2xf32>, vector<2x2560xf32>, vector<21x2560xf32> -> vector<21x2560xf32>
    %slice3A_17 = vector.extract_strided_slice %transpose3A {offsets = [1, 0], sizes = [1, 2560], strides = [1, 1]} : vector<128x2560xf32> to vector<1x2560xf32>
    %slice3A_18 = vector.extract_strided_slice %transpose3A_9 {offsets = [1, 0], sizes = [1, 128], strides = [1, 1]} : vector<128x128xf32> to vector<1x128xf32>
    %broadcast_in_dim3A_19 = vector.shape_cast %slice3A_18 : vector<1x128xf32> to vector<1x128x1xf32>
    %broadcast_in_dim3A_20 = vector.shape_cast %broadcast_in_dim3A_19 : vector<1x128x1xf32> to vector<1x128x1xf32>
    %broadcast_in_dim3A_21 = vector.broadcast %broadcast_in_dim3A_20 : vector<1x128x1xf32> to vector<1x128x20xf32>
    %reshape3A_22 = vector.shape_cast %broadcast_in_dim3A_21 : vector<1x128x20xf32> to vector<1x2560xf32>
    %sub3A_23 = arith.subf %slice3A_17, %reshape3A_22 : vector<1x2560xf32>
    %concatenate3A_24 = tpu.concatenate %sub3A_23, %reshape3A_22 in 0 : vector<1x2560xf32>, vector<1x2560xf32> -> vector<2x2560xf32>
    %dot_general3A_25 = arith.constant dense<0.000000e+00> : vector<21x2560xf32>
    %dot_general3A_26 = tpu.matmul %get3A_12, %concatenate3A_24, %dot_general3A_25 {dimension_numbers = #tpu.dot_dimension_numbers<[1], [0], [0], [1], [0, 0, 1, 1], [], []>, transpose_lhs_hint = false} : vector<21x2xf32>, vector<2x2560xf32>, vector<21x2560xf32> -> vector<21x2560xf32>
    %slice3A_27 = vector.extract_strided_slice %transpose3A {offsets = [2, 0], sizes = [1, 2560], strides = [1, 1]} : vector<128x2560xf32> to vector<1x2560xf32>
    %slice3A_28 = vector.extract_strided_slice %transpose3A_9 {offsets = [2, 0], sizes = [1, 128], strides = [1, 1]} : vector<128x128xf32> to vector<1x128xf32>
    %broadcast_in_dim3A_29 = vector.shape_cast %slice3A_28 : vector<1x128xf32> to vector<1x128x1xf32>
    %broadcast_in_dim3A_30 = vector.shape_cast %broadcast_in_dim3A_29 : vector<1x128x1xf32> to vector<1x128x1xf32>
    %broadcast_in_dim3A_31 = vector.broadcast %broadcast_in_dim3A_30 : vector<1x128x1xf32> to vector<1x128x20xf32>
    %reshape3A_32 = vector.shape_cast %broadcast_in_dim3A_31 : vector<1x128x20xf32> to vector<1x2560xf32>
    %sub3A_33 = arith.subf %slice3A_27, %reshape3A_32 : vector<1x2560xf32>
    %concatenate3A_34 = tpu.concatenate %sub3A_33, %reshape3A_32 in 0 : vector<1x2560xf32>, vector<1x2560xf32> -> vector<2x2560xf32>
    %dot_general3A_35 = arith.constant dense<0.000000e+00> : vector<21x2560xf32>
    %dot_general3A_36 = tpu.matmul %get3A_12, %concatenate3A_34, %dot_general3A_35 {dimension_numbers = #tpu.dot_dimension_numbers<[1], [0], [0], [1], [0, 0, 1, 1], [], []>, transpose_lhs_hint = false} : vector<21x2xf32>, vector<2x2560xf32>, vector<21x2560xf32> -> vector<21x2560xf32>
    %mul3A = arith.mulf %dot_general3A_16, %dot_general3A_16 : vector<21x2560xf32>
    %mul3A_37 = arith.mulf %dot_general3A_26, %dot_general3A_26 : vector<21x2560xf32>
    %add3A = arith.addf %mul3A, %mul3A_37 : vector<21x2560xf32>
    %mul3A_38 = arith.mulf %dot_general3A_36, %dot_general3A_36 : vector<21x2560xf32>
    %add3A_39 = arith.addf %add3A, %mul3A_38 : vector<21x2560xf32>
    %sqrt3A = math.sqrt %add3A_39 : vector<21x2560xf32>
    %add3A_40 = arith.constant 9.99999997E-7 : f32
    %add3A_41 = vector.broadcast %add3A_40 : f32 to vector<21x2560xf32>
    %add3A_42 = arith.addf %sqrt3A, %add3A_41 : vector<21x2560xf32>
    %swap3A = arith.constant 0 : index
    %swap3A_43 = arith.constant 0 : index
    %swap3A_44 = arith.constant 0 : index
    %swap3A_45 = vector.load %arg5[%swap3A, %swap3A_43, %swap3A_44] : memref<1x21x2560xf32, #tpu.memory_space<vmem>>, vector<1x21x2560xf32>
    %swap3A_46 = vector.shape_cast %swap3A_45 : vector<1x21x2560xf32> to vector<21x2560xf32>
    %swap3A_47 = vector.shape_cast %add3A_42 : vector<21x2560xf32> to vector<1x21x2560xf32>
    tpu.vector_store %arg5[%swap3A, %swap3A_43, %swap3A_44], %swap3A_47 {strides = array<i32>} : memref<1x21x2560xf32, #tpu.memory_space<vmem>>, vector<1x21x2560xf32>,
    return
  }
  func.func @transform_0(%arg0: i32, %arg1: i32) -> (i32, i32, i32) {
    %c0_i32 = arith.constant 0 : i32
    %c0_i32_0 = arith.constant 0 : i32
    return %arg0, %arg1, %c0_i32 : i32, i32, i32
  }
  func.func @transform_1(%arg0: i32, %arg1: i32) -> (i32, i32, i32) {
    %c0_i32 = arith.constant 0 : i32
    %c0_i32_0 = arith.constant 0 : i32
    return %arg0, %arg1, %c0_i32 : i32, i32, i32
  }
  func.func @transform_2(%arg0: i32, %arg1: i32) -> (i32, i32) {
    %c0_i32 = arith.constant 0 : i32
    %c0_i32_0 = arith.constant 0 : i32
    %c0_i32_1 = arith.constant 0 : i32
    return %c0_i32, %c0_i32_0 : i32, i32
  }
  func.func @transform_3(%arg0: i32, %arg1: i32) -> (i32, i32, i32) {
    %c0_i32 = arith.constant 0 : i32
    %c0_i32_0 = arith.constant 0 : i32
    return %arg0, %c0_i32, %arg1 : i32, i32, i32
  }
}

module attributes {stable_mosaic.version = 14 : i64} {
  func.func @_passB_body(%arg0: i32, %arg1: i32, %arg2: memref<1x2560x128xf32, #tpu.memory_space<vmem>>, %arg3: memref<1x128x128xf32, #tpu.memory_space<vmem>>, %arg4: memref<21x2xf32, #tpu.memory_space<vmem>>, %arg5: memref<21x2xf32, #tpu.memory_space<vmem>>, %arg6: memref<21x1xf32, #tpu.memory_space<vmem>>, %arg7: memref<21x1xf32, #tpu.memory_space<vmem>>, %arg8: memref<1x21x3x128xf32, #tpu.memory_space<vmem>>) attributes {dimension_semantics = [#tpu.dimension_semantics<arbitrary>, #tpu.dimension_semantics<arbitrary>], iteration_bounds = array<i64: 8, 8>, scalar_prefetch = 0 : i64, scratch_operands = 0 : i64, tpu.core_type = #tpu.core_type<tc>, window_params = [{transform_indices = @transform_0, window_bounds = array<i64: 1, 2560, 128>}, {transform_indices = @transform_1, window_bounds = array<i64: 1, 128, 128>}, {pipeline_mode = #tpu.pipeline_mode<synchronous>, transform_indices = @transform_2, window_bounds = array<i64: 21, 2>}, {pipeline_mode = #tpu.pipeline_mode<synchronous>, transform_indices = @transform_3, window_bounds = array<i64: 21, 2>}, {pipeline_mode = #tpu.pipeline_mode<synchronous>, transform_indices = @transform_4, window_bounds = array<i64: 21, 1>}, {pipeline_mode = #tpu.pipeline_mode<synchronous>, transform_indices = @transform_5, window_bounds = array<i64: 21, 1>}, {transform_indices = @transform_6, window_bounds = array<i64: 1, 21, 3, 128>}]} {
    %get3A = arith.constant 0 : index
    %get3A_0 = arith.constant 0 : index
    %get3A_1 = arith.constant 0 : index
    %get3A_2 = vector.load %arg2[%get3A, %get3A_0, %get3A_1] : memref<1x2560x128xf32, #tpu.memory_space<vmem>>, vector<1x2560x128xf32>
    %get3A_3 = vector.shape_cast %get3A_2 : vector<1x2560x128xf32> to vector<2560x128xf32>
    %transpose3A = tpu.transpose %get3A_3, [1, 0] : vector<2560x128xf32> -> vector<128x2560xf32>
    %get3A_4 = arith.constant 0 : index
    %get3A_5 = arith.constant 0 : index
    %get3A_6 = arith.constant 0 : index
    %get3A_7 = vector.load %arg3[%get3A_4, %get3A_5, %get3A_6] : memref<1x128x128xf32, #tpu.memory_space<vmem>>, vector<1x128x128xf32>
    %get3A_8 = vector.shape_cast %get3A_7 : vector<1x128x128xf32> to vector<128x128xf32>
    %transpose3A_9 = tpu.transpose %get3A_8, [1, 0] : vector<128x128xf32> -> vector<128x128xf32>
    %get3A_10 = arith.constant 0 : index
    %get3A_11 = arith.constant 0 : index
    %get3A_12 = vector.load %arg4[%get3A_10, %get3A_11] : memref<21x2xf32, #tpu.memory_space<vmem>>, vector<21x2xf32>
    %slice3A = vector.extract_strided_slice %transpose3A {offsets = [0, 0], sizes = [1, 2560], strides = [1, 1]} : vector<128x2560xf32> to vector<1x2560xf32>
    %slice3A_13 = vector.extract_strided_slice %transpose3A_9 {offsets = [0, 0], sizes = [1, 128], strides = [1, 1]} : vector<128x128xf32> to vector<1x128xf32>
    %broadcast_in_dim3A = vector.shape_cast %slice3A_13 : vector<1x128xf32> to vector<1x128x1xf32>
    %broadcast_in_dim3A_14 = vector.shape_cast %broadcast_in_dim3A : vector<1x128x1xf32> to vector<1x128x1xf32>
    %broadcast_in_dim3A_15 = vector.broadcast %broadcast_in_dim3A_14 : vector<1x128x1xf32> to vector<1x128x20xf32>
    %reshape3A = vector.shape_cast %broadcast_in_dim3A_15 : vector<1x128x20xf32> to vector<1x2560xf32>
    %sub3A = arith.subf %slice3A, %reshape3A : vector<1x2560xf32>
    %concatenate3A = tpu.concatenate %sub3A, %reshape3A in 0 : vector<1x2560xf32>, vector<1x2560xf32> -> vector<2x2560xf32>
    %dot_general3A = arith.constant dense<0.000000e+00> : vector<21x2560xf32>
    %dot_general3A_16 = tpu.matmul %get3A_12, %concatenate3A, %dot_general3A {dimension_numbers = #tpu.dot_dimension_numbers<[1], [0], [0], [1], [0, 0, 1, 1], [], []>, transpose_lhs_hint = false} : vector<21x2xf32>, vector<2x2560xf32>, vector<21x2560xf32> -> vector<21x2560xf32>
    %slice3A_17 = vector.extract_strided_slice %transpose3A {offsets = [1, 0], sizes = [1, 2560], strides = [1, 1]} : vector<128x2560xf32> to vector<1x2560xf32>
    %slice3A_18 = vector.extract_strided_slice %transpose3A_9 {offsets = [1, 0], sizes = [1, 128], strides = [1, 1]} : vector<128x128xf32> to vector<1x128xf32>
    %broadcast_in_dim3A_19 = vector.shape_cast %slice3A_18 : vector<1x128xf32> to vector<1x128x1xf32>
    %broadcast_in_dim3A_20 = vector.shape_cast %broadcast_in_dim3A_19 : vector<1x128x1xf32> to vector<1x128x1xf32>
    %broadcast_in_dim3A_21 = vector.broadcast %broadcast_in_dim3A_20 : vector<1x128x1xf32> to vector<1x128x20xf32>
    %reshape3A_22 = vector.shape_cast %broadcast_in_dim3A_21 : vector<1x128x20xf32> to vector<1x2560xf32>
    %sub3A_23 = arith.subf %slice3A_17, %reshape3A_22 : vector<1x2560xf32>
    %concatenate3A_24 = tpu.concatenate %sub3A_23, %reshape3A_22 in 0 : vector<1x2560xf32>, vector<1x2560xf32> -> vector<2x2560xf32>
    %dot_general3A_25 = arith.constant dense<0.000000e+00> : vector<21x2560xf32>
    %dot_general3A_26 = tpu.matmul %get3A_12, %concatenate3A_24, %dot_general3A_25 {dimension_numbers = #tpu.dot_dimension_numbers<[1], [0], [0], [1], [0, 0, 1, 1], [], []>, transpose_lhs_hint = false} : vector<21x2xf32>, vector<2x2560xf32>, vector<21x2560xf32> -> vector<21x2560xf32>
    %slice3A_27 = vector.extract_strided_slice %transpose3A {offsets = [2, 0], sizes = [1, 2560], strides = [1, 1]} : vector<128x2560xf32> to vector<1x2560xf32>
    %slice3A_28 = vector.extract_strided_slice %transpose3A_9 {offsets = [2, 0], sizes = [1, 128], strides = [1, 1]} : vector<128x128xf32> to vector<1x128xf32>
    %broadcast_in_dim3A_29 = vector.shape_cast %slice3A_28 : vector<1x128xf32> to vector<1x128x1xf32>
    %broadcast_in_dim3A_30 = vector.shape_cast %broadcast_in_dim3A_29 : vector<1x128x1xf32> to vector<1x128x1xf32>
    %broadcast_in_dim3A_31 = vector.broadcast %broadcast_in_dim3A_30 : vector<1x128x1xf32> to vector<1x128x20xf32>
    %reshape3A_32 = vector.shape_cast %broadcast_in_dim3A_31 : vector<1x128x20xf32> to vector<1x2560xf32>
    %sub3A_33 = arith.subf %slice3A_27, %reshape3A_32 : vector<1x2560xf32>
    %concatenate3A_34 = tpu.concatenate %sub3A_33, %reshape3A_32 in 0 : vector<1x2560xf32>, vector<1x2560xf32> -> vector<2x2560xf32>
    %dot_general3A_35 = arith.constant dense<0.000000e+00> : vector<21x2560xf32>
    %dot_general3A_36 = tpu.matmul %get3A_12, %concatenate3A_34, %dot_general3A_35 {dimension_numbers = #tpu.dot_dimension_numbers<[1], [0], [0], [1], [0, 0, 1, 1], [], []>, transpose_lhs_hint = false} : vector<21x2xf32>, vector<2x2560xf32>, vector<21x2560xf32> -> vector<21x2560xf32>
    %get3A_37 = arith.constant 0 : index
    %get3A_38 = arith.constant 0 : index
    %get3A_39 = vector.load %arg5[%get3A_37, %get3A_38] : memref<21x2xf32, #tpu.memory_space<vmem>>, vector<21x2xf32>
    %slice3A_40 = vector.extract_strided_slice %transpose3A {offsets = [0, 0], sizes = [1, 2560], strides = [1, 1]} : vector<128x2560xf32> to vector<1x2560xf32>
    %slice3A_41 = vector.extract_strided_slice %transpose3A_9 {offsets = [0, 0], sizes = [1, 128], strides = [1, 1]} : vector<128x128xf32> to vector<1x128xf32>
    %broadcast_in_dim3A_42 = vector.shape_cast %slice3A_41 : vector<1x128xf32> to vector<1x128x1xf32>
    %broadcast_in_dim3A_43 = vector.shape_cast %broadcast_in_dim3A_42 : vector<1x128x1xf32> to vector<1x128x1xf32>
    %broadcast_in_dim3A_44 = vector.broadcast %broadcast_in_dim3A_43 : vector<1x128x1xf32> to vector<1x128x20xf32>
    %reshape3A_45 = vector.shape_cast %broadcast_in_dim3A_44 : vector<1x128x20xf32> to vector<1x2560xf32>
    %sub3A_46 = arith.subf %slice3A_40, %reshape3A_45 : vector<1x2560xf32>
    %concatenate3A_47 = tpu.concatenate %sub3A_46, %reshape3A_45 in 0 : vector<1x2560xf32>, vector<1x2560xf32> -> vector<2x2560xf32>
    %dot_general3A_48 = arith.constant dense<0.000000e+00> : vector<21x2560xf32>
    %dot_general3A_49 = tpu.matmul %get3A_39, %concatenate3A_47, %dot_general3A_48 {dimension_numbers = #tpu.dot_dimension_numbers<[1], [0], [0], [1], [0, 0, 1, 1], [], []>, transpose_lhs_hint = false} : vector<21x2xf32>, vector<2x2560xf32>, vector<21x2560xf32> -> vector<21x2560xf32>
    %slice3A_50 = vector.extract_strided_slice %transpose3A {offsets = [1, 0], sizes = [1, 2560], strides = [1, 1]} : vector<128x2560xf32> to vector<1x2560xf32>
    %slice3A_51 = vector.extract_strided_slice %transpose3A_9 {offsets = [1, 0], sizes = [1, 128], strides = [1, 1]} : vector<128x128xf32> to vector<1x128xf32>
    %broadcast_in_dim3A_52 = vector.shape_cast %slice3A_51 : vector<1x128xf32> to vector<1x128x1xf32>
    %broadcast_in_dim3A_53 = vector.shape_cast %broadcast_in_dim3A_52 : vector<1x128x1xf32> to vector<1x128x1xf32>
    %broadcast_in_dim3A_54 = vector.broadcast %broadcast_in_dim3A_53 : vector<1x128x1xf32> to vector<1x128x20xf32>
    %reshape3A_55 = vector.shape_cast %broadcast_in_dim3A_54 : vector<1x128x20xf32> to vector<1x2560xf32>
    %sub3A_56 = arith.subf %slice3A_50, %reshape3A_55 : vector<1x2560xf32>
    %concatenate3A_57 = tpu.concatenate %sub3A_56, %reshape3A_55 in 0 : vector<1x2560xf32>, vector<1x2560xf32> -> vector<2x2560xf32>
    %dot_general3A_58 = arith.constant dense<0.000000e+00> : vector<21x2560xf32>
    %dot_general3A_59 = tpu.matmul %get3A_39, %concatenate3A_57, %dot_general3A_58 {dimension_numbers = #tpu.dot_dimension_numbers<[1], [0], [0], [1], [0, 0, 1, 1], [], []>, transpose_lhs_hint = false} : vector<21x2xf32>, vector<2x2560xf32>, vector<21x2560xf32> -> vector<21x2560xf32>
    %slice3A_60 = vector.extract_strided_slice %transpose3A {offsets = [2, 0], sizes = [1, 2560], strides = [1, 1]} : vector<128x2560xf32> to vector<1x2560xf32>
    %slice3A_61 = vector.extract_strided_slice %transpose3A_9 {offsets = [2, 0], sizes = [1, 128], strides = [1, 1]} : vector<128x128xf32> to vector<1x128xf32>
    %broadcast_in_dim3A_62 = vector.shape_cast %slice3A_61 : vector<1x128xf32> to vector<1x128x1xf32>
    %broadcast_in_dim3A_63 = vector.shape_cast %broadcast_in_dim3A_62 : vector<1x128x1xf32> to vector<1x128x1xf32>
    %broadcast_in_dim3A_64 = vector.broadcast %broadcast_in_dim3A_63 : vector<1x128x1xf32> to vector<1x128x20xf32>
    %reshape3A_65 = vector.shape_cast %broadcast_in_dim3A_64 : vector<1x128x20xf32> to vector<1x2560xf32>
    %sub3A_66 = arith.subf %slice3A_60, %reshape3A_65 : vector<1x2560xf32>
    %concatenate3A_67 = tpu.concatenate %sub3A_66, %reshape3A_65 in 0 : vector<1x2560xf32>, vector<1x2560xf32> -> vector<2x2560xf32>
    %dot_general3A_68 = arith.constant dense<0.000000e+00> : vector<21x2560xf32>
    %dot_general3A_69 = tpu.matmul %get3A_39, %concatenate3A_67, %dot_general3A_68 {dimension_numbers = #tpu.dot_dimension_numbers<[1], [0], [0], [1], [0, 0, 1, 1], [], []>, transpose_lhs_hint = false} : vector<21x2xf32>, vector<2x2560xf32>, vector<21x2560xf32> -> vector<21x2560xf32>
    %get3A_70 = arith.constant 0 : index
    %get3A_71 = arith.constant 0 : index
    %get3A_72 = vector.load %arg6[%get3A_70, %get3A_71] : memref<21x1xf32, #tpu.memory_space<vmem>>, vector<21x1xf32>
    %get3A_73 = arith.constant 0 : index
    %get3A_74 = arith.constant 0 : index
    %get3A_75 = vector.load %arg7[%get3A_73, %get3A_74] : memref<21x1xf32, #tpu.memory_space<vmem>>, vector<21x1xf32>
    %mul3A = arith.mulf %dot_general3A_16, %dot_general3A_16 : vector<21x2560xf32>
    %mul3A_76 = arith.mulf %dot_general3A_26, %dot_general3A_26 : vector<21x2560xf32>
    %add3A = arith.addf %mul3A, %mul3A_76 : vector<21x2560xf32>
    %mul3A_77 = arith.mulf %dot_general3A_36, %dot_general3A_36 : vector<21x2560xf32>
    %add3A_78 = arith.addf %add3A, %mul3A_77 : vector<21x2560xf32>
    %sqrt3A = math.sqrt %add3A_78 : vector<21x2560xf32>
    %add3A_79 = arith.constant 9.99999997E-7 : f32
    %add3A_80 = vector.broadcast %add3A_79 : f32 to vector<21x2560xf32>
    %add3A_81 = arith.addf %sqrt3A, %add3A_80 : vector<21x2560xf32>
    %sub3A_82 = vector.broadcast %get3A_72 : vector<21x1xf32> to vector<21x2560xf32>
    %sub3A_83 = arith.subf %add3A_81, %sub3A_82 : vector<21x2560xf32>
    %add3A_84 = arith.constant 9.99999974E-6 : f32
    %add3A_85 = vector.broadcast %add3A_84 : f32 to vector<21x1xf32>
    %add3A_86 = arith.addf %get3A_75, %add3A_85 : vector<21x1xf32>
    %sqrt3A_87 = math.sqrt %add3A_86 : vector<21x1xf32>
    %div3A = vector.broadcast %sqrt3A_87 : vector<21x1xf32> to vector<21x2560xf32>
    %div3A_88 = arith.divf %sub3A_83, %div3A : vector<21x2560xf32>
    %div3A_89 = arith.divf %dot_general3A_16, %add3A_81 : vector<21x2560xf32>
    %mul3A_90 = arith.mulf %div3A_89, %div3A_88 : vector<21x2560xf32>
    %div3A_91 = arith.divf %dot_general3A_26, %add3A_81 : vector<21x2560xf32>
    %mul3A_92 = arith.mulf %div3A_91, %div3A_88 : vector<21x2560xf32>
    %div3A_93 = arith.divf %dot_general3A_36, %add3A_81 : vector<21x2560xf32>
    %mul3A_94 = arith.mulf %div3A_93, %div3A_88 : vector<21x2560xf32>
    %mul3A_95 = arith.mulf %mul3A_90, %dot_general3A_49 : vector<21x2560xf32>
    %mul3A_96 = arith.mulf %mul3A_92, %dot_general3A_59 : vector<21x2560xf32>
    %add3A_97 = arith.addf %mul3A_95, %mul3A_96 : vector<21x2560xf32>
    %mul3A_98 = arith.mulf %mul3A_94, %dot_general3A_69 : vector<21x2560xf32>
    %add3A_99 = arith.addf %add3A_97, %mul3A_98 : vector<21x2560xf32>
    %mul3A_100 = arith.mulf %dot_general3A_49, %dot_general3A_49 : vector<21x2560xf32>
    %mul3A_101 = arith.mulf %dot_general3A_59, %dot_general3A_59 : vector<21x2560xf32>
    %add3A_102 = arith.addf %mul3A_100, %mul3A_101 : vector<21x2560xf32>
    %mul3A_103 = arith.mulf %dot_general3A_69, %dot_general3A_69 : vector<21x2560xf32>
    %add3A_104 = arith.addf %add3A_102, %mul3A_103 : vector<21x2560xf32>
    %ge3A = arith.constant 0.000000e+00 : f32
    %ge3A_105 = vector.broadcast %ge3A : f32 to vector<21x2560xf32>
    %ge3A_106 = arith.cmpf oge, %add3A_99, %ge3A_105 : vector<21x2560xf32>
    %convert_element_type3A = arith.extui %ge3A_106 : vector<21x2560xi1> to vector<21x2560xi32>
    %convert_element_type3A_107 = arith.sitofp %convert_element_type3A : vector<21x2560xi32> to vector<21x2560xf32>
    %add3A_108 = arith.constant 9.99999997E-7 : f32
    %add3A_109 = vector.broadcast %add3A_108 : f32 to vector<21x2560xf32>
    %add3A_110 = arith.addf %add3A_104, %add3A_109 : vector<21x2560xf32>
    %div3A_111 = arith.divf %add3A_99, %add3A_110 : vector<21x2560xf32>
    %mul3A_112 = arith.constant 2.000000e-01 : f32
    %mul3A_113 = vector.broadcast %mul3A_112 : f32 to vector<21x2560xf32>
    %mul3A_114 = arith.mulf %mul3A_113, %mul3A_90 : vector<21x2560xf32>
    %mul3A_115 = arith.mulf %convert_element_type3A_107, %mul3A_90 : vector<21x2560xf32>
    %sub3A_116 = arith.constant 1.000000e+00 : f32
    %sub3A_117 = vector.broadcast %sub3A_116 : f32 to vector<21x2560xf32>
    %sub3A_118 = arith.subf %sub3A_117, %convert_element_type3A_107 : vector<21x2560xf32>
    %mul3A_119 = arith.mulf %div3A_111, %dot_general3A_49 : vector<21x2560xf32>
    %sub3A_120 = arith.subf %mul3A_90, %mul3A_119 : vector<21x2560xf32>
    %mul3A_121 = arith.mulf %sub3A_118, %sub3A_120 : vector<21x2560xf32>
    %add3A_122 = arith.addf %mul3A_115, %mul3A_121 : vector<21x2560xf32>
    %mul3A_123 = arith.constant 8.000000e-01 : f32
    %mul3A_124 = vector.broadcast %mul3A_123 : f32 to vector<21x2560xf32>
    %mul3A_125 = arith.mulf %mul3A_124, %add3A_122 : vector<21x2560xf32>
    %add3A_126 = arith.addf %mul3A_114, %mul3A_125 : vector<21x2560xf32>
    %reshape3A_127 = vector.shape_cast %add3A_126 : vector<21x2560xf32> to vector<21x128x20xf32>
    %reduce_sum3A = arith.constant dense<0.000000e+00> : vector<21x128xf32>
    %reduce_sum3A_128 = vector.multi_reduction <add>, %reshape3A_127, %reduce_sum3A [2] : vector<21x128x20xf32> to vector<21x128xf32>
    %div3A_129 = arith.constant 2.000000e+01 : f32
    %div3A_130 = vector.broadcast %div3A_129 : f32 to vector<21x128xf32>
    %div3A_131 = arith.divf %reduce_sum3A_128, %div3A_130 : vector<21x128xf32>
    %swap3A = arith.constant 0 : index
    %swap3A_132 = arith.constant 0 : index
    %swap3A_133 = arith.constant 0 : index
    %swap3A_134 = arith.constant 0 : index
    %swap3A_135 = vector.load %arg8[%swap3A, %swap3A_132, %swap3A_133, %swap3A_134] : memref<1x21x3x128xf32, #tpu.memory_space<vmem>>, vector<1x21x1x128xf32>
    %swap3A_136 = vector.shape_cast %swap3A_135 : vector<1x21x1x128xf32> to vector<21x128xf32>
    %swap3A_137 = vector.shape_cast %div3A_131 : vector<21x128xf32> to vector<1x21x1x128xf32>
    tpu.vector_store %arg8[%swap3A, %swap3A_132, %swap3A_133, %swap3A_134], %swap3A_137 {strides = array<i32>} : memref<1x21x3x128xf32, #tpu.memory_space<vmem>>, vector<1x21x1x128xf32>,
    %mul3A_138 = arith.constant 2.000000e-01 : f32
    %mul3A_139 = vector.broadcast %mul3A_138 : f32 to vector<21x2560xf32>
    %mul3A_140 = arith.mulf %mul3A_139, %mul3A_92 : vector<21x2560xf32>
    %mul3A_141 = arith.mulf %convert_element_type3A_107, %mul3A_92 : vector<21x2560xf32>
    %sub3A_142 = arith.constant 1.000000e+00 : f32
    %sub3A_143 = vector.broadcast %sub3A_142 : f32 to vector<21x2560xf32>
    %sub3A_144 = arith.subf %sub3A_143, %convert_element_type3A_107 : vector<21x2560xf32>
    %mul3A_145 = arith.mulf %div3A_111, %dot_general3A_59 : vector<21x2560xf32>
    %sub3A_146 = arith.subf %mul3A_92, %mul3A_145 : vector<21x2560xf32>
    %mul3A_147 = arith.mulf %sub3A_144, %sub3A_146 : vector<21x2560xf32>
    %add3A_148 = arith.addf %mul3A_141, %mul3A_147 : vector<21x2560xf32>
    %mul3A_149 = arith.constant 8.000000e-01 : f32
    %mul3A_150 = vector.broadcast %mul3A_149 : f32 to vector<21x2560xf32>
    %mul3A_151 = arith.mulf %mul3A_150, %add3A_148 : vector<21x2560xf32>
    %add3A_152 = arith.addf %mul3A_140, %mul3A_151 : vector<21x2560xf32>
    %reshape3A_153 = vector.shape_cast %add3A_152 : vector<21x2560xf32> to vector<21x128x20xf32>
    %reduce_sum3A_154 = arith.constant dense<0.000000e+00> : vector<21x128xf32>
    %reduce_sum3A_155 = vector.multi_reduction <add>, %reshape3A_153, %reduce_sum3A_154 [2] : vector<21x128x20xf32> to vector<21x128xf32>
    %div3A_156 = arith.constant 2.000000e+01 : f32
    %div3A_157 = vector.broadcast %div3A_156 : f32 to vector<21x128xf32>
    %div3A_158 = arith.divf %reduce_sum3A_155, %div3A_157 : vector<21x128xf32>
    %swap3A_159 = arith.constant 0 : index
    %swap3A_160 = arith.constant 0 : index
    %swap3A_161 = arith.constant 1 : index
    %swap3A_162 = arith.constant 0 : index
    %swap3A_163 = vector.load %arg8[%swap3A_159, %swap3A_160, %swap3A_161, %swap3A_162] : memref<1x21x3x128xf32, #tpu.memory_space<vmem>>, vector<1x21x1x128xf32>
    %swap3A_164 = vector.shape_cast %swap3A_163 : vector<1x21x1x128xf32> to vector<21x128xf32>
    %swap3A_165 = vector.shape_cast %div3A_158 : vector<21x128xf32> to vector<1x21x1x128xf32>
    tpu.vector_store %arg8[%swap3A_159, %swap3A_160, %swap3A_161, %swap3A_162], %swap3A_165 {strides = array<i32>} : memref<1x21x3x128xf32, #tpu.memory_space<vmem>>, vector<1x21x1x128xf32>,
    %mul3A_166 = arith.constant 2.000000e-01 : f32
    %mul3A_167 = vector.broadcast %mul3A_166 : f32 to vector<21x2560xf32>
    %mul3A_168 = arith.mulf %mul3A_167, %mul3A_94 : vector<21x2560xf32>
    %mul3A_169 = arith.mulf %convert_element_type3A_107, %mul3A_94 : vector<21x2560xf32>
    %sub3A_170 = arith.constant 1.000000e+00 : f32
    %sub3A_171 = vector.broadcast %sub3A_170 : f32 to vector<21x2560xf32>
    %sub3A_172 = arith.subf %sub3A_171, %convert_element_type3A_107 : vector<21x2560xf32>
    %mul3A_173 = arith.mulf %div3A_111, %dot_general3A_69 : vector<21x2560xf32>
    %sub3A_174 = arith.subf %mul3A_94, %mul3A_173 : vector<21x2560xf32>
    %mul3A_175 = arith.mulf %sub3A_172, %sub3A_174 : vector<21x2560xf32>
    %add3A_176 = arith.addf %mul3A_169, %mul3A_175 : vector<21x2560xf32>
    %mul3A_177 = arith.constant 8.000000e-01 : f32
    %mul3A_178 = vector.broadcast %mul3A_177 : f32 to vector<21x2560xf32>
    %mul3A_179 = arith.mulf %mul3A_178, %add3A_176 : vector<21x2560xf32>
    %add3A_180 = arith.addf %mul3A_168, %mul3A_179 : vector<21x2560xf32>
    %reshape3A_181 = vector.shape_cast %add3A_180 : vector<21x2560xf32> to vector<21x128x20xf32>
    %reduce_sum3A_182 = arith.constant dense<0.000000e+00> : vector<21x128xf32>
    %reduce_sum3A_183 = vector.multi_reduction <add>, %reshape3A_181, %reduce_sum3A_182 [2] : vector<21x128x20xf32> to vector<21x128xf32>
    %div3A_184 = arith.constant 2.000000e+01 : f32
    %div3A_185 = vector.broadcast %div3A_184 : f32 to vector<21x128xf32>
    %div3A_186 = arith.divf %reduce_sum3A_183, %div3A_185 : vector<21x128xf32>
    %swap3A_187 = arith.constant 0 : index
    %swap3A_188 = arith.constant 0 : index
    %swap3A_189 = arith.constant 2 : index
    %swap3A_190 = arith.constant 0 : index
    %swap3A_191 = vector.load %arg8[%swap3A_187, %swap3A_188, %swap3A_189, %swap3A_190] : memref<1x21x3x128xf32, #tpu.memory_space<vmem>>, vector<1x21x1x128xf32>
    %swap3A_192 = vector.shape_cast %swap3A_191 : vector<1x21x1x128xf32> to vector<21x128xf32>
    %swap3A_193 = vector.shape_cast %div3A_186 : vector<21x128xf32> to vector<1x21x1x128xf32>
    tpu.vector_store %arg8[%swap3A_187, %swap3A_188, %swap3A_189, %swap3A_190], %swap3A_193 {strides = array<i32>} : memref<1x21x3x128xf32, #tpu.memory_space<vmem>>, vector<1x21x1x128xf32>,
    return
  }
  func.func @transform_0(%arg0: i32, %arg1: i32) -> (i32, i32, i32) {
    %c0_i32 = arith.constant 0 : i32
    %c0_i32_0 = arith.constant 0 : i32
    return %arg0, %arg1, %c0_i32 : i32, i32, i32
  }
  func.func @transform_1(%arg0: i32, %arg1: i32) -> (i32, i32, i32) {
    %c0_i32 = arith.constant 0 : i32
    %c0_i32_0 = arith.constant 0 : i32
    return %arg0, %arg1, %c0_i32 : i32, i32, i32
  }
  func.func @transform_2(%arg0: i32, %arg1: i32) -> (i32, i32) {
    %c0_i32 = arith.constant 0 : i32
    %c0_i32_0 = arith.constant 0 : i32
    %c0_i32_1 = arith.constant 0 : i32
    return %c0_i32, %c0_i32_0 : i32, i32
  }
  func.func @transform_3(%arg0: i32, %arg1: i32) -> (i32, i32) {
    %c0_i32 = arith.constant 0 : i32
    %c0_i32_0 = arith.constant 0 : i32
    %c0_i32_1 = arith.constant 0 : i32
    return %c0_i32, %c0_i32_0 : i32, i32
  }
  func.func @transform_4(%arg0: i32, %arg1: i32) -> (i32, i32) {
    %c0_i32 = arith.constant 0 : i32
    %c0_i32_0 = arith.constant 0 : i32
    %c0_i32_1 = arith.constant 0 : i32
    return %c0_i32, %c0_i32_0 : i32, i32
  }
  func.func @transform_5(%arg0: i32, %arg1: i32) -> (i32, i32) {
    %c0_i32 = arith.constant 0 : i32
    %c0_i32_0 = arith.constant 0 : i32
    %c0_i32_1 = arith.constant 0 : i32
    return %c0_i32, %c0_i32_0 : i32, i32
  }
  func.func @transform_6(%arg0: i32, %arg1: i32) -> (i32, i32, i32, i32) {
    %c0_i32 = arith.constant 0 : i32
    %c0_i32_0 = arith.constant 0 : i32
    %c0_i32_1 = arith.constant 0 : i32
    return %arg0, %c0_i32, %c0_i32_0, %arg1 : i32, i32, i32, i32
  }
}

module attributes {stable_mosaic.version = 14 : i64} {
  func.func @_knn_body(%arg0: i32, %arg1: i32, %arg2: memref<1x256x64xf32, #tpu.memory_space<vmem>>, %arg3: memref<1x64x1024xf32, #tpu.memory_space<vmem>>, %arg4: memref<1x256x1xf32, #tpu.memory_space<vmem>>, %arg5: memref<1x1x1024xf32, #tpu.memory_space<vmem>>, %arg6: memref<1x256x20xi32, #tpu.memory_space<vmem>>) attributes {dimension_semantics = [#tpu.dimension_semantics<arbitrary>, #tpu.dimension_semantics<arbitrary>], iteration_bounds = array<i64: 8, 4>, scalar_prefetch = 0 : i64, scratch_operands = 0 : i64, tpu.core_type = #tpu.core_type<tc>, window_params = [{transform_indices = @transform_0, window_bounds = array<i64: 1, 256, 64>}, {transform_indices = @transform_1, window_bounds = array<i64: 1, 64, 1024>}, {transform_indices = @transform_2, window_bounds = array<i64: 1, 256, 1>}, {transform_indices = @transform_3, window_bounds = array<i64: 1, 1, 1024>}, {transform_indices = @transform_4, window_bounds = array<i64: 1, 256, 20>}]} {
    %get3A = arith.constant 0 : index
    %get3A_0 = arith.constant 0 : index
    %get3A_1 = arith.constant 0 : index
    %get3A_2 = vector.load %arg2[%get3A, %get3A_0, %get3A_1] : memref<1x256x64xf32, #tpu.memory_space<vmem>>, vector<1x256x64xf32>
    %get3A_3 = vector.shape_cast %get3A_2 : vector<1x256x64xf32> to vector<256x64xf32>
    %get3A_4 = arith.constant 0 : index
    %get3A_5 = arith.constant 0 : index
    %get3A_6 = arith.constant 0 : index
    %get3A_7 = vector.load %arg3[%get3A_4, %get3A_5, %get3A_6] : memref<1x64x1024xf32, #tpu.memory_space<vmem>>, vector<1x64x1024xf32>
    %get3A_8 = vector.shape_cast %get3A_7 : vector<1x64x1024xf32> to vector<64x1024xf32>
    %dot_general3A = arith.constant dense<0.000000e+00> : vector<256x1024xf32>
    %dot_general3A_9 = tpu.matmul %get3A_3, %get3A_8, %dot_general3A {dimension_numbers = #tpu.dot_dimension_numbers<[1], [0], [0], [1], [0, 0, 1, 1], [], []>, transpose_lhs_hint = false} : vector<256x64xf32>, vector<64x1024xf32>, vector<256x1024xf32> -> vector<256x1024xf32>
    %get3A_10 = arith.constant 0 : index
    %get3A_11 = arith.constant 0 : index
    %get3A_12 = arith.constant 0 : index
    %get3A_13 = vector.load %arg5[%get3A_10, %get3A_11, %get3A_12] : memref<1x1x1024xf32, #tpu.memory_space<vmem>>, vector<1x1x1024xf32>
    %get3A_14 = vector.shape_cast %get3A_13 : vector<1x1x1024xf32> to vector<1x1024xf32>
    %get3A_15 = arith.constant 0 : index
    %get3A_16 = arith.constant 0 : index
    %get3A_17 = arith.constant 0 : index
    %get3A_18 = vector.load %arg4[%get3A_15, %get3A_16, %get3A_17] : memref<1x256x1xf32, #tpu.memory_space<vmem>>, vector<1x256x1xf32>
    %get3A_19 = vector.shape_cast %get3A_18 : vector<1x256x1xf32> to vector<256x1xf32>
    %mul3A = arith.constant 2.000000e+00 : f32
    %mul3A_20 = vector.broadcast %mul3A : f32 to vector<256x1024xf32>
    %mul3A_21 = arith.mulf %mul3A_20, %dot_general3A_9 : vector<256x1024xf32>
    %sub3A = vector.broadcast %get3A_19 : vector<256x1xf32> to vector<256x1024xf32>
    %sub3A_22 = arith.subf %mul3A_21, %sub3A : vector<256x1024xf32>
    %sub3A_23 = vector.broadcast %get3A_14 : vector<1x1024xf32> to vector<256x1024xf32>
    %sub3A_24 = arith.subf %sub3A_22, %sub3A_23 : vector<256x1024xf32>
    %iota3A = tpu.iota {dimensions = array<i32: 1>} : vector<256x1024xi32>
    %iota3A_25 = tpu.iota {dimensions = array<i32: 1>} : vector<256x20xi32>
    %broadcast_in_dim3A = arith.constant 0 : i32
    %broadcast_in_dim3A_26 = vector.broadcast %broadcast_in_dim3A : i32 to vector<256x20xi32>
    %scan3A = arith.constant 0 : i32
    %scan3A_27 = arith.constant 20 : i32
    %scan3A_28 = arith.addi %scan3A, %scan3A_27 : i32
    %scan3A_29 = arith.constant 1 : i32
    %scan3A_30:2 = scf.for %scan3A_40 = %scan3A to %scan3A_28 step %scan3A_29 iter_args(%scan3A_41 = %sub3A_24, %scan3A_42 = %broadcast_in_dim3A_26) -> (vector<256x1024xf32>, vector<256x20xi32>)  : i32 {
      %reduce_max3A = arith.constant dense<0xFF800000> : vector<256xf32>
      %reduce_max3A_43 = vector.multi_reduction <maximumf>, %scan3A_41, %reduce_max3A [1] : vector<256x1024xf32> to vector<256xf32>
      %broadcast_in_dim3A_44 = vector.shape_cast %reduce_max3A_43 : vector<256xf32> to vector<256x1xf32>
      %ge3A = vector.broadcast %broadcast_in_dim3A_44 : vector<256x1xf32> to vector<256x1024xf32>
      %ge3A_45 = arith.cmpf oge, %scan3A_41, %ge3A : vector<256x1024xf32>
      %jit3A = arith.constant 1024 : i32
      %broadcast_in_dim3A_46 = vector.broadcast %jit3A : i32 to vector<256x1024xi32>
      %select_n3A = arith.select %ge3A_45, %iota3A, %broadcast_in_dim3A_46 : vector<256x1024xi1>, vector<256x1024xi32>
      %reduce_min3A = arith.constant dense<2147483647> : vector<256xi32>
      %reduce_min3A_47 = vector.multi_reduction <minsi>, %select_n3A, %reduce_min3A [1] : vector<256x1024xi32> to vector<256xi32>
      %broadcast_in_dim3A_48 = vector.shape_cast %reduce_min3A_47 : vector<256xi32> to vector<256x1xi32>
      %eq3A = vector.broadcast %scan3A_40 : i32 to vector<256x20xi32>
      %eq3A_49 = arith.cmpi eq, %iota3A_25, %eq3A : vector<256x20xi32>
      %broadcast_in_dim3A_50 = vector.shape_cast %broadcast_in_dim3A_48 : vector<256x1xi32> to vector<256x1xi32>
      %broadcast_in_dim3A_51 = vector.broadcast %broadcast_in_dim3A_50 : vector<256x1xi32> to vector<256x20xi32>
      %select_n3A_52 = arith.select %eq3A_49, %broadcast_in_dim3A_51, %scan3A_42 : vector<256x20xi1>, vector<256x20xi32>
      %eq3A_53 = vector.broadcast %broadcast_in_dim3A_48 : vector<256x1xi32> to vector<256x1024xi32>
      %eq3A_54 = arith.cmpi eq, %iota3A, %eq3A_53 : vector<256x1024xi32>
      %jit3A_55 = arith.constant -3.000000e+38 : f32
      %broadcast_in_dim3A_56 = vector.broadcast %jit3A_55 : f32 to vector<256x1024xf32>
      %select_n3A_57 = arith.select %eq3A_54, %broadcast_in_dim3A_56, %scan3A_41 : vector<256x1024xi1>, vector<256x1024xf32>
      scf.yield %select_n3A_57, %select_n3A_52 : vector<256x1024xf32>, vector<256x20xi32>
    }
    %scan3A_31 = arith.constant 20 : i32
    %mul3A_32 = arith.constant 1024 : i32
    %mul3A_33 = arith.muli %arg0, %mul3A_32 : i32
    %add3A = vector.broadcast %mul3A_33 : i32 to vector<256x20xi32>
    %add3A_34 = arith.addi %scan3A_30#1, %add3A : vector<256x20xi32>
    %swap3A = arith.constant 0 : index
    %swap3A_35 = arith.constant 0 : index
    %swap3A_36 = arith.constant 0 : index
    %swap3A_37 = vector.load %arg6[%swap3A, %swap3A_35, %swap3A_36] : memref<1x256x20xi32, #tpu.memory_space<vmem>>, vector<1x256x20xi32>
    %swap3A_38 = vector.shape_cast %swap3A_37 : vector<1x256x20xi32> to vector<256x20xi32>
    %swap3A_39 = vector.shape_cast %add3A_34 : vector<256x20xi32> to vector<1x256x20xi32>
    tpu.vector_store %arg6[%swap3A, %swap3A_35, %swap3A_36], %swap3A_39 {strides = array<i32>} : memref<1x256x20xi32, #tpu.memory_space<vmem>>, vector<1x256x20xi32>,
    return
  }
  func.func @transform_0(%arg0: i32, %arg1: i32) -> (i32, i32, i32) {
    %c0_i32 = arith.constant 0 : i32
    %c0_i32_0 = arith.constant 0 : i32
    return %arg0, %arg1, %c0_i32 : i32, i32, i32
  }
  func.func @transform_1(%arg0: i32, %arg1: i32) -> (i32, i32, i32) {
    %c0_i32 = arith.constant 0 : i32
    %c0_i32_0 = arith.constant 0 : i32
    %c0_i32_1 = arith.constant 0 : i32
    return %arg0, %c0_i32, %c0_i32_0 : i32, i32, i32
  }
  func.func @transform_2(%arg0: i32, %arg1: i32) -> (i32, i32, i32) {
    %c0_i32 = arith.constant 0 : i32
    %c0_i32_0 = arith.constant 0 : i32
    return %arg0, %arg1, %c0_i32 : i32, i32, i32
  }
  func.func @transform_3(%arg0: i32, %arg1: i32) -> (i32, i32, i32) {
    %c0_i32 = arith.constant 0 : i32
    %c0_i32_0 = arith.constant 0 : i32
    %c0_i32_1 = arith.constant 0 : i32
    return %arg0, %c0_i32, %c0_i32_0 : i32, i32, i32
  }
  func.func @transform_4(%arg0: i32, %arg1: i32) -> (i32, i32, i32) {
    %c0_i32 = arith.constant 0 : i32
    %c0_i32_0 = arith.constant 0 : i32
    return %arg0, %arg1, %c0_i32 : i32, i32, i32
  }
}

module attributes {stable_mosaic.version = 14 : i64} {
  func.func @_passA_body(%arg0: i32, %arg1: i32, %arg2: memref<1x2560x128xf32, #tpu.memory_space<vmem>>, %arg3: memref<1x128x128xf32, #tpu.memory_space<vmem>>, %arg4: memref<21x42xf32, #tpu.memory_space<vmem>>, %arg5: memref<1x21x2560xf32, #tpu.memory_space<vmem>>) attributes {dimension_semantics = [#tpu.dimension_semantics<arbitrary>, #tpu.dimension_semantics<arbitrary>], iteration_bounds = array<i64: 8, 8>, scalar_prefetch = 0 : i64, scratch_operands = 0 : i64, tpu.core_type = #tpu.core_type<tc>, window_params = [{transform_indices = @transform_0, window_bounds = array<i64: 1, 2560, 128>}, {transform_indices = @transform_1, window_bounds = array<i64: 1, 128, 128>}, {pipeline_mode = #tpu.pipeline_mode<synchronous>, transform_indices = @transform_2, window_bounds = array<i64: 21, 42>}, {transform_indices = @transform_3, window_bounds = array<i64: 1, 21, 2560>}]} {
    %get3A = arith.constant 0 : index
    %get3A_0 = arith.constant 0 : index
    %get3A_1 = arith.constant 0 : index
    %get3A_2 = vector.load %arg2[%get3A, %get3A_0, %get3A_1] : memref<1x2560x128xf32, #tpu.memory_space<vmem>>, vector<1x2560x128xf32>
    %get3A_3 = vector.shape_cast %get3A_2 : vector<1x2560x128xf32> to vector<2560x128xf32>
    %transpose3A = tpu.transpose %get3A_3, [1, 0] : vector<2560x128xf32> -> vector<128x2560xf32>
    %get3A_4 = arith.constant 0 : index
    %get3A_5 = arith.constant 0 : index
    %get3A_6 = arith.constant 0 : index
    %get3A_7 = vector.load %arg3[%get3A_4, %get3A_5, %get3A_6] : memref<1x128x128xf32, #tpu.memory_space<vmem>>, vector<1x128x128xf32>
    %get3A_8 = vector.shape_cast %get3A_7 : vector<1x128x128xf32> to vector<128x128xf32>
    %transpose3A_9 = tpu.transpose %get3A_8, [1, 0] : vector<128x128xf32> -> vector<128x128xf32>
    %get3A_10 = arith.constant 0 : index
    %get3A_11 = arith.constant 0 : index
    %get3A_12 = vector.load %arg4[%get3A_10, %get3A_11] : memref<21x42xf32, #tpu.memory_space<vmem>>, vector<21x42xf32>
    %slice3A = vector.extract_strided_slice %transpose3A {offsets = [0, 0], sizes = [21, 2560], strides = [1, 1]} : vector<128x2560xf32> to vector<21x2560xf32>
    %slice3A_13 = vector.extract_strided_slice %transpose3A_9 {offsets = [0, 0], sizes = [21, 128], strides = [1, 1]} : vector<128x128xf32> to vector<21x128xf32>
    %broadcast_in_dim3A = vector.shape_cast %slice3A_13 : vector<21x128xf32> to vector<21x128x1xf32>
    %broadcast_in_dim3A_14 = vector.shape_cast %broadcast_in_dim3A : vector<21x128x1xf32> to vector<21x128x1xf32>
    %broadcast_in_dim3A_15 = vector.broadcast %broadcast_in_dim3A_14 : vector<21x128x1xf32> to vector<21x128x20xf32>
    %reshape3A = vector.shape_cast %broadcast_in_dim3A_15 : vector<21x128x20xf32> to vector<21x2560xf32>
    %sub3A = arith.subf %slice3A, %reshape3A : vector<21x2560xf32>
    %concatenate3A = tpu.concatenate %sub3A, %reshape3A in 0 : vector<21x2560xf32>, vector<21x2560xf32> -> vector<42x2560xf32>
    %dot_general3A = arith.constant dense<0.000000e+00> : vector<21x2560xf32>
    %dot_general3A_16 = tpu.matmul %get3A_12, %concatenate3A, %dot_general3A {dimension_numbers = #tpu.dot_dimension_numbers<[1], [0], [0], [1], [0, 0, 1, 1], [], []>, transpose_lhs_hint = false} : vector<21x42xf32>, vector<42x2560xf32>, vector<21x2560xf32> -> vector<21x2560xf32>
    %slice3A_17 = vector.extract_strided_slice %transpose3A {offsets = [21, 0], sizes = [21, 2560], strides = [1, 1]} : vector<128x2560xf32> to vector<21x2560xf32>
    %slice3A_18 = vector.extract_strided_slice %transpose3A_9 {offsets = [21, 0], sizes = [21, 128], strides = [1, 1]} : vector<128x128xf32> to vector<21x128xf32>
    %broadcast_in_dim3A_19 = vector.shape_cast %slice3A_18 : vector<21x128xf32> to vector<21x128x1xf32>
    %broadcast_in_dim3A_20 = vector.shape_cast %broadcast_in_dim3A_19 : vector<21x128x1xf32> to vector<21x128x1xf32>
    %broadcast_in_dim3A_21 = vector.broadcast %broadcast_in_dim3A_20 : vector<21x128x1xf32> to vector<21x128x20xf32>
    %reshape3A_22 = vector.shape_cast %broadcast_in_dim3A_21 : vector<21x128x20xf32> to vector<21x2560xf32>
    %sub3A_23 = arith.subf %slice3A_17, %reshape3A_22 : vector<21x2560xf32>
    %concatenate3A_24 = tpu.concatenate %sub3A_23, %reshape3A_22 in 0 : vector<21x2560xf32>, vector<21x2560xf32> -> vector<42x2560xf32>
    %dot_general3A_25 = arith.constant dense<0.000000e+00> : vector<21x2560xf32>
    %dot_general3A_26 = tpu.matmul %get3A_12, %concatenate3A_24, %dot_general3A_25 {dimension_numbers = #tpu.dot_dimension_numbers<[1], [0], [0], [1], [0, 0, 1, 1], [], []>, transpose_lhs_hint = false} : vector<21x42xf32>, vector<42x2560xf32>, vector<21x2560xf32> -> vector<21x2560xf32>
    %slice3A_27 = vector.extract_strided_slice %transpose3A {offsets = [42, 0], sizes = [21, 2560], strides = [1, 1]} : vector<128x2560xf32> to vector<21x2560xf32>
    %slice3A_28 = vector.extract_strided_slice %transpose3A_9 {offsets = [42, 0], sizes = [21, 128], strides = [1, 1]} : vector<128x128xf32> to vector<21x128xf32>
    %broadcast_in_dim3A_29 = vector.shape_cast %slice3A_28 : vector<21x128xf32> to vector<21x128x1xf32>
    %broadcast_in_dim3A_30 = vector.shape_cast %broadcast_in_dim3A_29 : vector<21x128x1xf32> to vector<21x128x1xf32>
    %broadcast_in_dim3A_31 = vector.broadcast %broadcast_in_dim3A_30 : vector<21x128x1xf32> to vector<21x128x20xf32>
    %reshape3A_32 = vector.shape_cast %broadcast_in_dim3A_31 : vector<21x128x20xf32> to vector<21x2560xf32>
    %sub3A_33 = arith.subf %slice3A_27, %reshape3A_32 : vector<21x2560xf32>
    %concatenate3A_34 = tpu.concatenate %sub3A_33, %reshape3A_32 in 0 : vector<21x2560xf32>, vector<21x2560xf32> -> vector<42x2560xf32>
    %dot_general3A_35 = arith.constant dense<0.000000e+00> : vector<21x2560xf32>
    %dot_general3A_36 = tpu.matmul %get3A_12, %concatenate3A_34, %dot_general3A_35 {dimension_numbers = #tpu.dot_dimension_numbers<[1], [0], [0], [1], [0, 0, 1, 1], [], []>, transpose_lhs_hint = false} : vector<21x42xf32>, vector<42x2560xf32>, vector<21x2560xf32> -> vector<21x2560xf32>
    %mul3A = arith.mulf %dot_general3A_16, %dot_general3A_16 : vector<21x2560xf32>
    %mul3A_37 = arith.mulf %dot_general3A_26, %dot_general3A_26 : vector<21x2560xf32>
    %add3A = arith.addf %mul3A, %mul3A_37 : vector<21x2560xf32>
    %mul3A_38 = arith.mulf %dot_general3A_36, %dot_general3A_36 : vector<21x2560xf32>
    %add3A_39 = arith.addf %add3A, %mul3A_38 : vector<21x2560xf32>
    %sqrt3A = math.sqrt %add3A_39 : vector<21x2560xf32>
    %add3A_40 = arith.constant 9.99999997E-7 : f32
    %add3A_41 = vector.broadcast %add3A_40 : f32 to vector<21x2560xf32>
    %add3A_42 = arith.addf %sqrt3A, %add3A_41 : vector<21x2560xf32>
    %swap3A = arith.constant 0 : index
    %swap3A_43 = arith.constant 0 : index
    %swap3A_44 = arith.constant 0 : index
    %swap3A_45 = vector.load %arg5[%swap3A, %swap3A_43, %swap3A_44] : memref<1x21x2560xf32, #tpu.memory_space<vmem>>, vector<1x21x2560xf32>
    %swap3A_46 = vector.shape_cast %swap3A_45 : vector<1x21x2560xf32> to vector<21x2560xf32>
    %swap3A_47 = vector.shape_cast %add3A_42 : vector<21x2560xf32> to vector<1x21x2560xf32>
    tpu.vector_store %arg5[%swap3A, %swap3A_43, %swap3A_44], %swap3A_47 {strides = array<i32>} : memref<1x21x2560xf32, #tpu.memory_space<vmem>>, vector<1x21x2560xf32>,
    return
  }
  func.func @transform_0(%arg0: i32, %arg1: i32) -> (i32, i32, i32) {
    %c0_i32 = arith.constant 0 : i32
    %c0_i32_0 = arith.constant 0 : i32
    return %arg0, %arg1, %c0_i32 : i32, i32, i32
  }
  func.func @transform_1(%arg0: i32, %arg1: i32) -> (i32, i32, i32) {
    %c0_i32 = arith.constant 0 : i32
    %c0_i32_0 = arith.constant 0 : i32
    return %arg0, %arg1, %c0_i32 : i32, i32, i32
  }
  func.func @transform_2(%arg0: i32, %arg1: i32) -> (i32, i32) {
    %c0_i32 = arith.constant 0 : i32
    %c0_i32_0 = arith.constant 0 : i32
    %c0_i32_1 = arith.constant 0 : i32
    return %c0_i32, %c0_i32_0 : i32, i32
  }
  func.func @transform_3(%arg0: i32, %arg1: i32) -> (i32, i32, i32) {
    %c0_i32 = arith.constant 0 : i32
    %c0_i32_0 = arith.constant 0 : i32
    return %arg0, %c0_i32, %arg1 : i32, i32, i32
  }
}

module attributes {stable_mosaic.version = 14 : i64} {
  func.func @_passB_body(%arg0: i32, %arg1: i32, %arg2: memref<1x2560x128xf32, #tpu.memory_space<vmem>>, %arg3: memref<1x128x128xf32, #tpu.memory_space<vmem>>, %arg4: memref<21x42xf32, #tpu.memory_space<vmem>>, %arg5: memref<21x42xf32, #tpu.memory_space<vmem>>, %arg6: memref<21x1xf32, #tpu.memory_space<vmem>>, %arg7: memref<21x1xf32, #tpu.memory_space<vmem>>, %arg8: memref<1x21x3x128xf32, #tpu.memory_space<vmem>>) attributes {dimension_semantics = [#tpu.dimension_semantics<arbitrary>, #tpu.dimension_semantics<arbitrary>], iteration_bounds = array<i64: 8, 8>, scalar_prefetch = 0 : i64, scratch_operands = 0 : i64, tpu.core_type = #tpu.core_type<tc>, window_params = [{transform_indices = @transform_0, window_bounds = array<i64: 1, 2560, 128>}, {transform_indices = @transform_1, window_bounds = array<i64: 1, 128, 128>}, {pipeline_mode = #tpu.pipeline_mode<synchronous>, transform_indices = @transform_2, window_bounds = array<i64: 21, 42>}, {pipeline_mode = #tpu.pipeline_mode<synchronous>, transform_indices = @transform_3, window_bounds = array<i64: 21, 42>}, {pipeline_mode = #tpu.pipeline_mode<synchronous>, transform_indices = @transform_4, window_bounds = array<i64: 21, 1>}, {pipeline_mode = #tpu.pipeline_mode<synchronous>, transform_indices = @transform_5, window_bounds = array<i64: 21, 1>}, {transform_indices = @transform_6, window_bounds = array<i64: 1, 21, 3, 128>}]} {
    %get3A = arith.constant 0 : index
    %get3A_0 = arith.constant 0 : index
    %get3A_1 = arith.constant 0 : index
    %get3A_2 = vector.load %arg2[%get3A, %get3A_0, %get3A_1] : memref<1x2560x128xf32, #tpu.memory_space<vmem>>, vector<1x2560x128xf32>
    %get3A_3 = vector.shape_cast %get3A_2 : vector<1x2560x128xf32> to vector<2560x128xf32>
    %transpose3A = tpu.transpose %get3A_3, [1, 0] : vector<2560x128xf32> -> vector<128x2560xf32>
    %get3A_4 = arith.constant 0 : index
    %get3A_5 = arith.constant 0 : index
    %get3A_6 = arith.constant 0 : index
    %get3A_7 = vector.load %arg3[%get3A_4, %get3A_5, %get3A_6] : memref<1x128x128xf32, #tpu.memory_space<vmem>>, vector<1x128x128xf32>
    %get3A_8 = vector.shape_cast %get3A_7 : vector<1x128x128xf32> to vector<128x128xf32>
    %transpose3A_9 = tpu.transpose %get3A_8, [1, 0] : vector<128x128xf32> -> vector<128x128xf32>
    %get3A_10 = arith.constant 0 : index
    %get3A_11 = arith.constant 0 : index
    %get3A_12 = vector.load %arg4[%get3A_10, %get3A_11] : memref<21x42xf32, #tpu.memory_space<vmem>>, vector<21x42xf32>
    %slice3A = vector.extract_strided_slice %transpose3A {offsets = [0, 0], sizes = [21, 2560], strides = [1, 1]} : vector<128x2560xf32> to vector<21x2560xf32>
    %slice3A_13 = vector.extract_strided_slice %transpose3A_9 {offsets = [0, 0], sizes = [21, 128], strides = [1, 1]} : vector<128x128xf32> to vector<21x128xf32>
    %broadcast_in_dim3A = vector.shape_cast %slice3A_13 : vector<21x128xf32> to vector<21x128x1xf32>
    %broadcast_in_dim3A_14 = vector.shape_cast %broadcast_in_dim3A : vector<21x128x1xf32> to vector<21x128x1xf32>
    %broadcast_in_dim3A_15 = vector.broadcast %broadcast_in_dim3A_14 : vector<21x128x1xf32> to vector<21x128x20xf32>
    %reshape3A = vector.shape_cast %broadcast_in_dim3A_15 : vector<21x128x20xf32> to vector<21x2560xf32>
    %sub3A = arith.subf %slice3A, %reshape3A : vector<21x2560xf32>
    %concatenate3A = tpu.concatenate %sub3A, %reshape3A in 0 : vector<21x2560xf32>, vector<21x2560xf32> -> vector<42x2560xf32>
    %dot_general3A = arith.constant dense<0.000000e+00> : vector<21x2560xf32>
    %dot_general3A_16 = tpu.matmul %get3A_12, %concatenate3A, %dot_general3A {dimension_numbers = #tpu.dot_dimension_numbers<[1], [0], [0], [1], [0, 0, 1, 1], [], []>, transpose_lhs_hint = false} : vector<21x42xf32>, vector<42x2560xf32>, vector<21x2560xf32> -> vector<21x2560xf32>
    %slice3A_17 = vector.extract_strided_slice %transpose3A {offsets = [21, 0], sizes = [21, 2560], strides = [1, 1]} : vector<128x2560xf32> to vector<21x2560xf32>
    %slice3A_18 = vector.extract_strided_slice %transpose3A_9 {offsets = [21, 0], sizes = [21, 128], strides = [1, 1]} : vector<128x128xf32> to vector<21x128xf32>
    %broadcast_in_dim3A_19 = vector.shape_cast %slice3A_18 : vector<21x128xf32> to vector<21x128x1xf32>
    %broadcast_in_dim3A_20 = vector.shape_cast %broadcast_in_dim3A_19 : vector<21x128x1xf32> to vector<21x128x1xf32>
    %broadcast_in_dim3A_21 = vector.broadcast %broadcast_in_dim3A_20 : vector<21x128x1xf32> to vector<21x128x20xf32>
    %reshape3A_22 = vector.shape_cast %broadcast_in_dim3A_21 : vector<21x128x20xf32> to vector<21x2560xf32>
    %sub3A_23 = arith.subf %slice3A_17, %reshape3A_22 : vector<21x2560xf32>
    %concatenate3A_24 = tpu.concatenate %sub3A_23, %reshape3A_22 in 0 : vector<21x2560xf32>, vector<21x2560xf32> -> vector<42x2560xf32>
    %dot_general3A_25 = arith.constant dense<0.000000e+00> : vector<21x2560xf32>
    %dot_general3A_26 = tpu.matmul %get3A_12, %concatenate3A_24, %dot_general3A_25 {dimension_numbers = #tpu.dot_dimension_numbers<[1], [0], [0], [1], [0, 0, 1, 1], [], []>, transpose_lhs_hint = false} : vector<21x42xf32>, vector<42x2560xf32>, vector<21x2560xf32> -> vector<21x2560xf32>
    %slice3A_27 = vector.extract_strided_slice %transpose3A {offsets = [42, 0], sizes = [21, 2560], strides = [1, 1]} : vector<128x2560xf32> to vector<21x2560xf32>
    %slice3A_28 = vector.extract_strided_slice %transpose3A_9 {offsets = [42, 0], sizes = [21, 128], strides = [1, 1]} : vector<128x128xf32> to vector<21x128xf32>
    %broadcast_in_dim3A_29 = vector.shape_cast %slice3A_28 : vector<21x128xf32> to vector<21x128x1xf32>
    %broadcast_in_dim3A_30 = vector.shape_cast %broadcast_in_dim3A_29 : vector<21x128x1xf32> to vector<21x128x1xf32>
    %broadcast_in_dim3A_31 = vector.broadcast %broadcast_in_dim3A_30 : vector<21x128x1xf32> to vector<21x128x20xf32>
    %reshape3A_32 = vector.shape_cast %broadcast_in_dim3A_31 : vector<21x128x20xf32> to vector<21x2560xf32>
    %sub3A_33 = arith.subf %slice3A_27, %reshape3A_32 : vector<21x2560xf32>
    %concatenate3A_34 = tpu.concatenate %sub3A_33, %reshape3A_32 in 0 : vector<21x2560xf32>, vector<21x2560xf32> -> vector<42x2560xf32>
    %dot_general3A_35 = arith.constant dense<0.000000e+00> : vector<21x2560xf32>
    %dot_general3A_36 = tpu.matmul %get3A_12, %concatenate3A_34, %dot_general3A_35 {dimension_numbers = #tpu.dot_dimension_numbers<[1], [0], [0], [1], [0, 0, 1, 1], [], []>, transpose_lhs_hint = false} : vector<21x42xf32>, vector<42x2560xf32>, vector<21x2560xf32> -> vector<21x2560xf32>
    %get3A_37 = arith.constant 0 : index
    %get3A_38 = arith.constant 0 : index
    %get3A_39 = vector.load %arg5[%get3A_37, %get3A_38] : memref<21x42xf32, #tpu.memory_space<vmem>>, vector<21x42xf32>
    %slice3A_40 = vector.extract_strided_slice %transpose3A {offsets = [0, 0], sizes = [21, 2560], strides = [1, 1]} : vector<128x2560xf32> to vector<21x2560xf32>
    %slice3A_41 = vector.extract_strided_slice %transpose3A_9 {offsets = [0, 0], sizes = [21, 128], strides = [1, 1]} : vector<128x128xf32> to vector<21x128xf32>
    %broadcast_in_dim3A_42 = vector.shape_cast %slice3A_41 : vector<21x128xf32> to vector<21x128x1xf32>
    %broadcast_in_dim3A_43 = vector.shape_cast %broadcast_in_dim3A_42 : vector<21x128x1xf32> to vector<21x128x1xf32>
    %broadcast_in_dim3A_44 = vector.broadcast %broadcast_in_dim3A_43 : vector<21x128x1xf32> to vector<21x128x20xf32>
    %reshape3A_45 = vector.shape_cast %broadcast_in_dim3A_44 : vector<21x128x20xf32> to vector<21x2560xf32>
    %sub3A_46 = arith.subf %slice3A_40, %reshape3A_45 : vector<21x2560xf32>
    %concatenate3A_47 = tpu.concatenate %sub3A_46, %reshape3A_45 in 0 : vector<21x2560xf32>, vector<21x2560xf32> -> vector<42x2560xf32>
    %dot_general3A_48 = arith.constant dense<0.000000e+00> : vector<21x2560xf32>
    %dot_general3A_49 = tpu.matmul %get3A_39, %concatenate3A_47, %dot_general3A_48 {dimension_numbers = #tpu.dot_dimension_numbers<[1], [0], [0], [1], [0, 0, 1, 1], [], []>, transpose_lhs_hint = false} : vector<21x42xf32>, vector<42x2560xf32>, vector<21x2560xf32> -> vector<21x2560xf32>
    %slice3A_50 = vector.extract_strided_slice %transpose3A {offsets = [21, 0], sizes = [21, 2560], strides = [1, 1]} : vector<128x2560xf32> to vector<21x2560xf32>
    %slice3A_51 = vector.extract_strided_slice %transpose3A_9 {offsets = [21, 0], sizes = [21, 128], strides = [1, 1]} : vector<128x128xf32> to vector<21x128xf32>
    %broadcast_in_dim3A_52 = vector.shape_cast %slice3A_51 : vector<21x128xf32> to vector<21x128x1xf32>
    %broadcast_in_dim3A_53 = vector.shape_cast %broadcast_in_dim3A_52 : vector<21x128x1xf32> to vector<21x128x1xf32>
    %broadcast_in_dim3A_54 = vector.broadcast %broadcast_in_dim3A_53 : vector<21x128x1xf32> to vector<21x128x20xf32>
    %reshape3A_55 = vector.shape_cast %broadcast_in_dim3A_54 : vector<21x128x20xf32> to vector<21x2560xf32>
    %sub3A_56 = arith.subf %slice3A_50, %reshape3A_55 : vector<21x2560xf32>
    %concatenate3A_57 = tpu.concatenate %sub3A_56, %reshape3A_55 in 0 : vector<21x2560xf32>, vector<21x2560xf32> -> vector<42x2560xf32>
    %dot_general3A_58 = arith.constant dense<0.000000e+00> : vector<21x2560xf32>
    %dot_general3A_59 = tpu.matmul %get3A_39, %concatenate3A_57, %dot_general3A_58 {dimension_numbers = #tpu.dot_dimension_numbers<[1], [0], [0], [1], [0, 0, 1, 1], [], []>, transpose_lhs_hint = false} : vector<21x42xf32>, vector<42x2560xf32>, vector<21x2560xf32> -> vector<21x2560xf32>
    %slice3A_60 = vector.extract_strided_slice %transpose3A {offsets = [42, 0], sizes = [21, 2560], strides = [1, 1]} : vector<128x2560xf32> to vector<21x2560xf32>
    %slice3A_61 = vector.extract_strided_slice %transpose3A_9 {offsets = [42, 0], sizes = [21, 128], strides = [1, 1]} : vector<128x128xf32> to vector<21x128xf32>
    %broadcast_in_dim3A_62 = vector.shape_cast %slice3A_61 : vector<21x128xf32> to vector<21x128x1xf32>
    %broadcast_in_dim3A_63 = vector.shape_cast %broadcast_in_dim3A_62 : vector<21x128x1xf32> to vector<21x128x1xf32>
    %broadcast_in_dim3A_64 = vector.broadcast %broadcast_in_dim3A_63 : vector<21x128x1xf32> to vector<21x128x20xf32>
    %reshape3A_65 = vector.shape_cast %broadcast_in_dim3A_64 : vector<21x128x20xf32> to vector<21x2560xf32>
    %sub3A_66 = arith.subf %slice3A_60, %reshape3A_65 : vector<21x2560xf32>
    %concatenate3A_67 = tpu.concatenate %sub3A_66, %reshape3A_65 in 0 : vector<21x2560xf32>, vector<21x2560xf32> -> vector<42x2560xf32>
    %dot_general3A_68 = arith.constant dense<0.000000e+00> : vector<21x2560xf32>
    %dot_general3A_69 = tpu.matmul %get3A_39, %concatenate3A_67, %dot_general3A_68 {dimension_numbers = #tpu.dot_dimension_numbers<[1], [0], [0], [1], [0, 0, 1, 1], [], []>, transpose_lhs_hint = false} : vector<21x42xf32>, vector<42x2560xf32>, vector<21x2560xf32> -> vector<21x2560xf32>
    %get3A_70 = arith.constant 0 : index
    %get3A_71 = arith.constant 0 : index
    %get3A_72 = vector.load %arg6[%get3A_70, %get3A_71] : memref<21x1xf32, #tpu.memory_space<vmem>>, vector<21x1xf32>
    %get3A_73 = arith.constant 0 : index
    %get3A_74 = arith.constant 0 : index
    %get3A_75 = vector.load %arg7[%get3A_73, %get3A_74] : memref<21x1xf32, #tpu.memory_space<vmem>>, vector<21x1xf32>
    %mul3A = arith.mulf %dot_general3A_16, %dot_general3A_16 : vector<21x2560xf32>
    %mul3A_76 = arith.mulf %dot_general3A_26, %dot_general3A_26 : vector<21x2560xf32>
    %add3A = arith.addf %mul3A, %mul3A_76 : vector<21x2560xf32>
    %mul3A_77 = arith.mulf %dot_general3A_36, %dot_general3A_36 : vector<21x2560xf32>
    %add3A_78 = arith.addf %add3A, %mul3A_77 : vector<21x2560xf32>
    %sqrt3A = math.sqrt %add3A_78 : vector<21x2560xf32>
    %add3A_79 = arith.constant 9.99999997E-7 : f32
    %add3A_80 = vector.broadcast %add3A_79 : f32 to vector<21x2560xf32>
    %add3A_81 = arith.addf %sqrt3A, %add3A_80 : vector<21x2560xf32>
    %sub3A_82 = vector.broadcast %get3A_72 : vector<21x1xf32> to vector<21x2560xf32>
    %sub3A_83 = arith.subf %add3A_81, %sub3A_82 : vector<21x2560xf32>
    %add3A_84 = arith.constant 9.99999974E-6 : f32
    %add3A_85 = vector.broadcast %add3A_84 : f32 to vector<21x1xf32>
    %add3A_86 = arith.addf %get3A_75, %add3A_85 : vector<21x1xf32>
    %sqrt3A_87 = math.sqrt %add3A_86 : vector<21x1xf32>
    %div3A = vector.broadcast %sqrt3A_87 : vector<21x1xf32> to vector<21x2560xf32>
    %div3A_88 = arith.divf %sub3A_83, %div3A : vector<21x2560xf32>
    %div3A_89 = arith.divf %dot_general3A_16, %add3A_81 : vector<21x2560xf32>
    %mul3A_90 = arith.mulf %div3A_89, %div3A_88 : vector<21x2560xf32>
    %div3A_91 = arith.divf %dot_general3A_26, %add3A_81 : vector<21x2560xf32>
    %mul3A_92 = arith.mulf %div3A_91, %div3A_88 : vector<21x2560xf32>
    %div3A_93 = arith.divf %dot_general3A_36, %add3A_81 : vector<21x2560xf32>
    %mul3A_94 = arith.mulf %div3A_93, %div3A_88 : vector<21x2560xf32>
    %mul3A_95 = arith.mulf %mul3A_90, %dot_general3A_49 : vector<21x2560xf32>
    %mul3A_96 = arith.mulf %mul3A_92, %dot_general3A_59 : vector<21x2560xf32>
    %add3A_97 = arith.addf %mul3A_95, %mul3A_96 : vector<21x2560xf32>
    %mul3A_98 = arith.mulf %mul3A_94, %dot_general3A_69 : vector<21x2560xf32>
    %add3A_99 = arith.addf %add3A_97, %mul3A_98 : vector<21x2560xf32>
    %mul3A_100 = arith.mulf %dot_general3A_49, %dot_general3A_49 : vector<21x2560xf32>
    %mul3A_101 = arith.mulf %dot_general3A_59, %dot_general3A_59 : vector<21x2560xf32>
    %add3A_102 = arith.addf %mul3A_100, %mul3A_101 : vector<21x2560xf32>
    %mul3A_103 = arith.mulf %dot_general3A_69, %dot_general3A_69 : vector<21x2560xf32>
    %add3A_104 = arith.addf %add3A_102, %mul3A_103 : vector<21x2560xf32>
    %ge3A = arith.constant 0.000000e+00 : f32
    %ge3A_105 = vector.broadcast %ge3A : f32 to vector<21x2560xf32>
    %ge3A_106 = arith.cmpf oge, %add3A_99, %ge3A_105 : vector<21x2560xf32>
    %convert_element_type3A = arith.extui %ge3A_106 : vector<21x2560xi1> to vector<21x2560xi32>
    %convert_element_type3A_107 = arith.sitofp %convert_element_type3A : vector<21x2560xi32> to vector<21x2560xf32>
    %add3A_108 = arith.constant 9.99999997E-7 : f32
    %add3A_109 = vector.broadcast %add3A_108 : f32 to vector<21x2560xf32>
    %add3A_110 = arith.addf %add3A_104, %add3A_109 : vector<21x2560xf32>
    %div3A_111 = arith.divf %add3A_99, %add3A_110 : vector<21x2560xf32>
    %mul3A_112 = arith.constant 2.000000e-01 : f32
    %mul3A_113 = vector.broadcast %mul3A_112 : f32 to vector<21x2560xf32>
    %mul3A_114 = arith.mulf %mul3A_113, %mul3A_90 : vector<21x2560xf32>
    %mul3A_115 = arith.mulf %convert_element_type3A_107, %mul3A_90 : vector<21x2560xf32>
    %sub3A_116 = arith.constant 1.000000e+00 : f32
    %sub3A_117 = vector.broadcast %sub3A_116 : f32 to vector<21x2560xf32>
    %sub3A_118 = arith.subf %sub3A_117, %convert_element_type3A_107 : vector<21x2560xf32>
    %mul3A_119 = arith.mulf %div3A_111, %dot_general3A_49 : vector<21x2560xf32>
    %sub3A_120 = arith.subf %mul3A_90, %mul3A_119 : vector<21x2560xf32>
    %mul3A_121 = arith.mulf %sub3A_118, %sub3A_120 : vector<21x2560xf32>
    %add3A_122 = arith.addf %mul3A_115, %mul3A_121 : vector<21x2560xf32>
    %mul3A_123 = arith.constant 8.000000e-01 : f32
    %mul3A_124 = vector.broadcast %mul3A_123 : f32 to vector<21x2560xf32>
    %mul3A_125 = arith.mulf %mul3A_124, %add3A_122 : vector<21x2560xf32>
    %add3A_126 = arith.addf %mul3A_114, %mul3A_125 : vector<21x2560xf32>
    %reshape3A_127 = vector.shape_cast %add3A_126 : vector<21x2560xf32> to vector<21x128x20xf32>
    %reduce_sum3A = arith.constant dense<0.000000e+00> : vector<21x128xf32>
    %reduce_sum3A_128 = vector.multi_reduction <add>, %reshape3A_127, %reduce_sum3A [2] : vector<21x128x20xf32> to vector<21x128xf32>
    %div3A_129 = arith.constant 2.000000e+01 : f32
    %div3A_130 = vector.broadcast %div3A_129 : f32 to vector<21x128xf32>
    %div3A_131 = arith.divf %reduce_sum3A_128, %div3A_130 : vector<21x128xf32>
    %swap3A = arith.constant 0 : index
    %swap3A_132 = arith.constant 0 : index
    %swap3A_133 = arith.constant 0 : index
    %swap3A_134 = arith.constant 0 : index
    %swap3A_135 = vector.load %arg8[%swap3A, %swap3A_132, %swap3A_133, %swap3A_134] : memref<1x21x3x128xf32, #tpu.memory_space<vmem>>, vector<1x21x1x128xf32>
    %swap3A_136 = vector.shape_cast %swap3A_135 : vector<1x21x1x128xf32> to vector<21x128xf32>
    %swap3A_137 = vector.shape_cast %div3A_131 : vector<21x128xf32> to vector<1x21x1x128xf32>
    tpu.vector_store %arg8[%swap3A, %swap3A_132, %swap3A_133, %swap3A_134], %swap3A_137 {strides = array<i32>} : memref<1x21x3x128xf32, #tpu.memory_space<vmem>>, vector<1x21x1x128xf32>,
    %mul3A_138 = arith.constant 2.000000e-01 : f32
    %mul3A_139 = vector.broadcast %mul3A_138 : f32 to vector<21x2560xf32>
    %mul3A_140 = arith.mulf %mul3A_139, %mul3A_92 : vector<21x2560xf32>
    %mul3A_141 = arith.mulf %convert_element_type3A_107, %mul3A_92 : vector<21x2560xf32>
    %sub3A_142 = arith.constant 1.000000e+00 : f32
    %sub3A_143 = vector.broadcast %sub3A_142 : f32 to vector<21x2560xf32>
    %sub3A_144 = arith.subf %sub3A_143, %convert_element_type3A_107 : vector<21x2560xf32>
    %mul3A_145 = arith.mulf %div3A_111, %dot_general3A_59 : vector<21x2560xf32>
    %sub3A_146 = arith.subf %mul3A_92, %mul3A_145 : vector<21x2560xf32>
    %mul3A_147 = arith.mulf %sub3A_144, %sub3A_146 : vector<21x2560xf32>
    %add3A_148 = arith.addf %mul3A_141, %mul3A_147 : vector<21x2560xf32>
    %mul3A_149 = arith.constant 8.000000e-01 : f32
    %mul3A_150 = vector.broadcast %mul3A_149 : f32 to vector<21x2560xf32>
    %mul3A_151 = arith.mulf %mul3A_150, %add3A_148 : vector<21x2560xf32>
    %add3A_152 = arith.addf %mul3A_140, %mul3A_151 : vector<21x2560xf32>
    %reshape3A_153 = vector.shape_cast %add3A_152 : vector<21x2560xf32> to vector<21x128x20xf32>
    %reduce_sum3A_154 = arith.constant dense<0.000000e+00> : vector<21x128xf32>
    %reduce_sum3A_155 = vector.multi_reduction <add>, %reshape3A_153, %reduce_sum3A_154 [2] : vector<21x128x20xf32> to vector<21x128xf32>
    %div3A_156 = arith.constant 2.000000e+01 : f32
    %div3A_157 = vector.broadcast %div3A_156 : f32 to vector<21x128xf32>
    %div3A_158 = arith.divf %reduce_sum3A_155, %div3A_157 : vector<21x128xf32>
    %swap3A_159 = arith.constant 0 : index
    %swap3A_160 = arith.constant 0 : index
    %swap3A_161 = arith.constant 1 : index
    %swap3A_162 = arith.constant 0 : index
    %swap3A_163 = vector.load %arg8[%swap3A_159, %swap3A_160, %swap3A_161, %swap3A_162] : memref<1x21x3x128xf32, #tpu.memory_space<vmem>>, vector<1x21x1x128xf32>
    %swap3A_164 = vector.shape_cast %swap3A_163 : vector<1x21x1x128xf32> to vector<21x128xf32>
    %swap3A_165 = vector.shape_cast %div3A_158 : vector<21x128xf32> to vector<1x21x1x128xf32>
    tpu.vector_store %arg8[%swap3A_159, %swap3A_160, %swap3A_161, %swap3A_162], %swap3A_165 {strides = array<i32>} : memref<1x21x3x128xf32, #tpu.memory_space<vmem>>, vector<1x21x1x128xf32>,
    %mul3A_166 = arith.constant 2.000000e-01 : f32
    %mul3A_167 = vector.broadcast %mul3A_166 : f32 to vector<21x2560xf32>
    %mul3A_168 = arith.mulf %mul3A_167, %mul3A_94 : vector<21x2560xf32>
    %mul3A_169 = arith.mulf %convert_element_type3A_107, %mul3A_94 : vector<21x2560xf32>
    %sub3A_170 = arith.constant 1.000000e+00 : f32
    %sub3A_171 = vector.broadcast %sub3A_170 : f32 to vector<21x2560xf32>
    %sub3A_172 = arith.subf %sub3A_171, %convert_element_type3A_107 : vector<21x2560xf32>
    %mul3A_173 = arith.mulf %div3A_111, %dot_general3A_69 : vector<21x2560xf32>
    %sub3A_174 = arith.subf %mul3A_94, %mul3A_173 : vector<21x2560xf32>
    %mul3A_175 = arith.mulf %sub3A_172, %sub3A_174 : vector<21x2560xf32>
    %add3A_176 = arith.addf %mul3A_169, %mul3A_175 : vector<21x2560xf32>
    %mul3A_177 = arith.constant 8.000000e-01 : f32
    %mul3A_178 = vector.broadcast %mul3A_177 : f32 to vector<21x2560xf32>
    %mul3A_179 = arith.mulf %mul3A_178, %add3A_176 : vector<21x2560xf32>
    %add3A_180 = arith.addf %mul3A_168, %mul3A_179 : vector<21x2560xf32>
    %reshape3A_181 = vector.shape_cast %add3A_180 : vector<21x2560xf32> to vector<21x128x20xf32>
    %reduce_sum3A_182 = arith.constant dense<0.000000e+00> : vector<21x128xf32>
    %reduce_sum3A_183 = vector.multi_reduction <add>, %reshape3A_181, %reduce_sum3A_182 [2] : vector<21x128x20xf32> to vector<21x128xf32>
    %div3A_184 = arith.constant 2.000000e+01 : f32
    %div3A_185 = vector.broadcast %div3A_184 : f32 to vector<21x128xf32>
    %div3A_186 = arith.divf %reduce_sum3A_183, %div3A_185 : vector<21x128xf32>
    %swap3A_187 = arith.constant 0 : index
    %swap3A_188 = arith.constant 0 : index
    %swap3A_189 = arith.constant 2 : index
    %swap3A_190 = arith.constant 0 : index
    %swap3A_191 = vector.load %arg8[%swap3A_187, %swap3A_188, %swap3A_189, %swap3A_190] : memref<1x21x3x128xf32, #tpu.memory_space<vmem>>, vector<1x21x1x128xf32>
    %swap3A_192 = vector.shape_cast %swap3A_191 : vector<1x21x1x128xf32> to vector<21x128xf32>
    %swap3A_193 = vector.shape_cast %div3A_186 : vector<21x128xf32> to vector<1x21x1x128xf32>
    tpu.vector_store %arg8[%swap3A_187, %swap3A_188, %swap3A_189, %swap3A_190], %swap3A_193 {strides = array<i32>} : memref<1x21x3x128xf32, #tpu.memory_space<vmem>>, vector<1x21x1x128xf32>,
    return
  }
  func.func @transform_0(%arg0: i32, %arg1: i32) -> (i32, i32, i32) {
    %c0_i32 = arith.constant 0 : i32
    %c0_i32_0 = arith.constant 0 : i32
    return %arg0, %arg1, %c0_i32 : i32, i32, i32
  }
  func.func @transform_1(%arg0: i32, %arg1: i32) -> (i32, i32, i32) {
    %c0_i32 = arith.constant 0 : i32
    %c0_i32_0 = arith.constant 0 : i32
    return %arg0, %arg1, %c0_i32 : i32, i32, i32
  }
  func.func @transform_2(%arg0: i32, %arg1: i32) -> (i32, i32) {
    %c0_i32 = arith.constant 0 : i32
    %c0_i32_0 = arith.constant 0 : i32
    %c0_i32_1 = arith.constant 0 : i32
    return %c0_i32, %c0_i32_0 : i32, i32
  }
  func.func @transform_3(%arg0: i32, %arg1: i32) -> (i32, i32) {
    %c0_i32 = arith.constant 0 : i32
    %c0_i32_0 = arith.constant 0 : i32
    %c0_i32_1 = arith.constant 0 : i32
    return %c0_i32, %c0_i32_0 : i32, i32
  }
  func.func @transform_4(%arg0: i32, %arg1: i32) -> (i32, i32) {
    %c0_i32 = arith.constant 0 : i32
    %c0_i32_0 = arith.constant 0 : i32
    %c0_i32_1 = arith.constant 0 : i32
    return %c0_i32, %c0_i32_0 : i32, i32
  }
  func.func @transform_5(%arg0: i32, %arg1: i32) -> (i32, i32) {
    %c0_i32 = arith.constant 0 : i32
    %c0_i32_0 = arith.constant 0 : i32
    %c0_i32_1 = arith.constant 0 : i32
    return %c0_i32, %c0_i32_0 : i32, i32
  }
  func.func @transform_6(%arg0: i32, %arg1: i32) -> (i32, i32, i32, i32) {
    %c0_i32 = arith.constant 0 : i32
    %c0_i32_0 = arith.constant 0 : i32
    %c0_i32_1 = arith.constant 0 : i32
    return %arg0, %c0_i32, %c0_i32_0, %arg1 : i32, i32, i32, i32
  }
}

module attributes {stable_mosaic.version = 14 : i64} {
  func.func @_passA_body(%arg0: i32, %arg1: i32, %arg2: memref<1x2560x128xf32, #tpu.memory_space<vmem>>, %arg3: memref<1x128x128xf32, #tpu.memory_space<vmem>>, %arg4: memref<42x42xf32, #tpu.memory_space<vmem>>, %arg5: memref<1x42x2560xf32, #tpu.memory_space<vmem>>) attributes {dimension_semantics = [#tpu.dimension_semantics<arbitrary>, #tpu.dimension_semantics<arbitrary>], iteration_bounds = array<i64: 8, 8>, scalar_prefetch = 0 : i64, scratch_operands = 0 : i64, tpu.core_type = #tpu.core_type<tc>, window_params = [{transform_indices = @transform_0, window_bounds = array<i64: 1, 2560, 128>}, {transform_indices = @transform_1, window_bounds = array<i64: 1, 128, 128>}, {pipeline_mode = #tpu.pipeline_mode<synchronous>, transform_indices = @transform_2, window_bounds = array<i64: 42, 42>}, {transform_indices = @transform_3, window_bounds = array<i64: 1, 42, 2560>}]} {
    %get3A = arith.constant 0 : index
    %get3A_0 = arith.constant 0 : index
    %get3A_1 = arith.constant 0 : index
    %get3A_2 = vector.load %arg2[%get3A, %get3A_0, %get3A_1] : memref<1x2560x128xf32, #tpu.memory_space<vmem>>, vector<1x2560x128xf32>
    %get3A_3 = vector.shape_cast %get3A_2 : vector<1x2560x128xf32> to vector<2560x128xf32>
    %transpose3A = tpu.transpose %get3A_3, [1, 0] : vector<2560x128xf32> -> vector<128x2560xf32>
    %get3A_4 = arith.constant 0 : index
    %get3A_5 = arith.constant 0 : index
    %get3A_6 = arith.constant 0 : index
    %get3A_7 = vector.load %arg3[%get3A_4, %get3A_5, %get3A_6] : memref<1x128x128xf32, #tpu.memory_space<vmem>>, vector<1x128x128xf32>
    %get3A_8 = vector.shape_cast %get3A_7 : vector<1x128x128xf32> to vector<128x128xf32>
    %transpose3A_9 = tpu.transpose %get3A_8, [1, 0] : vector<128x128xf32> -> vector<128x128xf32>
    %get3A_10 = arith.constant 0 : index
    %get3A_11 = arith.constant 0 : index
    %get3A_12 = vector.load %arg4[%get3A_10, %get3A_11] : memref<42x42xf32, #tpu.memory_space<vmem>>, vector<42x42xf32>
    %slice3A = vector.extract_strided_slice %transpose3A {offsets = [0, 0], sizes = [21, 2560], strides = [1, 1]} : vector<128x2560xf32> to vector<21x2560xf32>
    %slice3A_13 = vector.extract_strided_slice %transpose3A_9 {offsets = [0, 0], sizes = [21, 128], strides = [1, 1]} : vector<128x128xf32> to vector<21x128xf32>
    %broadcast_in_dim3A = vector.shape_cast %slice3A_13 : vector<21x128xf32> to vector<21x128x1xf32>
    %broadcast_in_dim3A_14 = vector.shape_cast %broadcast_in_dim3A : vector<21x128x1xf32> to vector<21x128x1xf32>
    %broadcast_in_dim3A_15 = vector.broadcast %broadcast_in_dim3A_14 : vector<21x128x1xf32> to vector<21x128x20xf32>
    %reshape3A = vector.shape_cast %broadcast_in_dim3A_15 : vector<21x128x20xf32> to vector<21x2560xf32>
    %sub3A = arith.subf %slice3A, %reshape3A : vector<21x2560xf32>
    %concatenate3A = tpu.concatenate %sub3A, %reshape3A in 0 : vector<21x2560xf32>, vector<21x2560xf32> -> vector<42x2560xf32>
    %dot_general3A = arith.constant dense<0.000000e+00> : vector<42x2560xf32>
    %dot_general3A_16 = tpu.matmul %get3A_12, %concatenate3A, %dot_general3A {dimension_numbers = #tpu.dot_dimension_numbers<[1], [0], [0], [1], [0, 0, 1, 1], [], []>, transpose_lhs_hint = false} : vector<42x42xf32>, vector<42x2560xf32>, vector<42x2560xf32> -> vector<42x2560xf32>
    %slice3A_17 = vector.extract_strided_slice %transpose3A {offsets = [21, 0], sizes = [21, 2560], strides = [1, 1]} : vector<128x2560xf32> to vector<21x2560xf32>
    %slice3A_18 = vector.extract_strided_slice %transpose3A_9 {offsets = [21, 0], sizes = [21, 128], strides = [1, 1]} : vector<128x128xf32> to vector<21x128xf32>
    %broadcast_in_dim3A_19 = vector.shape_cast %slice3A_18 : vector<21x128xf32> to vector<21x128x1xf32>
    %broadcast_in_dim3A_20 = vector.shape_cast %broadcast_in_dim3A_19 : vector<21x128x1xf32> to vector<21x128x1xf32>
    %broadcast_in_dim3A_21 = vector.broadcast %broadcast_in_dim3A_20 : vector<21x128x1xf32> to vector<21x128x20xf32>
    %reshape3A_22 = vector.shape_cast %broadcast_in_dim3A_21 : vector<21x128x20xf32> to vector<21x2560xf32>
    %sub3A_23 = arith.subf %slice3A_17, %reshape3A_22 : vector<21x2560xf32>
    %concatenate3A_24 = tpu.concatenate %sub3A_23, %reshape3A_22 in 0 : vector<21x2560xf32>, vector<21x2560xf32> -> vector<42x2560xf32>
    %dot_general3A_25 = arith.constant dense<0.000000e+00> : vector<42x2560xf32>
    %dot_general3A_26 = tpu.matmul %get3A_12, %concatenate3A_24, %dot_general3A_25 {dimension_numbers = #tpu.dot_dimension_numbers<[1], [0], [0], [1], [0, 0, 1, 1], [], []>, transpose_lhs_hint = false} : vector<42x42xf32>, vector<42x2560xf32>, vector<42x2560xf32> -> vector<42x2560xf32>
    %slice3A_27 = vector.extract_strided_slice %transpose3A {offsets = [42, 0], sizes = [21, 2560], strides = [1, 1]} : vector<128x2560xf32> to vector<21x2560xf32>
    %slice3A_28 = vector.extract_strided_slice %transpose3A_9 {offsets = [42, 0], sizes = [21, 128], strides = [1, 1]} : vector<128x128xf32> to vector<21x128xf32>
    %broadcast_in_dim3A_29 = vector.shape_cast %slice3A_28 : vector<21x128xf32> to vector<21x128x1xf32>
    %broadcast_in_dim3A_30 = vector.shape_cast %broadcast_in_dim3A_29 : vector<21x128x1xf32> to vector<21x128x1xf32>
    %broadcast_in_dim3A_31 = vector.broadcast %broadcast_in_dim3A_30 : vector<21x128x1xf32> to vector<21x128x20xf32>
    %reshape3A_32 = vector.shape_cast %broadcast_in_dim3A_31 : vector<21x128x20xf32> to vector<21x2560xf32>
    %sub3A_33 = arith.subf %slice3A_27, %reshape3A_32 : vector<21x2560xf32>
    %concatenate3A_34 = tpu.concatenate %sub3A_33, %reshape3A_32 in 0 : vector<21x2560xf32>, vector<21x2560xf32> -> vector<42x2560xf32>
    %dot_general3A_35 = arith.constant dense<0.000000e+00> : vector<42x2560xf32>
    %dot_general3A_36 = tpu.matmul %get3A_12, %concatenate3A_34, %dot_general3A_35 {dimension_numbers = #tpu.dot_dimension_numbers<[1], [0], [0], [1], [0, 0, 1, 1], [], []>, transpose_lhs_hint = false} : vector<42x42xf32>, vector<42x2560xf32>, vector<42x2560xf32> -> vector<42x2560xf32>
    %mul3A = arith.mulf %dot_general3A_16, %dot_general3A_16 : vector<42x2560xf32>
    %mul3A_37 = arith.mulf %dot_general3A_26, %dot_general3A_26 : vector<42x2560xf32>
    %add3A = arith.addf %mul3A, %mul3A_37 : vector<42x2560xf32>
    %mul3A_38 = arith.mulf %dot_general3A_36, %dot_general3A_36 : vector<42x2560xf32>
    %add3A_39 = arith.addf %add3A, %mul3A_38 : vector<42x2560xf32>
    %sqrt3A = math.sqrt %add3A_39 : vector<42x2560xf32>
    %add3A_40 = arith.constant 9.99999997E-7 : f32
    %add3A_41 = vector.broadcast %add3A_40 : f32 to vector<42x2560xf32>
    %add3A_42 = arith.addf %sqrt3A, %add3A_41 : vector<42x2560xf32>
    %swap3A = arith.constant 0 : index
    %swap3A_43 = arith.constant 0 : index
    %swap3A_44 = arith.constant 0 : index
    %swap3A_45 = vector.load %arg5[%swap3A, %swap3A_43, %swap3A_44] : memref<1x42x2560xf32, #tpu.memory_space<vmem>>, vector<1x42x2560xf32>
    %swap3A_46 = vector.shape_cast %swap3A_45 : vector<1x42x2560xf32> to vector<42x2560xf32>
    %swap3A_47 = vector.shape_cast %add3A_42 : vector<42x2560xf32> to vector<1x42x2560xf32>
    tpu.vector_store %arg5[%swap3A, %swap3A_43, %swap3A_44], %swap3A_47 {strides = array<i32>} : memref<1x42x2560xf32, #tpu.memory_space<vmem>>, vector<1x42x2560xf32>,
    return
  }
  func.func @transform_0(%arg0: i32, %arg1: i32) -> (i32, i32, i32) {
    %c0_i32 = arith.constant 0 : i32
    %c0_i32_0 = arith.constant 0 : i32
    return %arg0, %arg1, %c0_i32 : i32, i32, i32
  }
  func.func @transform_1(%arg0: i32, %arg1: i32) -> (i32, i32, i32) {
    %c0_i32 = arith.constant 0 : i32
    %c0_i32_0 = arith.constant 0 : i32
    return %arg0, %arg1, %c0_i32 : i32, i32, i32
  }
  func.func @transform_2(%arg0: i32, %arg1: i32) -> (i32, i32) {
    %c0_i32 = arith.constant 0 : i32
    %c0_i32_0 = arith.constant 0 : i32
    %c0_i32_1 = arith.constant 0 : i32
    return %c0_i32, %c0_i32_0 : i32, i32
  }
  func.func @transform_3(%arg0: i32, %arg1: i32) -> (i32, i32, i32) {
    %c0_i32 = arith.constant 0 : i32
    %c0_i32_0 = arith.constant 0 : i32
    return %arg0, %c0_i32, %arg1 : i32, i32, i32
  }
}

module attributes {stable_mosaic.version = 14 : i64} {
  func.func @_passB_body(%arg0: i32, %arg1: i32, %arg2: memref<1x2560x128xf32, #tpu.memory_space<vmem>>, %arg3: memref<1x128x128xf32, #tpu.memory_space<vmem>>, %arg4: memref<42x42xf32, #tpu.memory_space<vmem>>, %arg5: memref<42x42xf32, #tpu.memory_space<vmem>>, %arg6: memref<42x1xf32, #tpu.memory_space<vmem>>, %arg7: memref<42x1xf32, #tpu.memory_space<vmem>>, %arg8: memref<1x42x3x128xf32, #tpu.memory_space<vmem>>) attributes {dimension_semantics = [#tpu.dimension_semantics<arbitrary>, #tpu.dimension_semantics<arbitrary>], iteration_bounds = array<i64: 8, 8>, scalar_prefetch = 0 : i64, scratch_operands = 0 : i64, tpu.core_type = #tpu.core_type<tc>, window_params = [{transform_indices = @transform_0, window_bounds = array<i64: 1, 2560, 128>}, {transform_indices = @transform_1, window_bounds = array<i64: 1, 128, 128>}, {pipeline_mode = #tpu.pipeline_mode<synchronous>, transform_indices = @transform_2, window_bounds = array<i64: 42, 42>}, {pipeline_mode = #tpu.pipeline_mode<synchronous>, transform_indices = @transform_3, window_bounds = array<i64: 42, 42>}, {pipeline_mode = #tpu.pipeline_mode<synchronous>, transform_indices = @transform_4, window_bounds = array<i64: 42, 1>}, {pipeline_mode = #tpu.pipeline_mode<synchronous>, transform_indices = @transform_5, window_bounds = array<i64: 42, 1>}, {transform_indices = @transform_6, window_bounds = array<i64: 1, 42, 3, 128>}]} {
    %get3A = arith.constant 0 : index
    %get3A_0 = arith.constant 0 : index
    %get3A_1 = arith.constant 0 : index
    %get3A_2 = vector.load %arg2[%get3A, %get3A_0, %get3A_1] : memref<1x2560x128xf32, #tpu.memory_space<vmem>>, vector<1x2560x128xf32>
    %get3A_3 = vector.shape_cast %get3A_2 : vector<1x2560x128xf32> to vector<2560x128xf32>
    %transpose3A = tpu.transpose %get3A_3, [1, 0] : vector<2560x128xf32> -> vector<128x2560xf32>
    %get3A_4 = arith.constant 0 : index
    %get3A_5 = arith.constant 0 : index
    %get3A_6 = arith.constant 0 : index
    %get3A_7 = vector.load %arg3[%get3A_4, %get3A_5, %get3A_6] : memref<1x128x128xf32, #tpu.memory_space<vmem>>, vector<1x128x128xf32>
    %get3A_8 = vector.shape_cast %get3A_7 : vector<1x128x128xf32> to vector<128x128xf32>
    %transpose3A_9 = tpu.transpose %get3A_8, [1, 0] : vector<128x128xf32> -> vector<128x128xf32>
    %get3A_10 = arith.constant 0 : index
    %get3A_11 = arith.constant 0 : index
    %get3A_12 = vector.load %arg4[%get3A_10, %get3A_11] : memref<42x42xf32, #tpu.memory_space<vmem>>, vector<42x42xf32>
    %slice3A = vector.extract_strided_slice %transpose3A {offsets = [0, 0], sizes = [21, 2560], strides = [1, 1]} : vector<128x2560xf32> to vector<21x2560xf32>
    %slice3A_13 = vector.extract_strided_slice %transpose3A_9 {offsets = [0, 0], sizes = [21, 128], strides = [1, 1]} : vector<128x128xf32> to vector<21x128xf32>
    %broadcast_in_dim3A = vector.shape_cast %slice3A_13 : vector<21x128xf32> to vector<21x128x1xf32>
    %broadcast_in_dim3A_14 = vector.shape_cast %broadcast_in_dim3A : vector<21x128x1xf32> to vector<21x128x1xf32>
    %broadcast_in_dim3A_15 = vector.broadcast %broadcast_in_dim3A_14 : vector<21x128x1xf32> to vector<21x128x20xf32>
    %reshape3A = vector.shape_cast %broadcast_in_dim3A_15 : vector<21x128x20xf32> to vector<21x2560xf32>
    %sub3A = arith.subf %slice3A, %reshape3A : vector<21x2560xf32>
    %concatenate3A = tpu.concatenate %sub3A, %reshape3A in 0 : vector<21x2560xf32>, vector<21x2560xf32> -> vector<42x2560xf32>
    %dot_general3A = arith.constant dense<0.000000e+00> : vector<42x2560xf32>
    %dot_general3A_16 = tpu.matmul %get3A_12, %concatenate3A, %dot_general3A {dimension_numbers = #tpu.dot_dimension_numbers<[1], [0], [0], [1], [0, 0, 1, 1], [], []>, transpose_lhs_hint = false} : vector<42x42xf32>, vector<42x2560xf32>, vector<42x2560xf32> -> vector<42x2560xf32>
    %slice3A_17 = vector.extract_strided_slice %transpose3A {offsets = [21, 0], sizes = [21, 2560], strides = [1, 1]} : vector<128x2560xf32> to vector<21x2560xf32>
    %slice3A_18 = vector.extract_strided_slice %transpose3A_9 {offsets = [21, 0], sizes = [21, 128], strides = [1, 1]} : vector<128x128xf32> to vector<21x128xf32>
    %broadcast_in_dim3A_19 = vector.shape_cast %slice3A_18 : vector<21x128xf32> to vector<21x128x1xf32>
    %broadcast_in_dim3A_20 = vector.shape_cast %broadcast_in_dim3A_19 : vector<21x128x1xf32> to vector<21x128x1xf32>
    %broadcast_in_dim3A_21 = vector.broadcast %broadcast_in_dim3A_20 : vector<21x128x1xf32> to vector<21x128x20xf32>
    %reshape3A_22 = vector.shape_cast %broadcast_in_dim3A_21 : vector<21x128x20xf32> to vector<21x2560xf32>
    %sub3A_23 = arith.subf %slice3A_17, %reshape3A_22 : vector<21x2560xf32>
    %concatenate3A_24 = tpu.concatenate %sub3A_23, %reshape3A_22 in 0 : vector<21x2560xf32>, vector<21x2560xf32> -> vector<42x2560xf32>
    %dot_general3A_25 = arith.constant dense<0.000000e+00> : vector<42x2560xf32>
    %dot_general3A_26 = tpu.matmul %get3A_12, %concatenate3A_24, %dot_general3A_25 {dimension_numbers = #tpu.dot_dimension_numbers<[1], [0], [0], [1], [0, 0, 1, 1], [], []>, transpose_lhs_hint = false} : vector<42x42xf32>, vector<42x2560xf32>, vector<42x2560xf32> -> vector<42x2560xf32>
    %slice3A_27 = vector.extract_strided_slice %transpose3A {offsets = [42, 0], sizes = [21, 2560], strides = [1, 1]} : vector<128x2560xf32> to vector<21x2560xf32>
    %slice3A_28 = vector.extract_strided_slice %transpose3A_9 {offsets = [42, 0], sizes = [21, 128], strides = [1, 1]} : vector<128x128xf32> to vector<21x128xf32>
    %broadcast_in_dim3A_29 = vector.shape_cast %slice3A_28 : vector<21x128xf32> to vector<21x128x1xf32>
    %broadcast_in_dim3A_30 = vector.shape_cast %broadcast_in_dim3A_29 : vector<21x128x1xf32> to vector<21x128x1xf32>
    %broadcast_in_dim3A_31 = vector.broadcast %broadcast_in_dim3A_30 : vector<21x128x1xf32> to vector<21x128x20xf32>
    %reshape3A_32 = vector.shape_cast %broadcast_in_dim3A_31 : vector<21x128x20xf32> to vector<21x2560xf32>
    %sub3A_33 = arith.subf %slice3A_27, %reshape3A_32 : vector<21x2560xf32>
    %concatenate3A_34 = tpu.concatenate %sub3A_33, %reshape3A_32 in 0 : vector<21x2560xf32>, vector<21x2560xf32> -> vector<42x2560xf32>
    %dot_general3A_35 = arith.constant dense<0.000000e+00> : vector<42x2560xf32>
    %dot_general3A_36 = tpu.matmul %get3A_12, %concatenate3A_34, %dot_general3A_35 {dimension_numbers = #tpu.dot_dimension_numbers<[1], [0], [0], [1], [0, 0, 1, 1], [], []>, transpose_lhs_hint = false} : vector<42x42xf32>, vector<42x2560xf32>, vector<42x2560xf32> -> vector<42x2560xf32>
    %get3A_37 = arith.constant 0 : index
    %get3A_38 = arith.constant 0 : index
    %get3A_39 = vector.load %arg5[%get3A_37, %get3A_38] : memref<42x42xf32, #tpu.memory_space<vmem>>, vector<42x42xf32>
    %slice3A_40 = vector.extract_strided_slice %transpose3A {offsets = [0, 0], sizes = [21, 2560], strides = [1, 1]} : vector<128x2560xf32> to vector<21x2560xf32>
    %slice3A_41 = vector.extract_strided_slice %transpose3A_9 {offsets = [0, 0], sizes = [21, 128], strides = [1, 1]} : vector<128x128xf32> to vector<21x128xf32>
    %broadcast_in_dim3A_42 = vector.shape_cast %slice3A_41 : vector<21x128xf32> to vector<21x128x1xf32>
    %broadcast_in_dim3A_43 = vector.shape_cast %broadcast_in_dim3A_42 : vector<21x128x1xf32> to vector<21x128x1xf32>
    %broadcast_in_dim3A_44 = vector.broadcast %broadcast_in_dim3A_43 : vector<21x128x1xf32> to vector<21x128x20xf32>
    %reshape3A_45 = vector.shape_cast %broadcast_in_dim3A_44 : vector<21x128x20xf32> to vector<21x2560xf32>
    %sub3A_46 = arith.subf %slice3A_40, %reshape3A_45 : vector<21x2560xf32>
    %concatenate3A_47 = tpu.concatenate %sub3A_46, %reshape3A_45 in 0 : vector<21x2560xf32>, vector<21x2560xf32> -> vector<42x2560xf32>
    %dot_general3A_48 = arith.constant dense<0.000000e+00> : vector<42x2560xf32>
    %dot_general3A_49 = tpu.matmul %get3A_39, %concatenate3A_47, %dot_general3A_48 {dimension_numbers = #tpu.dot_dimension_numbers<[1], [0], [0], [1], [0, 0, 1, 1], [], []>, transpose_lhs_hint = false} : vector<42x42xf32>, vector<42x2560xf32>, vector<42x2560xf32> -> vector<42x2560xf32>
    %slice3A_50 = vector.extract_strided_slice %transpose3A {offsets = [21, 0], sizes = [21, 2560], strides = [1, 1]} : vector<128x2560xf32> to vector<21x2560xf32>
    %slice3A_51 = vector.extract_strided_slice %transpose3A_9 {offsets = [21, 0], sizes = [21, 128], strides = [1, 1]} : vector<128x128xf32> to vector<21x128xf32>
    %broadcast_in_dim3A_52 = vector.shape_cast %slice3A_51 : vector<21x128xf32> to vector<21x128x1xf32>
    %broadcast_in_dim3A_53 = vector.shape_cast %broadcast_in_dim3A_52 : vector<21x128x1xf32> to vector<21x128x1xf32>
    %broadcast_in_dim3A_54 = vector.broadcast %broadcast_in_dim3A_53 : vector<21x128x1xf32> to vector<21x128x20xf32>
    %reshape3A_55 = vector.shape_cast %broadcast_in_dim3A_54 : vector<21x128x20xf32> to vector<21x2560xf32>
    %sub3A_56 = arith.subf %slice3A_50, %reshape3A_55 : vector<21x2560xf32>
    %concatenate3A_57 = tpu.concatenate %sub3A_56, %reshape3A_55 in 0 : vector<21x2560xf32>, vector<21x2560xf32> -> vector<42x2560xf32>
    %dot_general3A_58 = arith.constant dense<0.000000e+00> : vector<42x2560xf32>
    %dot_general3A_59 = tpu.matmul %get3A_39, %concatenate3A_57, %dot_general3A_58 {dimension_numbers = #tpu.dot_dimension_numbers<[1], [0], [0], [1], [0, 0, 1, 1], [], []>, transpose_lhs_hint = false} : vector<42x42xf32>, vector<42x2560xf32>, vector<42x2560xf32> -> vector<42x2560xf32>
    %slice3A_60 = vector.extract_strided_slice %transpose3A {offsets = [42, 0], sizes = [21, 2560], strides = [1, 1]} : vector<128x2560xf32> to vector<21x2560xf32>
    %slice3A_61 = vector.extract_strided_slice %transpose3A_9 {offsets = [42, 0], sizes = [21, 128], strides = [1, 1]} : vector<128x128xf32> to vector<21x128xf32>
    %broadcast_in_dim3A_62 = vector.shape_cast %slice3A_61 : vector<21x128xf32> to vector<21x128x1xf32>
    %broadcast_in_dim3A_63 = vector.shape_cast %broadcast_in_dim3A_62 : vector<21x128x1xf32> to vector<21x128x1xf32>
    %broadcast_in_dim3A_64 = vector.broadcast %broadcast_in_dim3A_63 : vector<21x128x1xf32> to vector<21x128x20xf32>
    %reshape3A_65 = vector.shape_cast %broadcast_in_dim3A_64 : vector<21x128x20xf32> to vector<21x2560xf32>
    %sub3A_66 = arith.subf %slice3A_60, %reshape3A_65 : vector<21x2560xf32>
    %concatenate3A_67 = tpu.concatenate %sub3A_66, %reshape3A_65 in 0 : vector<21x2560xf32>, vector<21x2560xf32> -> vector<42x2560xf32>
    %dot_general3A_68 = arith.constant dense<0.000000e+00> : vector<42x2560xf32>
    %dot_general3A_69 = tpu.matmul %get3A_39, %concatenate3A_67, %dot_general3A_68 {dimension_numbers = #tpu.dot_dimension_numbers<[1], [0], [0], [1], [0, 0, 1, 1], [], []>, transpose_lhs_hint = false} : vector<42x42xf32>, vector<42x2560xf32>, vector<42x2560xf32> -> vector<42x2560xf32>
    %get3A_70 = arith.constant 0 : index
    %get3A_71 = arith.constant 0 : index
    %get3A_72 = vector.load %arg6[%get3A_70, %get3A_71] : memref<42x1xf32, #tpu.memory_space<vmem>>, vector<42x1xf32>
    %get3A_73 = arith.constant 0 : index
    %get3A_74 = arith.constant 0 : index
    %get3A_75 = vector.load %arg7[%get3A_73, %get3A_74] : memref<42x1xf32, #tpu.memory_space<vmem>>, vector<42x1xf32>
    %mul3A = arith.mulf %dot_general3A_16, %dot_general3A_16 : vector<42x2560xf32>
    %mul3A_76 = arith.mulf %dot_general3A_26, %dot_general3A_26 : vector<42x2560xf32>
    %add3A = arith.addf %mul3A, %mul3A_76 : vector<42x2560xf32>
    %mul3A_77 = arith.mulf %dot_general3A_36, %dot_general3A_36 : vector<42x2560xf32>
    %add3A_78 = arith.addf %add3A, %mul3A_77 : vector<42x2560xf32>
    %sqrt3A = math.sqrt %add3A_78 : vector<42x2560xf32>
    %add3A_79 = arith.constant 9.99999997E-7 : f32
    %add3A_80 = vector.broadcast %add3A_79 : f32 to vector<42x2560xf32>
    %add3A_81 = arith.addf %sqrt3A, %add3A_80 : vector<42x2560xf32>
    %sub3A_82 = vector.broadcast %get3A_72 : vector<42x1xf32> to vector<42x2560xf32>
    %sub3A_83 = arith.subf %add3A_81, %sub3A_82 : vector<42x2560xf32>
    %add3A_84 = arith.constant 9.99999974E-6 : f32
    %add3A_85 = vector.broadcast %add3A_84 : f32 to vector<42x1xf32>
    %add3A_86 = arith.addf %get3A_75, %add3A_85 : vector<42x1xf32>
    %sqrt3A_87 = math.sqrt %add3A_86 : vector<42x1xf32>
    %div3A = vector.broadcast %sqrt3A_87 : vector<42x1xf32> to vector<42x2560xf32>
    %div3A_88 = arith.divf %sub3A_83, %div3A : vector<42x2560xf32>
    %div3A_89 = arith.divf %dot_general3A_16, %add3A_81 : vector<42x2560xf32>
    %mul3A_90 = arith.mulf %div3A_89, %div3A_88 : vector<42x2560xf32>
    %div3A_91 = arith.divf %dot_general3A_26, %add3A_81 : vector<42x2560xf32>
    %mul3A_92 = arith.mulf %div3A_91, %div3A_88 : vector<42x2560xf32>
    %div3A_93 = arith.divf %dot_general3A_36, %add3A_81 : vector<42x2560xf32>
    %mul3A_94 = arith.mulf %div3A_93, %div3A_88 : vector<42x2560xf32>
    %mul3A_95 = arith.mulf %mul3A_90, %dot_general3A_49 : vector<42x2560xf32>
    %mul3A_96 = arith.mulf %mul3A_92, %dot_general3A_59 : vector<42x2560xf32>
    %add3A_97 = arith.addf %mul3A_95, %mul3A_96 : vector<42x2560xf32>
    %mul3A_98 = arith.mulf %mul3A_94, %dot_general3A_69 : vector<42x2560xf32>
    %add3A_99 = arith.addf %add3A_97, %mul3A_98 : vector<42x2560xf32>
    %mul3A_100 = arith.mulf %dot_general3A_49, %dot_general3A_49 : vector<42x2560xf32>
    %mul3A_101 = arith.mulf %dot_general3A_59, %dot_general3A_59 : vector<42x2560xf32>
    %add3A_102 = arith.addf %mul3A_100, %mul3A_101 : vector<42x2560xf32>
    %mul3A_103 = arith.mulf %dot_general3A_69, %dot_general3A_69 : vector<42x2560xf32>
    %add3A_104 = arith.addf %add3A_102, %mul3A_103 : vector<42x2560xf32>
    %ge3A = arith.constant 0.000000e+00 : f32
    %ge3A_105 = vector.broadcast %ge3A : f32 to vector<42x2560xf32>
    %ge3A_106 = arith.cmpf oge, %add3A_99, %ge3A_105 : vector<42x2560xf32>
    %convert_element_type3A = arith.extui %ge3A_106 : vector<42x2560xi1> to vector<42x2560xi32>
    %convert_element_type3A_107 = arith.sitofp %convert_element_type3A : vector<42x2560xi32> to vector<42x2560xf32>
    %add3A_108 = arith.constant 9.99999997E-7 : f32
    %add3A_109 = vector.broadcast %add3A_108 : f32 to vector<42x2560xf32>
    %add3A_110 = arith.addf %add3A_104, %add3A_109 : vector<42x2560xf32>
    %div3A_111 = arith.divf %add3A_99, %add3A_110 : vector<42x2560xf32>
    %mul3A_112 = arith.constant 2.000000e-01 : f32
    %mul3A_113 = vector.broadcast %mul3A_112 : f32 to vector<42x2560xf32>
    %mul3A_114 = arith.mulf %mul3A_113, %mul3A_90 : vector<42x2560xf32>
    %mul3A_115 = arith.mulf %convert_element_type3A_107, %mul3A_90 : vector<42x2560xf32>
    %sub3A_116 = arith.constant 1.000000e+00 : f32
    %sub3A_117 = vector.broadcast %sub3A_116 : f32 to vector<42x2560xf32>
    %sub3A_118 = arith.subf %sub3A_117, %convert_element_type3A_107 : vector<42x2560xf32>
    %mul3A_119 = arith.mulf %div3A_111, %dot_general3A_49 : vector<42x2560xf32>
    %sub3A_120 = arith.subf %mul3A_90, %mul3A_119 : vector<42x2560xf32>
    %mul3A_121 = arith.mulf %sub3A_118, %sub3A_120 : vector<42x2560xf32>
    %add3A_122 = arith.addf %mul3A_115, %mul3A_121 : vector<42x2560xf32>
    %mul3A_123 = arith.constant 8.000000e-01 : f32
    %mul3A_124 = vector.broadcast %mul3A_123 : f32 to vector<42x2560xf32>
    %mul3A_125 = arith.mulf %mul3A_124, %add3A_122 : vector<42x2560xf32>
    %add3A_126 = arith.addf %mul3A_114, %mul3A_125 : vector<42x2560xf32>
    %reshape3A_127 = vector.shape_cast %add3A_126 : vector<42x2560xf32> to vector<42x128x20xf32>
    %reduce_sum3A = arith.constant dense<0.000000e+00> : vector<42x128xf32>
    %reduce_sum3A_128 = vector.multi_reduction <add>, %reshape3A_127, %reduce_sum3A [2] : vector<42x128x20xf32> to vector<42x128xf32>
    %div3A_129 = arith.constant 2.000000e+01 : f32
    %div3A_130 = vector.broadcast %div3A_129 : f32 to vector<42x128xf32>
    %div3A_131 = arith.divf %reduce_sum3A_128, %div3A_130 : vector<42x128xf32>
    %swap3A = arith.constant 0 : index
    %swap3A_132 = arith.constant 0 : index
    %swap3A_133 = arith.constant 0 : index
    %swap3A_134 = arith.constant 0 : index
    %swap3A_135 = vector.load %arg8[%swap3A, %swap3A_132, %swap3A_133, %swap3A_134] : memref<1x42x3x128xf32, #tpu.memory_space<vmem>>, vector<1x42x1x128xf32>
    %swap3A_136 = vector.shape_cast %swap3A_135 : vector<1x42x1x128xf32> to vector<42x128xf32>
    %swap3A_137 = vector.shape_cast %div3A_131 : vector<42x128xf32> to vector<1x42x1x128xf32>
    tpu.vector_store %arg8[%swap3A, %swap3A_132, %swap3A_133, %swap3A_134], %swap3A_137 {strides = array<i32>} : memref<1x42x3x128xf32, #tpu.memory_space<vmem>>, vector<1x42x1x128xf32>,
    %mul3A_138 = arith.constant 2.000000e-01 : f32
    %mul3A_139 = vector.broadcast %mul3A_138 : f32 to vector<42x2560xf32>
    %mul3A_140 = arith.mulf %mul3A_139, %mul3A_92 : vector<42x2560xf32>
    %mul3A_141 = arith.mulf %convert_element_type3A_107, %mul3A_92 : vector<42x2560xf32>
    %sub3A_142 = arith.constant 1.000000e+00 : f32
    %sub3A_143 = vector.broadcast %sub3A_142 : f32 to vector<42x2560xf32>
    %sub3A_144 = arith.subf %sub3A_143, %convert_element_type3A_107 : vector<42x2560xf32>
    %mul3A_145 = arith.mulf %div3A_111, %dot_general3A_59 : vector<42x2560xf32>
    %sub3A_146 = arith.subf %mul3A_92, %mul3A_145 : vector<42x2560xf32>
    %mul3A_147 = arith.mulf %sub3A_144, %sub3A_146 : vector<42x2560xf32>
    %add3A_148 = arith.addf %mul3A_141, %mul3A_147 : vector<42x2560xf32>
    %mul3A_149 = arith.constant 8.000000e-01 : f32
    %mul3A_150 = vector.broadcast %mul3A_149 : f32 to vector<42x2560xf32>
    %mul3A_151 = arith.mulf %mul3A_150, %add3A_148 : vector<42x2560xf32>
    %add3A_152 = arith.addf %mul3A_140, %mul3A_151 : vector<42x2560xf32>
    %reshape3A_153 = vector.shape_cast %add3A_152 : vector<42x2560xf32> to vector<42x128x20xf32>
    %reduce_sum3A_154 = arith.constant dense<0.000000e+00> : vector<42x128xf32>
    %reduce_sum3A_155 = vector.multi_reduction <add>, %reshape3A_153, %reduce_sum3A_154 [2] : vector<42x128x20xf32> to vector<42x128xf32>
    %div3A_156 = arith.constant 2.000000e+01 : f32
    %div3A_157 = vector.broadcast %div3A_156 : f32 to vector<42x128xf32>
    %div3A_158 = arith.divf %reduce_sum3A_155, %div3A_157 : vector<42x128xf32>
    %swap3A_159 = arith.constant 0 : index
    %swap3A_160 = arith.constant 0 : index
    %swap3A_161 = arith.constant 1 : index
    %swap3A_162 = arith.constant 0 : index
    %swap3A_163 = vector.load %arg8[%swap3A_159, %swap3A_160, %swap3A_161, %swap3A_162] : memref<1x42x3x128xf32, #tpu.memory_space<vmem>>, vector<1x42x1x128xf32>
    %swap3A_164 = vector.shape_cast %swap3A_163 : vector<1x42x1x128xf32> to vector<42x128xf32>
    %swap3A_165 = vector.shape_cast %div3A_158 : vector<42x128xf32> to vector<1x42x1x128xf32>
    tpu.vector_store %arg8[%swap3A_159, %swap3A_160, %swap3A_161, %swap3A_162], %swap3A_165 {strides = array<i32>} : memref<1x42x3x128xf32, #tpu.memory_space<vmem>>, vector<1x42x1x128xf32>,
    %mul3A_166 = arith.constant 2.000000e-01 : f32
    %mul3A_167 = vector.broadcast %mul3A_166 : f32 to vector<42x2560xf32>
    %mul3A_168 = arith.mulf %mul3A_167, %mul3A_94 : vector<42x2560xf32>
    %mul3A_169 = arith.mulf %convert_element_type3A_107, %mul3A_94 : vector<42x2560xf32>
    %sub3A_170 = arith.constant 1.000000e+00 : f32
    %sub3A_171 = vector.broadcast %sub3A_170 : f32 to vector<42x2560xf32>
    %sub3A_172 = arith.subf %sub3A_171, %convert_element_type3A_107 : vector<42x2560xf32>
    %mul3A_173 = arith.mulf %div3A_111, %dot_general3A_69 : vector<42x2560xf32>
    %sub3A_174 = arith.subf %mul3A_94, %mul3A_173 : vector<42x2560xf32>
    %mul3A_175 = arith.mulf %sub3A_172, %sub3A_174 : vector<42x2560xf32>
    %add3A_176 = arith.addf %mul3A_169, %mul3A_175 : vector<42x2560xf32>
    %mul3A_177 = arith.constant 8.000000e-01 : f32
    %mul3A_178 = vector.broadcast %mul3A_177 : f32 to vector<42x2560xf32>
    %mul3A_179 = arith.mulf %mul3A_178, %add3A_176 : vector<42x2560xf32>
    %add3A_180 = arith.addf %mul3A_168, %mul3A_179 : vector<42x2560xf32>
    %reshape3A_181 = vector.shape_cast %add3A_180 : vector<42x2560xf32> to vector<42x128x20xf32>
    %reduce_sum3A_182 = arith.constant dense<0.000000e+00> : vector<42x128xf32>
    %reduce_sum3A_183 = vector.multi_reduction <add>, %reshape3A_181, %reduce_sum3A_182 [2] : vector<42x128x20xf32> to vector<42x128xf32>
    %div3A_184 = arith.constant 2.000000e+01 : f32
    %div3A_185 = vector.broadcast %div3A_184 : f32 to vector<42x128xf32>
    %div3A_186 = arith.divf %reduce_sum3A_183, %div3A_185 : vector<42x128xf32>
    %swap3A_187 = arith.constant 0 : index
    %swap3A_188 = arith.constant 0 : index
    %swap3A_189 = arith.constant 2 : index
    %swap3A_190 = arith.constant 0 : index
    %swap3A_191 = vector.load %arg8[%swap3A_187, %swap3A_188, %swap3A_189, %swap3A_190] : memref<1x42x3x128xf32, #tpu.memory_space<vmem>>, vector<1x42x1x128xf32>
    %swap3A_192 = vector.shape_cast %swap3A_191 : vector<1x42x1x128xf32> to vector<42x128xf32>
    %swap3A_193 = vector.shape_cast %div3A_186 : vector<42x128xf32> to vector<1x42x1x128xf32>
    tpu.vector_store %arg8[%swap3A_187, %swap3A_188, %swap3A_189, %swap3A_190], %swap3A_193 {strides = array<i32>} : memref<1x42x3x128xf32, #tpu.memory_space<vmem>>, vector<1x42x1x128xf32>,
    return
  }
  func.func @transform_0(%arg0: i32, %arg1: i32) -> (i32, i32, i32) {
    %c0_i32 = arith.constant 0 : i32
    %c0_i32_0 = arith.constant 0 : i32
    return %arg0, %arg1, %c0_i32 : i32, i32, i32
  }
  func.func @transform_1(%arg0: i32, %arg1: i32) -> (i32, i32, i32) {
    %c0_i32 = arith.constant 0 : i32
    %c0_i32_0 = arith.constant 0 : i32
    return %arg0, %arg1, %c0_i32 : i32, i32, i32
  }
  func.func @transform_2(%arg0: i32, %arg1: i32) -> (i32, i32) {
    %c0_i32 = arith.constant 0 : i32
    %c0_i32_0 = arith.constant 0 : i32
    %c0_i32_1 = arith.constant 0 : i32
    return %c0_i32, %c0_i32_0 : i32, i32
  }
  func.func @transform_3(%arg0: i32, %arg1: i32) -> (i32, i32) {
    %c0_i32 = arith.constant 0 : i32
    %c0_i32_0 = arith.constant 0 : i32
    %c0_i32_1 = arith.constant 0 : i32
    return %c0_i32, %c0_i32_0 : i32, i32
  }
  func.func @transform_4(%arg0: i32, %arg1: i32) -> (i32, i32) {
    %c0_i32 = arith.constant 0 : i32
    %c0_i32_0 = arith.constant 0 : i32
    %c0_i32_1 = arith.constant 0 : i32
    return %c0_i32, %c0_i32_0 : i32, i32
  }
  func.func @transform_5(%arg0: i32, %arg1: i32) -> (i32, i32) {
    %c0_i32 = arith.constant 0 : i32
    %c0_i32_0 = arith.constant 0 : i32
    %c0_i32_1 = arith.constant 0 : i32
    return %c0_i32, %c0_i32_0 : i32, i32
  }
  func.func @transform_6(%arg0: i32, %arg1: i32) -> (i32, i32, i32, i32) {
    %c0_i32 = arith.constant 0 : i32
    %c0_i32_0 = arith.constant 0 : i32
    %c0_i32_1 = arith.constant 0 : i32
    return %arg0, %c0_i32, %c0_i32_0, %arg1 : i32, i32, i32, i32
  }
}

module attributes {stable_mosaic.version = 14 : i64} {
  func.func @_knn_body(%arg0: i32, %arg1: i32, %arg2: memref<1x256x128xf32, #tpu.memory_space<vmem>>, %arg3: memref<1x128x1024xf32, #tpu.memory_space<vmem>>, %arg4: memref<1x256x1xf32, #tpu.memory_space<vmem>>, %arg5: memref<1x1x1024xf32, #tpu.memory_space<vmem>>, %arg6: memref<1x256x20xi32, #tpu.memory_space<vmem>>) attributes {dimension_semantics = [#tpu.dimension_semantics<arbitrary>, #tpu.dimension_semantics<arbitrary>], iteration_bounds = array<i64: 8, 4>, scalar_prefetch = 0 : i64, scratch_operands = 0 : i64, tpu.core_type = #tpu.core_type<tc>, window_params = [{transform_indices = @transform_0, window_bounds = array<i64: 1, 256, 128>}, {transform_indices = @transform_1, window_bounds = array<i64: 1, 128, 1024>}, {transform_indices = @transform_2, window_bounds = array<i64: 1, 256, 1>}, {transform_indices = @transform_3, window_bounds = array<i64: 1, 1, 1024>}, {transform_indices = @transform_4, window_bounds = array<i64: 1, 256, 20>}]} {
    %get3A = arith.constant 0 : index
    %get3A_0 = arith.constant 0 : index
    %get3A_1 = arith.constant 0 : index
    %get3A_2 = vector.load %arg2[%get3A, %get3A_0, %get3A_1] : memref<1x256x128xf32, #tpu.memory_space<vmem>>, vector<1x256x128xf32>
    %get3A_3 = vector.shape_cast %get3A_2 : vector<1x256x128xf32> to vector<256x128xf32>
    %get3A_4 = arith.constant 0 : index
    %get3A_5 = arith.constant 0 : index
    %get3A_6 = arith.constant 0 : index
    %get3A_7 = vector.load %arg3[%get3A_4, %get3A_5, %get3A_6] : memref<1x128x1024xf32, #tpu.memory_space<vmem>>, vector<1x128x1024xf32>
    %get3A_8 = vector.shape_cast %get3A_7 : vector<1x128x1024xf32> to vector<128x1024xf32>
    %dot_general3A = arith.constant dense<0.000000e+00> : vector<256x1024xf32>
    %dot_general3A_9 = tpu.matmul %get3A_3, %get3A_8, %dot_general3A {dimension_numbers = #tpu.dot_dimension_numbers<[1], [0], [0], [1], [0, 0, 1, 1], [], []>, transpose_lhs_hint = false} : vector<256x128xf32>, vector<128x1024xf32>, vector<256x1024xf32> -> vector<256x1024xf32>
    %get3A_10 = arith.constant 0 : index
    %get3A_11 = arith.constant 0 : index
    %get3A_12 = arith.constant 0 : index
    %get3A_13 = vector.load %arg5[%get3A_10, %get3A_11, %get3A_12] : memref<1x1x1024xf32, #tpu.memory_space<vmem>>, vector<1x1x1024xf32>
    %get3A_14 = vector.shape_cast %get3A_13 : vector<1x1x1024xf32> to vector<1x1024xf32>
    %get3A_15 = arith.constant 0 : index
    %get3A_16 = arith.constant 0 : index
    %get3A_17 = arith.constant 0 : index
    %get3A_18 = vector.load %arg4[%get3A_15, %get3A_16, %get3A_17] : memref<1x256x1xf32, #tpu.memory_space<vmem>>, vector<1x256x1xf32>
    %get3A_19 = vector.shape_cast %get3A_18 : vector<1x256x1xf32> to vector<256x1xf32>
    %mul3A = arith.constant 2.000000e+00 : f32
    %mul3A_20 = vector.broadcast %mul3A : f32 to vector<256x1024xf32>
    %mul3A_21 = arith.mulf %mul3A_20, %dot_general3A_9 : vector<256x1024xf32>
    %sub3A = vector.broadcast %get3A_19 : vector<256x1xf32> to vector<256x1024xf32>
    %sub3A_22 = arith.subf %mul3A_21, %sub3A : vector<256x1024xf32>
    %sub3A_23 = vector.broadcast %get3A_14 : vector<1x1024xf32> to vector<256x1024xf32>
    %sub3A_24 = arith.subf %sub3A_22, %sub3A_23 : vector<256x1024xf32>
    %iota3A = tpu.iota {dimensions = array<i32: 1>} : vector<256x1024xi32>
    %iota3A_25 = tpu.iota {dimensions = array<i32: 1>} : vector<256x20xi32>
    %broadcast_in_dim3A = arith.constant 0 : i32
    %broadcast_in_dim3A_26 = vector.broadcast %broadcast_in_dim3A : i32 to vector<256x20xi32>
    %scan3A = arith.constant 0 : i32
    %scan3A_27 = arith.constant 20 : i32
    %scan3A_28 = arith.addi %scan3A, %scan3A_27 : i32
    %scan3A_29 = arith.constant 1 : i32
    %scan3A_30:2 = scf.for %scan3A_40 = %scan3A to %scan3A_28 step %scan3A_29 iter_args(%scan3A_41 = %sub3A_24, %scan3A_42 = %broadcast_in_dim3A_26) -> (vector<256x1024xf32>, vector<256x20xi32>)  : i32 {
      %reduce_max3A = arith.constant dense<0xFF800000> : vector<256xf32>
      %reduce_max3A_43 = vector.multi_reduction <maximumf>, %scan3A_41, %reduce_max3A [1] : vector<256x1024xf32> to vector<256xf32>
      %broadcast_in_dim3A_44 = vector.shape_cast %reduce_max3A_43 : vector<256xf32> to vector<256x1xf32>
      %ge3A = vector.broadcast %broadcast_in_dim3A_44 : vector<256x1xf32> to vector<256x1024xf32>
      %ge3A_45 = arith.cmpf oge, %scan3A_41, %ge3A : vector<256x1024xf32>
      %jit3A = arith.constant 1024 : i32
      %broadcast_in_dim3A_46 = vector.broadcast %jit3A : i32 to vector<256x1024xi32>
      %select_n3A = arith.select %ge3A_45, %iota3A, %broadcast_in_dim3A_46 : vector<256x1024xi1>, vector<256x1024xi32>
      %reduce_min3A = arith.constant dense<2147483647> : vector<256xi32>
      %reduce_min3A_47 = vector.multi_reduction <minsi>, %select_n3A, %reduce_min3A [1] : vector<256x1024xi32> to vector<256xi32>
      %broadcast_in_dim3A_48 = vector.shape_cast %reduce_min3A_47 : vector<256xi32> to vector<256x1xi32>
      %eq3A = vector.broadcast %scan3A_40 : i32 to vector<256x20xi32>
      %eq3A_49 = arith.cmpi eq, %iota3A_25, %eq3A : vector<256x20xi32>
      %broadcast_in_dim3A_50 = vector.shape_cast %broadcast_in_dim3A_48 : vector<256x1xi32> to vector<256x1xi32>
      %broadcast_in_dim3A_51 = vector.broadcast %broadcast_in_dim3A_50 : vector<256x1xi32> to vector<256x20xi32>
      %select_n3A_52 = arith.select %eq3A_49, %broadcast_in_dim3A_51, %scan3A_42 : vector<256x20xi1>, vector<256x20xi32>
      %eq3A_53 = vector.broadcast %broadcast_in_dim3A_48 : vector<256x1xi32> to vector<256x1024xi32>
      %eq3A_54 = arith.cmpi eq, %iota3A, %eq3A_53 : vector<256x1024xi32>
      %jit3A_55 = arith.constant -3.000000e+38 : f32
      %broadcast_in_dim3A_56 = vector.broadcast %jit3A_55 : f32 to vector<256x1024xf32>
      %select_n3A_57 = arith.select %eq3A_54, %broadcast_in_dim3A_56, %scan3A_41 : vector<256x1024xi1>, vector<256x1024xf32>
      scf.yield %select_n3A_57, %select_n3A_52 : vector<256x1024xf32>, vector<256x20xi32>
    }
    %scan3A_31 = arith.constant 20 : i32
    %mul3A_32 = arith.constant 1024 : i32
    %mul3A_33 = arith.muli %arg0, %mul3A_32 : i32
    %add3A = vector.broadcast %mul3A_33 : i32 to vector<256x20xi32>
    %add3A_34 = arith.addi %scan3A_30#1, %add3A : vector<256x20xi32>
    %swap3A = arith.constant 0 : index
    %swap3A_35 = arith.constant 0 : index
    %swap3A_36 = arith.constant 0 : index
    %swap3A_37 = vector.load %arg6[%swap3A, %swap3A_35, %swap3A_36] : memref<1x256x20xi32, #tpu.memory_space<vmem>>, vector<1x256x20xi32>
    %swap3A_38 = vector.shape_cast %swap3A_37 : vector<1x256x20xi32> to vector<256x20xi32>
    %swap3A_39 = vector.shape_cast %add3A_34 : vector<256x20xi32> to vector<1x256x20xi32>
    tpu.vector_store %arg6[%swap3A, %swap3A_35, %swap3A_36], %swap3A_39 {strides = array<i32>} : memref<1x256x20xi32, #tpu.memory_space<vmem>>, vector<1x256x20xi32>,
    return
  }
  func.func @transform_0(%arg0: i32, %arg1: i32) -> (i32, i32, i32) {
    %c0_i32 = arith.constant 0 : i32
    %c0_i32_0 = arith.constant 0 : i32
    return %arg0, %arg1, %c0_i32 : i32, i32, i32
  }
  func.func @transform_1(%arg0: i32, %arg1: i32) -> (i32, i32, i32) {
    %c0_i32 = arith.constant 0 : i32
    %c0_i32_0 = arith.constant 0 : i32
    %c0_i32_1 = arith.constant 0 : i32
    return %arg0, %c0_i32, %c0_i32_0 : i32, i32, i32
  }
  func.func @transform_2(%arg0: i32, %arg1: i32) -> (i32, i32, i32) {
    %c0_i32 = arith.constant 0 : i32
    %c0_i32_0 = arith.constant 0 : i32
    return %arg0, %arg1, %c0_i32 : i32, i32, i32
  }
  func.func @transform_3(%arg0: i32, %arg1: i32) -> (i32, i32, i32) {
    %c0_i32 = arith.constant 0 : i32
    %c0_i32_0 = arith.constant 0 : i32
    %c0_i32_1 = arith.constant 0 : i32
    return %arg0, %c0_i32, %c0_i32_0 : i32, i32, i32
  }
  func.func @transform_4(%arg0: i32, %arg1: i32) -> (i32, i32, i32) {
    %c0_i32 = arith.constant 0 : i32
    %c0_i32_0 = arith.constant 0 : i32
    return %arg0, %arg1, %c0_i32 : i32, i32, i32
  }
}

module attributes {stable_mosaic.version = 14 : i64} {
  func.func @_passA_body(%arg0: i32, %arg1: i32, %arg2: memref<1x2560x128xf32, #tpu.memory_space<vmem>>, %arg3: memref<1x128x128xf32, #tpu.memory_space<vmem>>, %arg4: memref<85x84xf32, #tpu.memory_space<vmem>>, %arg5: memref<1x85x2560xf32, #tpu.memory_space<vmem>>) attributes {dimension_semantics = [#tpu.dimension_semantics<arbitrary>, #tpu.dimension_semantics<arbitrary>], iteration_bounds = array<i64: 8, 8>, scalar_prefetch = 0 : i64, scratch_operands = 0 : i64, tpu.core_type = #tpu.core_type<tc>, window_params = [{transform_indices = @transform_0, window_bounds = array<i64: 1, 2560, 128>}, {transform_indices = @transform_1, window_bounds = array<i64: 1, 128, 128>}, {pipeline_mode = #tpu.pipeline_mode<synchronous>, transform_indices = @transform_2, window_bounds = array<i64: 85, 84>}, {transform_indices = @transform_3, window_bounds = array<i64: 1, 85, 2560>}]} {
    %get3A = arith.constant 0 : index
    %get3A_0 = arith.constant 0 : index
    %get3A_1 = arith.constant 0 : index
    %get3A_2 = vector.load %arg2[%get3A, %get3A_0, %get3A_1] : memref<1x2560x128xf32, #tpu.memory_space<vmem>>, vector<1x2560x128xf32>
    %get3A_3 = vector.shape_cast %get3A_2 : vector<1x2560x128xf32> to vector<2560x128xf32>
    %transpose3A = tpu.transpose %get3A_3, [1, 0] : vector<2560x128xf32> -> vector<128x2560xf32>
    %get3A_4 = arith.constant 0 : index
    %get3A_5 = arith.constant 0 : index
    %get3A_6 = arith.constant 0 : index
    %get3A_7 = vector.load %arg3[%get3A_4, %get3A_5, %get3A_6] : memref<1x128x128xf32, #tpu.memory_space<vmem>>, vector<1x128x128xf32>
    %get3A_8 = vector.shape_cast %get3A_7 : vector<1x128x128xf32> to vector<128x128xf32>
    %transpose3A_9 = tpu.transpose %get3A_8, [1, 0] : vector<128x128xf32> -> vector<128x128xf32>
    %get3A_10 = arith.constant 0 : index
    %get3A_11 = arith.constant 0 : index
    %get3A_12 = vector.load %arg4[%get3A_10, %get3A_11] : memref<85x84xf32, #tpu.memory_space<vmem>>, vector<85x84xf32>
    %slice3A = vector.extract_strided_slice %transpose3A {offsets = [0, 0], sizes = [42, 2560], strides = [1, 1]} : vector<128x2560xf32> to vector<42x2560xf32>
    %slice3A_13 = vector.extract_strided_slice %transpose3A_9 {offsets = [0, 0], sizes = [42, 128], strides = [1, 1]} : vector<128x128xf32> to vector<42x128xf32>
    %broadcast_in_dim3A = vector.shape_cast %slice3A_13 : vector<42x128xf32> to vector<42x128x1xf32>
    %broadcast_in_dim3A_14 = vector.shape_cast %broadcast_in_dim3A : vector<42x128x1xf32> to vector<42x128x1xf32>
    %broadcast_in_dim3A_15 = vector.broadcast %broadcast_in_dim3A_14 : vector<42x128x1xf32> to vector<42x128x20xf32>
    %reshape3A = vector.shape_cast %broadcast_in_dim3A_15 : vector<42x128x20xf32> to vector<42x2560xf32>
    %sub3A = arith.subf %slice3A, %reshape3A : vector<42x2560xf32>
    %concatenate3A = tpu.concatenate %sub3A, %reshape3A in 0 : vector<42x2560xf32>, vector<42x2560xf32> -> vector<84x2560xf32>
    %dot_general3A = arith.constant dense<0.000000e+00> : vector<85x2560xf32>
    %dot_general3A_16 = tpu.matmul %get3A_12, %concatenate3A, %dot_general3A {dimension_numbers = #tpu.dot_dimension_numbers<[1], [0], [0], [1], [0, 0, 1, 1], [], []>, transpose_lhs_hint = false} : vector<85x84xf32>, vector<84x2560xf32>, vector<85x2560xf32> -> vector<85x2560xf32>
    %slice3A_17 = vector.extract_strided_slice %transpose3A {offsets = [42, 0], sizes = [42, 2560], strides = [1, 1]} : vector<128x2560xf32> to vector<42x2560xf32>
    %slice3A_18 = vector.extract_strided_slice %transpose3A_9 {offsets = [42, 0], sizes = [42, 128], strides = [1, 1]} : vector<128x128xf32> to vector<42x128xf32>
    %broadcast_in_dim3A_19 = vector.shape_cast %slice3A_18 : vector<42x128xf32> to vector<42x128x1xf32>
    %broadcast_in_dim3A_20 = vector.shape_cast %broadcast_in_dim3A_19 : vector<42x128x1xf32> to vector<42x128x1xf32>
    %broadcast_in_dim3A_21 = vector.broadcast %broadcast_in_dim3A_20 : vector<42x128x1xf32> to vector<42x128x20xf32>
    %reshape3A_22 = vector.shape_cast %broadcast_in_dim3A_21 : vector<42x128x20xf32> to vector<42x2560xf32>
    %sub3A_23 = arith.subf %slice3A_17, %reshape3A_22 : vector<42x2560xf32>
    %concatenate3A_24 = tpu.concatenate %sub3A_23, %reshape3A_22 in 0 : vector<42x2560xf32>, vector<42x2560xf32> -> vector<84x2560xf32>
    %dot_general3A_25 = arith.constant dense<0.000000e+00> : vector<85x2560xf32>
    %dot_general3A_26 = tpu.matmul %get3A_12, %concatenate3A_24, %dot_general3A_25 {dimension_numbers = #tpu.dot_dimension_numbers<[1], [0], [0], [1], [0, 0, 1, 1], [], []>, transpose_lhs_hint = false} : vector<85x84xf32>, vector<84x2560xf32>, vector<85x2560xf32> -> vector<85x2560xf32>
    %slice3A_27 = vector.extract_strided_slice %transpose3A {offsets = [84, 0], sizes = [42, 2560], strides = [1, 1]} : vector<128x2560xf32> to vector<42x2560xf32>
    %slice3A_28 = vector.extract_strided_slice %transpose3A_9 {offsets = [84, 0], sizes = [42, 128], strides = [1, 1]} : vector<128x128xf32> to vector<42x128xf32>
    %broadcast_in_dim3A_29 = vector.shape_cast %slice3A_28 : vector<42x128xf32> to vector<42x128x1xf32>
    %broadcast_in_dim3A_30 = vector.shape_cast %broadcast_in_dim3A_29 : vector<42x128x1xf32> to vector<42x128x1xf32>
    %broadcast_in_dim3A_31 = vector.broadcast %broadcast_in_dim3A_30 : vector<42x128x1xf32> to vector<42x128x20xf32>
    %reshape3A_32 = vector.shape_cast %broadcast_in_dim3A_31 : vector<42x128x20xf32> to vector<42x2560xf32>
    %sub3A_33 = arith.subf %slice3A_27, %reshape3A_32 : vector<42x2560xf32>
    %concatenate3A_34 = tpu.concatenate %sub3A_33, %reshape3A_32 in 0 : vector<42x2560xf32>, vector<42x2560xf32> -> vector<84x2560xf32>
    %dot_general3A_35 = arith.constant dense<0.000000e+00> : vector<85x2560xf32>
    %dot_general3A_36 = tpu.matmul %get3A_12, %concatenate3A_34, %dot_general3A_35 {dimension_numbers = #tpu.dot_dimension_numbers<[1], [0], [0], [1], [0, 0, 1, 1], [], []>, transpose_lhs_hint = false} : vector<85x84xf32>, vector<84x2560xf32>, vector<85x2560xf32> -> vector<85x2560xf32>
    %mul3A = arith.mulf %dot_general3A_16, %dot_general3A_16 : vector<85x2560xf32>
    %mul3A_37 = arith.mulf %dot_general3A_26, %dot_general3A_26 : vector<85x2560xf32>
    %add3A = arith.addf %mul3A, %mul3A_37 : vector<85x2560xf32>
    %mul3A_38 = arith.mulf %dot_general3A_36, %dot_general3A_36 : vector<85x2560xf32>
    %add3A_39 = arith.addf %add3A, %mul3A_38 : vector<85x2560xf32>
    %sqrt3A = math.sqrt %add3A_39 : vector<85x2560xf32>
    %add3A_40 = arith.constant 9.99999997E-7 : f32
    %add3A_41 = vector.broadcast %add3A_40 : f32 to vector<85x2560xf32>
    %add3A_42 = arith.addf %sqrt3A, %add3A_41 : vector<85x2560xf32>
    %swap3A = arith.constant 0 : index
    %swap3A_43 = arith.constant 0 : index
    %swap3A_44 = arith.constant 0 : index
    %swap3A_45 = vector.load %arg5[%swap3A, %swap3A_43, %swap3A_44] : memref<1x85x2560xf32, #tpu.memory_space<vmem>>, vector<1x85x2560xf32>
    %swap3A_46 = vector.shape_cast %swap3A_45 : vector<1x85x2560xf32> to vector<85x2560xf32>
    %swap3A_47 = vector.shape_cast %add3A_42 : vector<85x2560xf32> to vector<1x85x2560xf32>
    tpu.vector_store %arg5[%swap3A, %swap3A_43, %swap3A_44], %swap3A_47 {strides = array<i32>} : memref<1x85x2560xf32, #tpu.memory_space<vmem>>, vector<1x85x2560xf32>,
    return
  }
  func.func @transform_0(%arg0: i32, %arg1: i32) -> (i32, i32, i32) {
    %c0_i32 = arith.constant 0 : i32
    %c0_i32_0 = arith.constant 0 : i32
    return %arg0, %arg1, %c0_i32 : i32, i32, i32
  }
  func.func @transform_1(%arg0: i32, %arg1: i32) -> (i32, i32, i32) {
    %c0_i32 = arith.constant 0 : i32
    %c0_i32_0 = arith.constant 0 : i32
    return %arg0, %arg1, %c0_i32 : i32, i32, i32
  }
  func.func @transform_2(%arg0: i32, %arg1: i32) -> (i32, i32) {
    %c0_i32 = arith.constant 0 : i32
    %c0_i32_0 = arith.constant 0 : i32
    %c0_i32_1 = arith.constant 0 : i32
    return %c0_i32, %c0_i32_0 : i32, i32
  }
  func.func @transform_3(%arg0: i32, %arg1: i32) -> (i32, i32, i32) {
    %c0_i32 = arith.constant 0 : i32
    %c0_i32_0 = arith.constant 0 : i32
    return %arg0, %c0_i32, %arg1 : i32, i32, i32
  }
}

module attributes {stable_mosaic.version = 14 : i64} {
  func.func @_passB_body(%arg0: i32, %arg1: i32, %arg2: memref<1x2560x128xf32, #tpu.memory_space<vmem>>, %arg3: memref<1x128x128xf32, #tpu.memory_space<vmem>>, %arg4: memref<85x84xf32, #tpu.memory_space<vmem>>, %arg5: memref<85x84xf32, #tpu.memory_space<vmem>>, %arg6: memref<85x1xf32, #tpu.memory_space<vmem>>, %arg7: memref<85x1xf32, #tpu.memory_space<vmem>>, %arg8: memref<1x85x3x128xf32, #tpu.memory_space<vmem>>) attributes {dimension_semantics = [#tpu.dimension_semantics<arbitrary>, #tpu.dimension_semantics<arbitrary>], iteration_bounds = array<i64: 8, 8>, scalar_prefetch = 0 : i64, scratch_operands = 0 : i64, tpu.core_type = #tpu.core_type<tc>, window_params = [{transform_indices = @transform_0, window_bounds = array<i64: 1, 2560, 128>}, {transform_indices = @transform_1, window_bounds = array<i64: 1, 128, 128>}, {pipeline_mode = #tpu.pipeline_mode<synchronous>, transform_indices = @transform_2, window_bounds = array<i64: 85, 84>}, {pipeline_mode = #tpu.pipeline_mode<synchronous>, transform_indices = @transform_3, window_bounds = array<i64: 85, 84>}, {pipeline_mode = #tpu.pipeline_mode<synchronous>, transform_indices = @transform_4, window_bounds = array<i64: 85, 1>}, {pipeline_mode = #tpu.pipeline_mode<synchronous>, transform_indices = @transform_5, window_bounds = array<i64: 85, 1>}, {transform_indices = @transform_6, window_bounds = array<i64: 1, 85, 3, 128>}]} {
    %get3A = arith.constant 0 : index
    %get3A_0 = arith.constant 0 : index
    %get3A_1 = arith.constant 0 : index
    %get3A_2 = vector.load %arg2[%get3A, %get3A_0, %get3A_1] : memref<1x2560x128xf32, #tpu.memory_space<vmem>>, vector<1x2560x128xf32>
    %get3A_3 = vector.shape_cast %get3A_2 : vector<1x2560x128xf32> to vector<2560x128xf32>
    %transpose3A = tpu.transpose %get3A_3, [1, 0] : vector<2560x128xf32> -> vector<128x2560xf32>
    %get3A_4 = arith.constant 0 : index
    %get3A_5 = arith.constant 0 : index
    %get3A_6 = arith.constant 0 : index
    %get3A_7 = vector.load %arg3[%get3A_4, %get3A_5, %get3A_6] : memref<1x128x128xf32, #tpu.memory_space<vmem>>, vector<1x128x128xf32>
    %get3A_8 = vector.shape_cast %get3A_7 : vector<1x128x128xf32> to vector<128x128xf32>
    %transpose3A_9 = tpu.transpose %get3A_8, [1, 0] : vector<128x128xf32> -> vector<128x128xf32>
    %get3A_10 = arith.constant 0 : index
    %get3A_11 = arith.constant 0 : index
    %get3A_12 = vector.load %arg4[%get3A_10, %get3A_11] : memref<85x84xf32, #tpu.memory_space<vmem>>, vector<85x84xf32>
    %slice3A = vector.extract_strided_slice %transpose3A {offsets = [0, 0], sizes = [42, 2560], strides = [1, 1]} : vector<128x2560xf32> to vector<42x2560xf32>
    %slice3A_13 = vector.extract_strided_slice %transpose3A_9 {offsets = [0, 0], sizes = [42, 128], strides = [1, 1]} : vector<128x128xf32> to vector<42x128xf32>
    %broadcast_in_dim3A = vector.shape_cast %slice3A_13 : vector<42x128xf32> to vector<42x128x1xf32>
    %broadcast_in_dim3A_14 = vector.shape_cast %broadcast_in_dim3A : vector<42x128x1xf32> to vector<42x128x1xf32>
    %broadcast_in_dim3A_15 = vector.broadcast %broadcast_in_dim3A_14 : vector<42x128x1xf32> to vector<42x128x20xf32>
    %reshape3A = vector.shape_cast %broadcast_in_dim3A_15 : vector<42x128x20xf32> to vector<42x2560xf32>
    %sub3A = arith.subf %slice3A, %reshape3A : vector<42x2560xf32>
    %concatenate3A = tpu.concatenate %sub3A, %reshape3A in 0 : vector<42x2560xf32>, vector<42x2560xf32> -> vector<84x2560xf32>
    %dot_general3A = arith.constant dense<0.000000e+00> : vector<85x2560xf32>
    %dot_general3A_16 = tpu.matmul %get3A_12, %concatenate3A, %dot_general3A {dimension_numbers = #tpu.dot_dimension_numbers<[1], [0], [0], [1], [0, 0, 1, 1], [], []>, transpose_lhs_hint = false} : vector<85x84xf32>, vector<84x2560xf32>, vector<85x2560xf32> -> vector<85x2560xf32>
    %slice3A_17 = vector.extract_strided_slice %transpose3A {offsets = [42, 0], sizes = [42, 2560], strides = [1, 1]} : vector<128x2560xf32> to vector<42x2560xf32>
    %slice3A_18 = vector.extract_strided_slice %transpose3A_9 {offsets = [42, 0], sizes = [42, 128], strides = [1, 1]} : vector<128x128xf32> to vector<42x128xf32>
    %broadcast_in_dim3A_19 = vector.shape_cast %slice3A_18 : vector<42x128xf32> to vector<42x128x1xf32>
    %broadcast_in_dim3A_20 = vector.shape_cast %broadcast_in_dim3A_19 : vector<42x128x1xf32> to vector<42x128x1xf32>
    %broadcast_in_dim3A_21 = vector.broadcast %broadcast_in_dim3A_20 : vector<42x128x1xf32> to vector<42x128x20xf32>
    %reshape3A_22 = vector.shape_cast %broadcast_in_dim3A_21 : vector<42x128x20xf32> to vector<42x2560xf32>
    %sub3A_23 = arith.subf %slice3A_17, %reshape3A_22 : vector<42x2560xf32>
    %concatenate3A_24 = tpu.concatenate %sub3A_23, %reshape3A_22 in 0 : vector<42x2560xf32>, vector<42x2560xf32> -> vector<84x2560xf32>
    %dot_general3A_25 = arith.constant dense<0.000000e+00> : vector<85x2560xf32>
    %dot_general3A_26 = tpu.matmul %get3A_12, %concatenate3A_24, %dot_general3A_25 {dimension_numbers = #tpu.dot_dimension_numbers<[1], [0], [0], [1], [0, 0, 1, 1], [], []>, transpose_lhs_hint = false} : vector<85x84xf32>, vector<84x2560xf32>, vector<85x2560xf32> -> vector<85x2560xf32>
    %slice3A_27 = vector.extract_strided_slice %transpose3A {offsets = [84, 0], sizes = [42, 2560], strides = [1, 1]} : vector<128x2560xf32> to vector<42x2560xf32>
    %slice3A_28 = vector.extract_strided_slice %transpose3A_9 {offsets = [84, 0], sizes = [42, 128], strides = [1, 1]} : vector<128x128xf32> to vector<42x128xf32>
    %broadcast_in_dim3A_29 = vector.shape_cast %slice3A_28 : vector<42x128xf32> to vector<42x128x1xf32>
    %broadcast_in_dim3A_30 = vector.shape_cast %broadcast_in_dim3A_29 : vector<42x128x1xf32> to vector<42x128x1xf32>
    %broadcast_in_dim3A_31 = vector.broadcast %broadcast_in_dim3A_30 : vector<42x128x1xf32> to vector<42x128x20xf32>
    %reshape3A_32 = vector.shape_cast %broadcast_in_dim3A_31 : vector<42x128x20xf32> to vector<42x2560xf32>
    %sub3A_33 = arith.subf %slice3A_27, %reshape3A_32 : vector<42x2560xf32>
    %concatenate3A_34 = tpu.concatenate %sub3A_33, %reshape3A_32 in 0 : vector<42x2560xf32>, vector<42x2560xf32> -> vector<84x2560xf32>
    %dot_general3A_35 = arith.constant dense<0.000000e+00> : vector<85x2560xf32>
    %dot_general3A_36 = tpu.matmul %get3A_12, %concatenate3A_34, %dot_general3A_35 {dimension_numbers = #tpu.dot_dimension_numbers<[1], [0], [0], [1], [0, 0, 1, 1], [], []>, transpose_lhs_hint = false} : vector<85x84xf32>, vector<84x2560xf32>, vector<85x2560xf32> -> vector<85x2560xf32>
    %get3A_37 = arith.constant 0 : index
    %get3A_38 = arith.constant 0 : index
    %get3A_39 = vector.load %arg5[%get3A_37, %get3A_38] : memref<85x84xf32, #tpu.memory_space<vmem>>, vector<85x84xf32>
    %slice3A_40 = vector.extract_strided_slice %transpose3A {offsets = [0, 0], sizes = [42, 2560], strides = [1, 1]} : vector<128x2560xf32> to vector<42x2560xf32>
    %slice3A_41 = vector.extract_strided_slice %transpose3A_9 {offsets = [0, 0], sizes = [42, 128], strides = [1, 1]} : vector<128x128xf32> to vector<42x128xf32>
    %broadcast_in_dim3A_42 = vector.shape_cast %slice3A_41 : vector<42x128xf32> to vector<42x128x1xf32>
    %broadcast_in_dim3A_43 = vector.shape_cast %broadcast_in_dim3A_42 : vector<42x128x1xf32> to vector<42x128x1xf32>
    %broadcast_in_dim3A_44 = vector.broadcast %broadcast_in_dim3A_43 : vector<42x128x1xf32> to vector<42x128x20xf32>
    %reshape3A_45 = vector.shape_cast %broadcast_in_dim3A_44 : vector<42x128x20xf32> to vector<42x2560xf32>
    %sub3A_46 = arith.subf %slice3A_40, %reshape3A_45 : vector<42x2560xf32>
    %concatenate3A_47 = tpu.concatenate %sub3A_46, %reshape3A_45 in 0 : vector<42x2560xf32>, vector<42x2560xf32> -> vector<84x2560xf32>
    %dot_general3A_48 = arith.constant dense<0.000000e+00> : vector<85x2560xf32>
    %dot_general3A_49 = tpu.matmul %get3A_39, %concatenate3A_47, %dot_general3A_48 {dimension_numbers = #tpu.dot_dimension_numbers<[1], [0], [0], [1], [0, 0, 1, 1], [], []>, transpose_lhs_hint = false} : vector<85x84xf32>, vector<84x2560xf32>, vector<85x2560xf32> -> vector<85x2560xf32>
    %slice3A_50 = vector.extract_strided_slice %transpose3A {offsets = [42, 0], sizes = [42, 2560], strides = [1, 1]} : vector<128x2560xf32> to vector<42x2560xf32>
    %slice3A_51 = vector.extract_strided_slice %transpose3A_9 {offsets = [42, 0], sizes = [42, 128], strides = [1, 1]} : vector<128x128xf32> to vector<42x128xf32>
    %broadcast_in_dim3A_52 = vector.shape_cast %slice3A_51 : vector<42x128xf32> to vector<42x128x1xf32>
    %broadcast_in_dim3A_53 = vector.shape_cast %broadcast_in_dim3A_52 : vector<42x128x1xf32> to vector<42x128x1xf32>
    %broadcast_in_dim3A_54 = vector.broadcast %broadcast_in_dim3A_53 : vector<42x128x1xf32> to vector<42x128x20xf32>
    %reshape3A_55 = vector.shape_cast %broadcast_in_dim3A_54 : vector<42x128x20xf32> to vector<42x2560xf32>
    %sub3A_56 = arith.subf %slice3A_50, %reshape3A_55 : vector<42x2560xf32>
    %concatenate3A_57 = tpu.concatenate %sub3A_56, %reshape3A_55 in 0 : vector<42x2560xf32>, vector<42x2560xf32> -> vector<84x2560xf32>
    %dot_general3A_58 = arith.constant dense<0.000000e+00> : vector<85x2560xf32>
    %dot_general3A_59 = tpu.matmul %get3A_39, %concatenate3A_57, %dot_general3A_58 {dimension_numbers = #tpu.dot_dimension_numbers<[1], [0], [0], [1], [0, 0, 1, 1], [], []>, transpose_lhs_hint = false} : vector<85x84xf32>, vector<84x2560xf32>, vector<85x2560xf32> -> vector<85x2560xf32>
    %slice3A_60 = vector.extract_strided_slice %transpose3A {offsets = [84, 0], sizes = [42, 2560], strides = [1, 1]} : vector<128x2560xf32> to vector<42x2560xf32>
    %slice3A_61 = vector.extract_strided_slice %transpose3A_9 {offsets = [84, 0], sizes = [42, 128], strides = [1, 1]} : vector<128x128xf32> to vector<42x128xf32>
    %broadcast_in_dim3A_62 = vector.shape_cast %slice3A_61 : vector<42x128xf32> to vector<42x128x1xf32>
    %broadcast_in_dim3A_63 = vector.shape_cast %broadcast_in_dim3A_62 : vector<42x128x1xf32> to vector<42x128x1xf32>
    %broadcast_in_dim3A_64 = vector.broadcast %broadcast_in_dim3A_63 : vector<42x128x1xf32> to vector<42x128x20xf32>
    %reshape3A_65 = vector.shape_cast %broadcast_in_dim3A_64 : vector<42x128x20xf32> to vector<42x2560xf32>
    %sub3A_66 = arith.subf %slice3A_60, %reshape3A_65 : vector<42x2560xf32>
    %concatenate3A_67 = tpu.concatenate %sub3A_66, %reshape3A_65 in 0 : vector<42x2560xf32>, vector<42x2560xf32> -> vector<84x2560xf32>
    %dot_general3A_68 = arith.constant dense<0.000000e+00> : vector<85x2560xf32>
    %dot_general3A_69 = tpu.matmul %get3A_39, %concatenate3A_67, %dot_general3A_68 {dimension_numbers = #tpu.dot_dimension_numbers<[1], [0], [0], [1], [0, 0, 1, 1], [], []>, transpose_lhs_hint = false} : vector<85x84xf32>, vector<84x2560xf32>, vector<85x2560xf32> -> vector<85x2560xf32>
    %get3A_70 = arith.constant 0 : index
    %get3A_71 = arith.constant 0 : index
    %get3A_72 = vector.load %arg6[%get3A_70, %get3A_71] : memref<85x1xf32, #tpu.memory_space<vmem>>, vector<85x1xf32>
    %get3A_73 = arith.constant 0 : index
    %get3A_74 = arith.constant 0 : index
    %get3A_75 = vector.load %arg7[%get3A_73, %get3A_74] : memref<85x1xf32, #tpu.memory_space<vmem>>, vector<85x1xf32>
    %mul3A = arith.mulf %dot_general3A_16, %dot_general3A_16 : vector<85x2560xf32>
    %mul3A_76 = arith.mulf %dot_general3A_26, %dot_general3A_26 : vector<85x2560xf32>
    %add3A = arith.addf %mul3A, %mul3A_76 : vector<85x2560xf32>
    %mul3A_77 = arith.mulf %dot_general3A_36, %dot_general3A_36 : vector<85x2560xf32>
    %add3A_78 = arith.addf %add3A, %mul3A_77 : vector<85x2560xf32>
    %sqrt3A = math.sqrt %add3A_78 : vector<85x2560xf32>
    %add3A_79 = arith.constant 9.99999997E-7 : f32
    %add3A_80 = vector.broadcast %add3A_79 : f32 to vector<85x2560xf32>
    %add3A_81 = arith.addf %sqrt3A, %add3A_80 : vector<85x2560xf32>
    %sub3A_82 = vector.broadcast %get3A_72 : vector<85x1xf32> to vector<85x2560xf32>
    %sub3A_83 = arith.subf %add3A_81, %sub3A_82 : vector<85x2560xf32>
    %add3A_84 = arith.constant 9.99999974E-6 : f32
    %add3A_85 = vector.broadcast %add3A_84 : f32 to vector<85x1xf32>
    %add3A_86 = arith.addf %get3A_75, %add3A_85 : vector<85x1xf32>
    %sqrt3A_87 = math.sqrt %add3A_86 : vector<85x1xf32>
    %div3A = vector.broadcast %sqrt3A_87 : vector<85x1xf32> to vector<85x2560xf32>
    %div3A_88 = arith.divf %sub3A_83, %div3A : vector<85x2560xf32>
    %div3A_89 = arith.divf %dot_general3A_16, %add3A_81 : vector<85x2560xf32>
    %mul3A_90 = arith.mulf %div3A_89, %div3A_88 : vector<85x2560xf32>
    %div3A_91 = arith.divf %dot_general3A_26, %add3A_81 : vector<85x2560xf32>
    %mul3A_92 = arith.mulf %div3A_91, %div3A_88 : vector<85x2560xf32>
    %div3A_93 = arith.divf %dot_general3A_36, %add3A_81 : vector<85x2560xf32>
    %mul3A_94 = arith.mulf %div3A_93, %div3A_88 : vector<85x2560xf32>
    %mul3A_95 = arith.mulf %mul3A_90, %dot_general3A_49 : vector<85x2560xf32>
    %mul3A_96 = arith.mulf %mul3A_92, %dot_general3A_59 : vector<85x2560xf32>
    %add3A_97 = arith.addf %mul3A_95, %mul3A_96 : vector<85x2560xf32>
    %mul3A_98 = arith.mulf %mul3A_94, %dot_general3A_69 : vector<85x2560xf32>
    %add3A_99 = arith.addf %add3A_97, %mul3A_98 : vector<85x2560xf32>
    %mul3A_100 = arith.mulf %dot_general3A_49, %dot_general3A_49 : vector<85x2560xf32>
    %mul3A_101 = arith.mulf %dot_general3A_59, %dot_general3A_59 : vector<85x2560xf32>
    %add3A_102 = arith.addf %mul3A_100, %mul3A_101 : vector<85x2560xf32>
    %mul3A_103 = arith.mulf %dot_general3A_69, %dot_general3A_69 : vector<85x2560xf32>
    %add3A_104 = arith.addf %add3A_102, %mul3A_103 : vector<85x2560xf32>
    %ge3A = arith.constant 0.000000e+00 : f32
    %ge3A_105 = vector.broadcast %ge3A : f32 to vector<85x2560xf32>
    %ge3A_106 = arith.cmpf oge, %add3A_99, %ge3A_105 : vector<85x2560xf32>
    %convert_element_type3A = arith.extui %ge3A_106 : vector<85x2560xi1> to vector<85x2560xi32>
    %convert_element_type3A_107 = arith.sitofp %convert_element_type3A : vector<85x2560xi32> to vector<85x2560xf32>
    %add3A_108 = arith.constant 9.99999997E-7 : f32
    %add3A_109 = vector.broadcast %add3A_108 : f32 to vector<85x2560xf32>
    %add3A_110 = arith.addf %add3A_104, %add3A_109 : vector<85x2560xf32>
    %div3A_111 = arith.divf %add3A_99, %add3A_110 : vector<85x2560xf32>
    %mul3A_112 = arith.constant 2.000000e-01 : f32
    %mul3A_113 = vector.broadcast %mul3A_112 : f32 to vector<85x2560xf32>
    %mul3A_114 = arith.mulf %mul3A_113, %mul3A_90 : vector<85x2560xf32>
    %mul3A_115 = arith.mulf %convert_element_type3A_107, %mul3A_90 : vector<85x2560xf32>
    %sub3A_116 = arith.constant 1.000000e+00 : f32
    %sub3A_117 = vector.broadcast %sub3A_116 : f32 to vector<85x2560xf32>
    %sub3A_118 = arith.subf %sub3A_117, %convert_element_type3A_107 : vector<85x2560xf32>
    %mul3A_119 = arith.mulf %div3A_111, %dot_general3A_49 : vector<85x2560xf32>
    %sub3A_120 = arith.subf %mul3A_90, %mul3A_119 : vector<85x2560xf32>
    %mul3A_121 = arith.mulf %sub3A_118, %sub3A_120 : vector<85x2560xf32>
    %add3A_122 = arith.addf %mul3A_115, %mul3A_121 : vector<85x2560xf32>
    %mul3A_123 = arith.constant 8.000000e-01 : f32
    %mul3A_124 = vector.broadcast %mul3A_123 : f32 to vector<85x2560xf32>
    %mul3A_125 = arith.mulf %mul3A_124, %add3A_122 : vector<85x2560xf32>
    %add3A_126 = arith.addf %mul3A_114, %mul3A_125 : vector<85x2560xf32>
    %reshape3A_127 = vector.shape_cast %add3A_126 : vector<85x2560xf32> to vector<85x128x20xf32>
    %reduce_sum3A = arith.constant dense<0.000000e+00> : vector<85x128xf32>
    %reduce_sum3A_128 = vector.multi_reduction <add>, %reshape3A_127, %reduce_sum3A [2] : vector<85x128x20xf32> to vector<85x128xf32>
    %div3A_129 = arith.constant 2.000000e+01 : f32
    %div3A_130 = vector.broadcast %div3A_129 : f32 to vector<85x128xf32>
    %div3A_131 = arith.divf %reduce_sum3A_128, %div3A_130 : vector<85x128xf32>
    %swap3A = arith.constant 0 : index
    %swap3A_132 = arith.constant 0 : index
    %swap3A_133 = arith.constant 0 : index
    %swap3A_134 = arith.constant 0 : index
    %swap3A_135 = vector.load %arg8[%swap3A, %swap3A_132, %swap3A_133, %swap3A_134] : memref<1x85x3x128xf32, #tpu.memory_space<vmem>>, vector<1x85x1x128xf32>
    %swap3A_136 = vector.shape_cast %swap3A_135 : vector<1x85x1x128xf32> to vector<85x128xf32>
    %swap3A_137 = vector.shape_cast %div3A_131 : vector<85x128xf32> to vector<1x85x1x128xf32>
    tpu.vector_store %arg8[%swap3A, %swap3A_132, %swap3A_133, %swap3A_134], %swap3A_137 {strides = array<i32>} : memref<1x85x3x128xf32, #tpu.memory_space<vmem>>, vector<1x85x1x128xf32>,
    %mul3A_138 = arith.constant 2.000000e-01 : f32
    %mul3A_139 = vector.broadcast %mul3A_138 : f32 to vector<85x2560xf32>
    %mul3A_140 = arith.mulf %mul3A_139, %mul3A_92 : vector<85x2560xf32>
    %mul3A_141 = arith.mulf %convert_element_type3A_107, %mul3A_92 : vector<85x2560xf32>
    %sub3A_142 = arith.constant 1.000000e+00 : f32
    %sub3A_143 = vector.broadcast %sub3A_142 : f32 to vector<85x2560xf32>
    %sub3A_144 = arith.subf %sub3A_143, %convert_element_type3A_107 : vector<85x2560xf32>
    %mul3A_145 = arith.mulf %div3A_111, %dot_general3A_59 : vector<85x2560xf32>
    %sub3A_146 = arith.subf %mul3A_92, %mul3A_145 : vector<85x2560xf32>
    %mul3A_147 = arith.mulf %sub3A_144, %sub3A_146 : vector<85x2560xf32>
    %add3A_148 = arith.addf %mul3A_141, %mul3A_147 : vector<85x2560xf32>
    %mul3A_149 = arith.constant 8.000000e-01 : f32
    %mul3A_150 = vector.broadcast %mul3A_149 : f32 to vector<85x2560xf32>
    %mul3A_151 = arith.mulf %mul3A_150, %add3A_148 : vector<85x2560xf32>
    %add3A_152 = arith.addf %mul3A_140, %mul3A_151 : vector<85x2560xf32>
    %reshape3A_153 = vector.shape_cast %add3A_152 : vector<85x2560xf32> to vector<85x128x20xf32>
    %reduce_sum3A_154 = arith.constant dense<0.000000e+00> : vector<85x128xf32>
    %reduce_sum3A_155 = vector.multi_reduction <add>, %reshape3A_153, %reduce_sum3A_154 [2] : vector<85x128x20xf32> to vector<85x128xf32>
    %div3A_156 = arith.constant 2.000000e+01 : f32
    %div3A_157 = vector.broadcast %div3A_156 : f32 to vector<85x128xf32>
    %div3A_158 = arith.divf %reduce_sum3A_155, %div3A_157 : vector<85x128xf32>
    %swap3A_159 = arith.constant 0 : index
    %swap3A_160 = arith.constant 0 : index
    %swap3A_161 = arith.constant 1 : index
    %swap3A_162 = arith.constant 0 : index
    %swap3A_163 = vector.load %arg8[%swap3A_159, %swap3A_160, %swap3A_161, %swap3A_162] : memref<1x85x3x128xf32, #tpu.memory_space<vmem>>, vector<1x85x1x128xf32>
    %swap3A_164 = vector.shape_cast %swap3A_163 : vector<1x85x1x128xf32> to vector<85x128xf32>
    %swap3A_165 = vector.shape_cast %div3A_158 : vector<85x128xf32> to vector<1x85x1x128xf32>
    tpu.vector_store %arg8[%swap3A_159, %swap3A_160, %swap3A_161, %swap3A_162], %swap3A_165 {strides = array<i32>} : memref<1x85x3x128xf32, #tpu.memory_space<vmem>>, vector<1x85x1x128xf32>,
    %mul3A_166 = arith.constant 2.000000e-01 : f32
    %mul3A_167 = vector.broadcast %mul3A_166 : f32 to vector<85x2560xf32>
    %mul3A_168 = arith.mulf %mul3A_167, %mul3A_94 : vector<85x2560xf32>
    %mul3A_169 = arith.mulf %convert_element_type3A_107, %mul3A_94 : vector<85x2560xf32>
    %sub3A_170 = arith.constant 1.000000e+00 : f32
    %sub3A_171 = vector.broadcast %sub3A_170 : f32 to vector<85x2560xf32>
    %sub3A_172 = arith.subf %sub3A_171, %convert_element_type3A_107 : vector<85x2560xf32>
    %mul3A_173 = arith.mulf %div3A_111, %dot_general3A_69 : vector<85x2560xf32>
    %sub3A_174 = arith.subf %mul3A_94, %mul3A_173 : vector<85x2560xf32>
    %mul3A_175 = arith.mulf %sub3A_172, %sub3A_174 : vector<85x2560xf32>
    %add3A_176 = arith.addf %mul3A_169, %mul3A_175 : vector<85x2560xf32>
    %mul3A_177 = arith.constant 8.000000e-01 : f32
    %mul3A_178 = vector.broadcast %mul3A_177 : f32 to vector<85x2560xf32>
    %mul3A_179 = arith.mulf %mul3A_178, %add3A_176 : vector<85x2560xf32>
    %add3A_180 = arith.addf %mul3A_168, %mul3A_179 : vector<85x2560xf32>
    %reshape3A_181 = vector.shape_cast %add3A_180 : vector<85x2560xf32> to vector<85x128x20xf32>
    %reduce_sum3A_182 = arith.constant dense<0.000000e+00> : vector<85x128xf32>
    %reduce_sum3A_183 = vector.multi_reduction <add>, %reshape3A_181, %reduce_sum3A_182 [2] : vector<85x128x20xf32> to vector<85x128xf32>
    %div3A_184 = arith.constant 2.000000e+01 : f32
    %div3A_185 = vector.broadcast %div3A_184 : f32 to vector<85x128xf32>
    %div3A_186 = arith.divf %reduce_sum3A_183, %div3A_185 : vector<85x128xf32>
    %swap3A_187 = arith.constant 0 : index
    %swap3A_188 = arith.constant 0 : index
    %swap3A_189 = arith.constant 2 : index
    %swap3A_190 = arith.constant 0 : index
    %swap3A_191 = vector.load %arg8[%swap3A_187, %swap3A_188, %swap3A_189, %swap3A_190] : memref<1x85x3x128xf32, #tpu.memory_space<vmem>>, vector<1x85x1x128xf32>
    %swap3A_192 = vector.shape_cast %swap3A_191 : vector<1x85x1x128xf32> to vector<85x128xf32>
    %swap3A_193 = vector.shape_cast %div3A_186 : vector<85x128xf32> to vector<1x85x1x128xf32>
    tpu.vector_store %arg8[%swap3A_187, %swap3A_188, %swap3A_189, %swap3A_190], %swap3A_193 {strides = array<i32>} : memref<1x85x3x128xf32, #tpu.memory_space<vmem>>, vector<1x85x1x128xf32>,
    return
  }
  func.func @transform_0(%arg0: i32, %arg1: i32) -> (i32, i32, i32) {
    %c0_i32 = arith.constant 0 : i32
    %c0_i32_0 = arith.constant 0 : i32
    return %arg0, %arg1, %c0_i32 : i32, i32, i32
  }
  func.func @transform_1(%arg0: i32, %arg1: i32) -> (i32, i32, i32) {
    %c0_i32 = arith.constant 0 : i32
    %c0_i32_0 = arith.constant 0 : i32
    return %arg0, %arg1, %c0_i32 : i32, i32, i32
  }
  func.func @transform_2(%arg0: i32, %arg1: i32) -> (i32, i32) {
    %c0_i32 = arith.constant 0 : i32
    %c0_i32_0 = arith.constant 0 : i32
    %c0_i32_1 = arith.constant 0 : i32
    return %c0_i32, %c0_i32_0 : i32, i32
  }
  func.func @transform_3(%arg0: i32, %arg1: i32) -> (i32, i32) {
    %c0_i32 = arith.constant 0 : i32
    %c0_i32_0 = arith.constant 0 : i32
    %c0_i32_1 = arith.constant 0 : i32
    return %c0_i32, %c0_i32_0 : i32, i32
  }
  func.func @transform_4(%arg0: i32, %arg1: i32) -> (i32, i32) {
    %c0_i32 = arith.constant 0 : i32
    %c0_i32_0 = arith.constant 0 : i32
    %c0_i32_1 = arith.constant 0 : i32
    return %c0_i32, %c0_i32_0 : i32, i32
  }
  func.func @transform_5(%arg0: i32, %arg1: i32) -> (i32, i32) {
    %c0_i32 = arith.constant 0 : i32
    %c0_i32_0 = arith.constant 0 : i32
    %c0_i32_1 = arith.constant 0 : i32
    return %c0_i32, %c0_i32_0 : i32, i32
  }
  func.func @transform_6(%arg0: i32, %arg1: i32) -> (i32, i32, i32, i32) {
    %c0_i32 = arith.constant 0 : i32
    %c0_i32_0 = arith.constant 0 : i32
    %c0_i32_1 = arith.constant 0 : i32
    return %arg0, %c0_i32, %c0_i32_0, %arg1 : i32, i32, i32, i32
  }
}

module attributes {stable_mosaic.version = 14 : i64} {
  func.func @_final_mm_body(%arg0: i32, %arg1: memref<3x169x1024xf32, #tpu.memory_space<vmem>>, %arg2: memref<341x169xf32, #tpu.memory_space<vmem>>, %arg3: memref<1x169xf32, #tpu.memory_space<vmem>>, %arg4: memref<3x341x1024xf32, #tpu.memory_space<vmem>>, %arg5: memref<3x1x1024xf32, #tpu.memory_space<vmem>>, %arg6: memref<341x2xf32, #tpu.memory_space<vmem>>) attributes {dimension_semantics = [#tpu.dimension_semantics<arbitrary>], iteration_bounds = array<i64: 8>, scalar_prefetch = 0 : i64, scratch_operands = 0 : i64, tpu.core_type = #tpu.core_type<tc>, window_params = [{transform_indices = @transform_0, window_bounds = array<i64: 3, 169, 1024>}, {pipeline_mode = #tpu.pipeline_mode<synchronous>, transform_indices = @transform_1, window_bounds = array<i64: 341, 169>}, {pipeline_mode = #tpu.pipeline_mode<synchronous>, transform_indices = @transform_2, window_bounds = array<i64: 1, 169>}, {transform_indices = @transform_3, window_bounds = array<i64: 3, 341, 1024>}, {transform_indices = @transform_4, window_bounds = array<i64: 3, 1, 1024>}, {pipeline_mode = #tpu.pipeline_mode<synchronous>, transform_indices = @transform_5, window_bounds = array<i64: 341, 2>}]} {
    %eq3A = arith.constant 0 : i32
    %eq3A_0 = arith.cmpi eq, %arg0, %eq3A : i32
    %get3A = arith.constant 0 : index
    %get3A_1 = arith.constant 0 : index
    %get3A_2 = vector.load %arg2[%get3A, %get3A_1] : memref<341x169xf32, #tpu.memory_space<vmem>>, vector<341x169xf32>
    %get3A_3 = arith.constant 0 : index
    %get3A_4 = arith.constant 0 : index
    %get3A_5 = vector.load %arg3[%get3A_3, %get3A_4] : memref<1x169xf32, #tpu.memory_space<vmem>>, vector<1x169xf32>
    %get3A_6 = arith.constant 0 : index
    %get3A_7 = arith.constant 0 : index
    %get3A_8 = arith.constant 0 : index
    %get3A_9 = vector.load %arg1[%get3A_6, %get3A_7, %get3A_8] : memref<3x169x1024xf32, #tpu.memory_space<vmem>>, vector<1x169x1024xf32>
    %get3A_10 = vector.shape_cast %get3A_9 : vector<1x169x1024xf32> to vector<169x1024xf32>
    %dot_general3A = arith.constant dense<0.000000e+00> : vector<341x1024xf32>
    %dot_general3A_11 = tpu.matmul %get3A_2, %get3A_10, %dot_general3A {dimension_numbers = #tpu.dot_dimension_numbers<[1], [0], [0], [1], [0, 0, 1, 1], [], []>, transpose_lhs_hint = false} : vector<341x169xf32>, vector<169x1024xf32>, vector<341x1024xf32> -> vector<341x1024xf32>
    %dot_general3A_12 = arith.constant dense<0.000000e+00> : vector<1x1024xf32>
    %dot_general3A_13 = tpu.matmul %get3A_5, %get3A_10, %dot_general3A_12 {dimension_numbers = #tpu.dot_dimension_numbers<[1], [0], [0], [1], [0, 0, 1, 1], [], []>, transpose_lhs_hint = false} : vector<1x169xf32>, vector<169x1024xf32>, vector<1x1024xf32> -> vector<1x1024xf32>
    %swap3A = arith.constant 0 : index
    %swap3A_14 = arith.constant 0 : index
    %swap3A_15 = arith.constant 0 : index
    %swap3A_16 = vector.load %arg4[%swap3A, %swap3A_14, %swap3A_15] : memref<3x341x1024xf32, #tpu.memory_space<vmem>>, vector<1x341x1024xf32>
    %swap3A_17 = vector.shape_cast %swap3A_16 : vector<1x341x1024xf32> to vector<341x1024xf32>
    %swap3A_18 = vector.shape_cast %dot_general3A_11 : vector<341x1024xf32> to vector<1x341x1024xf32>
    tpu.vector_store %arg4[%swap3A, %swap3A_14, %swap3A_15], %swap3A_18 {strides = array<i32>} : memref<3x341x1024xf32, #tpu.memory_space<vmem>>, vector<1x341x1024xf32>,
    %swap3A_19 = arith.constant 0 : index
    %swap3A_20 = arith.constant 0 : index
    %swap3A_21 = arith.constant 0 : index
    %swap3A_22 = vector.load %arg5[%swap3A_19, %swap3A_20, %swap3A_21] : memref<3x1x1024xf32, #tpu.memory_space<vmem>>, vector<1x1x1024xf32>
    %swap3A_23 = vector.shape_cast %swap3A_22 : vector<1x1x1024xf32> to vector<1x1024xf32>
    %swap3A_24 = vector.shape_cast %dot_general3A_13 : vector<1x1024xf32> to vector<1x1x1024xf32>
    tpu.vector_store %arg5[%swap3A_19, %swap3A_20, %swap3A_21], %swap3A_24 {strides = array<i32>} : memref<3x1x1024xf32, #tpu.memory_space<vmem>>, vector<1x1x1024xf32>,
    %mul3A = arith.mulf %dot_general3A_11, %dot_general3A_11 : vector<341x1024xf32>
    %get3A_25 = arith.constant 1 : index
    %get3A_26 = arith.constant 0 : index
    %get3A_27 = arith.constant 0 : index
    %get3A_28 = vector.load %arg1[%get3A_25, %get3A_26, %get3A_27] : memref<3x169x1024xf32, #tpu.memory_space<vmem>>, vector<1x169x1024xf32>
    %get3A_29 = vector.shape_cast %get3A_28 : vector<1x169x1024xf32> to vector<169x1024xf32>
    %dot_general3A_30 = arith.constant dense<0.000000e+00> : vector<341x1024xf32>
    %dot_general3A_31 = tpu.matmul %get3A_2, %get3A_29, %dot_general3A_30 {dimension_numbers = #tpu.dot_dimension_numbers<[1], [0], [0], [1], [0, 0, 1, 1], [], []>, transpose_lhs_hint = false} : vector<341x169xf32>, vector<169x1024xf32>, vector<341x1024xf32> -> vector<341x1024xf32>
    %dot_general3A_32 = arith.constant dense<0.000000e+00> : vector<1x1024xf32>
    %dot_general3A_33 = tpu.matmul %get3A_5, %get3A_29, %dot_general3A_32 {dimension_numbers = #tpu.dot_dimension_numbers<[1], [0], [0], [1], [0, 0, 1, 1], [], []>, transpose_lhs_hint = false} : vector<1x169xf32>, vector<169x1024xf32>, vector<1x1024xf32> -> vector<1x1024xf32>
    %swap3A_34 = arith.constant 1 : index
    %swap3A_35 = arith.constant 0 : index
    %swap3A_36 = arith.constant 0 : index
    %swap3A_37 = vector.load %arg4[%swap3A_34, %swap3A_35, %swap3A_36] : memref<3x341x1024xf32, #tpu.memory_space<vmem>>, vector<1x341x1024xf32>
    %swap3A_38 = vector.shape_cast %swap3A_37 : vector<1x341x1024xf32> to vector<341x1024xf32>
    %swap3A_39 = vector.shape_cast %dot_general3A_31 : vector<341x1024xf32> to vector<1x341x1024xf32>
    tpu.vector_store %arg4[%swap3A_34, %swap3A_35, %swap3A_36], %swap3A_39 {strides = array<i32>} : memref<3x341x1024xf32, #tpu.memory_space<vmem>>, vector<1x341x1024xf32>,
    %swap3A_40 = arith.constant 1 : index
    %swap3A_41 = arith.constant 0 : index
    %swap3A_42 = arith.constant 0 : index
    %swap3A_43 = vector.load %arg5[%swap3A_40, %swap3A_41, %swap3A_42] : memref<3x1x1024xf32, #tpu.memory_space<vmem>>, vector<1x1x1024xf32>
    %swap3A_44 = vector.shape_cast %swap3A_43 : vector<1x1x1024xf32> to vector<1x1024xf32>
    %swap3A_45 = vector.shape_cast %dot_general3A_33 : vector<1x1024xf32> to vector<1x1x1024xf32>
    tpu.vector_store %arg5[%swap3A_40, %swap3A_41, %swap3A_42], %swap3A_45 {strides = array<i32>} : memref<3x1x1024xf32, #tpu.memory_space<vmem>>, vector<1x1x1024xf32>,
    %mul3A_46 = arith.mulf %dot_general3A_31, %dot_general3A_31 : vector<341x1024xf32>
    %add3A = arith.addf %mul3A, %mul3A_46 : vector<341x1024xf32>
    %get3A_47 = arith.constant 2 : index
    %get3A_48 = arith.constant 0 : index
    %get3A_49 = arith.constant 0 : index
    %get3A_50 = vector.load %arg1[%get3A_47, %get3A_48, %get3A_49] : memref<3x169x1024xf32, #tpu.memory_space<vmem>>, vector<1x169x1024xf32>
    %get3A_51 = vector.shape_cast %get3A_50 : vector<1x169x1024xf32> to vector<169x1024xf32>
    %dot_general3A_52 = arith.constant dense<0.000000e+00> : vector<341x1024xf32>
    %dot_general3A_53 = tpu.matmul %get3A_2, %get3A_51, %dot_general3A_52 {dimension_numbers = #tpu.dot_dimension_numbers<[1], [0], [0], [1], [0, 0, 1, 1], [], []>, transpose_lhs_hint = false} : vector<341x169xf32>, vector<169x1024xf32>, vector<341x1024xf32> -> vector<341x1024xf32>
    %dot_general3A_54 = arith.constant dense<0.000000e+00> : vector<1x1024xf32>
    %dot_general3A_55 = tpu.matmul %get3A_5, %get3A_51, %dot_general3A_54 {dimension_numbers = #tpu.dot_dimension_numbers<[1], [0], [0], [1], [0, 0, 1, 1], [], []>, transpose_lhs_hint = false} : vector<1x169xf32>, vector<169x1024xf32>, vector<1x1024xf32> -> vector<1x1024xf32>
    %swap3A_56 = arith.constant 2 : index
    %swap3A_57 = arith.constant 0 : index
    %swap3A_58 = arith.constant 0 : index
    %swap3A_59 = vector.load %arg4[%swap3A_56, %swap3A_57, %swap3A_58] : memref<3x341x1024xf32, #tpu.memory_space<vmem>>, vector<1x341x1024xf32>
    %swap3A_60 = vector.shape_cast %swap3A_59 : vector<1x341x1024xf32> to vector<341x1024xf32>
    %swap3A_61 = vector.shape_cast %dot_general3A_53 : vector<341x1024xf32> to vector<1x341x1024xf32>
    tpu.vector_store %arg4[%swap3A_56, %swap3A_57, %swap3A_58], %swap3A_61 {strides = array<i32>} : memref<3x341x1024xf32, #tpu.memory_space<vmem>>, vector<1x341x1024xf32>,
    %swap3A_62 = arith.constant 2 : index
    %swap3A_63 = arith.constant 0 : index
    %swap3A_64 = arith.constant 0 : index
    %swap3A_65 = vector.load %arg5[%swap3A_62, %swap3A_63, %swap3A_64] : memref<3x1x1024xf32, #tpu.memory_space<vmem>>, vector<1x1x1024xf32>
    %swap3A_66 = vector.shape_cast %swap3A_65 : vector<1x1x1024xf32> to vector<1x1024xf32>
    %swap3A_67 = vector.shape_cast %dot_general3A_55 : vector<1x1024xf32> to vector<1x1x1024xf32>
    tpu.vector_store %arg5[%swap3A_62, %swap3A_63, %swap3A_64], %swap3A_67 {strides = array<i32>} : memref<3x1x1024xf32, #tpu.memory_space<vmem>>, vector<1x1x1024xf32>,
    %mul3A_68 = arith.mulf %dot_general3A_53, %dot_general3A_53 : vector<341x1024xf32>
    %add3A_69 = arith.addf %add3A, %mul3A_68 : vector<341x1024xf32>
    %sqrt3A = math.sqrt %add3A_69 : vector<341x1024xf32>
    %add3A_70 = arith.constant 9.99999997E-7 : f32
    %add3A_71 = vector.broadcast %add3A_70 : f32 to vector<341x1024xf32>
    %add3A_72 = arith.addf %sqrt3A, %add3A_71 : vector<341x1024xf32>
    %reduce_sum3A = arith.constant dense<0.000000e+00> : vector<341xf32>
    %reduce_sum3A_73 = vector.multi_reduction <add>, %add3A_72, %reduce_sum3A [1] : vector<341x1024xf32> to vector<341xf32>
    %broadcast_in_dim3A = vector.shape_cast %reduce_sum3A_73 : vector<341xf32> to vector<341x1xf32>
    %mul3A_74 = arith.mulf %add3A_72, %add3A_72 : vector<341x1024xf32>
    %reduce_sum3A_75 = arith.constant dense<0.000000e+00> : vector<341xf32>
    %reduce_sum3A_76 = vector.multi_reduction <add>, %mul3A_74, %reduce_sum3A_75 [1] : vector<341x1024xf32> to vector<341xf32>
    %broadcast_in_dim3A_77 = vector.shape_cast %reduce_sum3A_76 : vector<341xf32> to vector<341x1xf32>
    %concatenate3A = tpu.concatenate %broadcast_in_dim3A, %broadcast_in_dim3A_77 in 1 : vector<341x1xf32>, vector<341x1xf32> -> vector<341x2xf32>
    %convert_element_type3A = arith.extui %eq3A_0 : i1 to i32
    %cond3A = arith.constant 0 : i32
    %cond3A_78 = arith.cmpi ne, %convert_element_type3A, %cond3A : i32
    scf.if %cond3A_78 {
      %broadcast_in_dim3A_86 = arith.constant 0.000000e+00 : f32
      %broadcast_in_dim3A_87 = vector.broadcast %broadcast_in_dim3A_86 : f32 to vector<341x2xf32>
      %swap3A_88 = arith.constant 0 : index
      %swap3A_89 = arith.constant 0 : index
      %swap3A_90 = vector.load %arg6[%swap3A_88, %swap3A_89] : memref<341x2xf32, #tpu.memory_space<vmem>>, vector<341x2xf32>
      tpu.vector_store %arg6[%swap3A_88, %swap3A_89], %broadcast_in_dim3A_87 {strides = array<i32>} : memref<341x2xf32, #tpu.memory_space<vmem>>, vector<341x2xf32>,
    } else {
    }
    %get3A_79 = arith.constant 0 : index
    %get3A_80 = arith.constant 0 : index
    %get3A_81 = vector.load %arg6[%get3A_79, %get3A_80] : memref<341x2xf32, #tpu.memory_space<vmem>>, vector<341x2xf32>
    %add3A_82 = arith.addf %get3A_81, %concatenate3A : vector<341x2xf32>
    %swap3A_83 = arith.constant 0 : index
    %swap3A_84 = arith.constant 0 : index
    %swap3A_85 = vector.load %arg6[%swap3A_83, %swap3A_84] : memref<341x2xf32, #tpu.memory_space<vmem>>, vector<341x2xf32>
    tpu.vector_store %arg6[%swap3A_83, %swap3A_84], %add3A_82 {strides = array<i32>} : memref<341x2xf32, #tpu.memory_space<vmem>>, vector<341x2xf32>,
    return
  }
  func.func @transform_0(%arg0: i32) -> (i32, i32, i32) {
    %c0_i32 = arith.constant 0 : i32
    %c0_i32_0 = arith.constant 0 : i32
    %c0_i32_1 = arith.constant 0 : i32
    return %c0_i32, %c0_i32_0, %arg0 : i32, i32, i32
  }
  func.func @transform_1(%arg0: i32) -> (i32, i32) {
    %c0_i32 = arith.constant 0 : i32
    %c0_i32_0 = arith.constant 0 : i32
    %c0_i32_1 = arith.constant 0 : i32
    return %c0_i32, %c0_i32_0 : i32, i32
  }
  func.func @transform_2(%arg0: i32) -> (i32, i32) {
    %c0_i32 = arith.constant 0 : i32
    %c0_i32_0 = arith.constant 0 : i32
    %c0_i32_1 = arith.constant 0 : i32
    return %c0_i32, %c0_i32_0 : i32, i32
  }
  func.func @transform_3(%arg0: i32) -> (i32, i32, i32) {
    %c0_i32 = arith.constant 0 : i32
    %c0_i32_0 = arith.constant 0 : i32
    %c0_i32_1 = arith.constant 0 : i32
    return %c0_i32, %c0_i32_0, %arg0 : i32, i32, i32
  }
  func.func @transform_4(%arg0: i32) -> (i32, i32, i32) {
    %c0_i32 = arith.constant 0 : i32
    %c0_i32_0 = arith.constant 0 : i32
    %c0_i32_1 = arith.constant 0 : i32
    return %c0_i32, %c0_i32_0, %arg0 : i32, i32, i32
  }
  func.func @transform_5(%arg0: i32) -> (i32, i32) {
    %c0_i32 = arith.constant 0 : i32
    %c0_i32_0 = arith.constant 0 : i32
    %c0_i32_1 = arith.constant 0 : i32
    return %c0_i32, %c0_i32_0 : i32, i32
  }
}

module attributes {stable_mosaic.version = 14 : i64} {
  func.func @_final_apply_body(%arg0: i32, %arg1: memref<3x341x1024xf32, #tpu.memory_space<vmem>>, %arg2: memref<3x1x1024xf32, #tpu.memory_space<vmem>>, %arg3: memref<341x2xf32, #tpu.memory_space<vmem>>, %arg4: memref<3x341x1024xf32, #tpu.memory_space<vmem>>) attributes {dimension_semantics = [#tpu.dimension_semantics<arbitrary>], iteration_bounds = array<i64: 8>, scalar_prefetch = 0 : i64, scratch_operands = 0 : i64, tpu.core_type = #tpu.core_type<tc>, window_params = [{transform_indices = @transform_0, window_bounds = array<i64: 3, 341, 1024>}, {transform_indices = @transform_1, window_bounds = array<i64: 3, 1, 1024>}, {pipeline_mode = #tpu.pipeline_mode<synchronous>, transform_indices = @transform_2, window_bounds = array<i64: 341, 2>}, {transform_indices = @transform_3, window_bounds = array<i64: 3, 341, 1024>}]} {
    %get3A = arith.constant 0 : index
    %get3A_0 = arith.constant 0 : index
    %get3A_1 = vector.load %arg3[%get3A, %get3A_0] : memref<341x2xf32, #tpu.memory_space<vmem>>, vector<341x1xf32>
    %div3A = arith.constant 8.192000e+03 : f32
    %div3A_2 = vector.broadcast %div3A : f32 to vector<341x1xf32>
    %div3A_3 = arith.divf %get3A_1, %div3A_2 : vector<341x1xf32>
    %get3A_4 = arith.constant 0 : index
    %get3A_5 = arith.constant 1 : index
    %get3A_6 = vector.load %arg3[%get3A_4, %get3A_5] : memref<341x2xf32, #tpu.memory_space<vmem>>, vector<341x1xf32>
    %div3A_7 = arith.constant 8.192000e+03 : f32
    %div3A_8 = vector.broadcast %div3A_7 : f32 to vector<341x1xf32>
    %div3A_9 = arith.divf %get3A_6, %div3A_8 : vector<341x1xf32>
    %mul3A = arith.mulf %div3A_3, %div3A_3 : vector<341x1xf32>
    %sub3A = arith.subf %div3A_9, %mul3A : vector<341x1xf32>
    %get3A_10 = arith.constant 0 : index
    %get3A_11 = arith.constant 0 : index
    %get3A_12 = arith.constant 0 : index
    %get3A_13 = vector.load %arg1[%get3A_10, %get3A_11, %get3A_12] : memref<3x341x1024xf32, #tpu.memory_space<vmem>>, vector<1x341x1024xf32>
    %get3A_14 = vector.shape_cast %get3A_13 : vector<1x341x1024xf32> to vector<341x1024xf32>
    %get3A_15 = arith.constant 1 : index
    %get3A_16 = arith.constant 0 : index
    %get3A_17 = arith.constant 0 : index
    %get3A_18 = vector.load %arg1[%get3A_15, %get3A_16, %get3A_17] : memref<3x341x1024xf32, #tpu.memory_space<vmem>>, vector<1x341x1024xf32>
    %get3A_19 = vector.shape_cast %get3A_18 : vector<1x341x1024xf32> to vector<341x1024xf32>
    %get3A_20 = arith.constant 2 : index
    %get3A_21 = arith.constant 0 : index
    %get3A_22 = arith.constant 0 : index
    %get3A_23 = vector.load %arg1[%get3A_20, %get3A_21, %get3A_22] : memref<3x341x1024xf32, #tpu.memory_space<vmem>>, vector<1x341x1024xf32>
    %get3A_24 = vector.shape_cast %get3A_23 : vector<1x341x1024xf32> to vector<341x1024xf32>
    %get3A_25 = arith.constant 0 : index
    %get3A_26 = arith.constant 0 : index
    %get3A_27 = arith.constant 0 : index
    %get3A_28 = vector.load %arg2[%get3A_25, %get3A_26, %get3A_27] : memref<3x1x1024xf32, #tpu.memory_space<vmem>>, vector<1x1x1024xf32>
    %get3A_29 = vector.shape_cast %get3A_28 : vector<1x1x1024xf32> to vector<1x1024xf32>
    %get3A_30 = arith.constant 1 : index
    %get3A_31 = arith.constant 0 : index
    %get3A_32 = arith.constant 0 : index
    %get3A_33 = vector.load %arg2[%get3A_30, %get3A_31, %get3A_32] : memref<3x1x1024xf32, #tpu.memory_space<vmem>>, vector<1x1x1024xf32>
    %get3A_34 = vector.shape_cast %get3A_33 : vector<1x1x1024xf32> to vector<1x1024xf32>
    %get3A_35 = arith.constant 2 : index
    %get3A_36 = arith.constant 0 : index
    %get3A_37 = arith.constant 0 : index
    %get3A_38 = vector.load %arg2[%get3A_35, %get3A_36, %get3A_37] : memref<3x1x1024xf32, #tpu.memory_space<vmem>>, vector<1x1x1024xf32>
    %get3A_39 = vector.shape_cast %get3A_38 : vector<1x1x1024xf32> to vector<1x1024xf32>
    %mul3A_40 = arith.mulf %get3A_14, %get3A_14 : vector<341x1024xf32>
    %mul3A_41 = arith.mulf %get3A_19, %get3A_19 : vector<341x1024xf32>
    %add3A = arith.addf %mul3A_40, %mul3A_41 : vector<341x1024xf32>
    %mul3A_42 = arith.mulf %get3A_24, %get3A_24 : vector<341x1024xf32>
    %add3A_43 = arith.addf %add3A, %mul3A_42 : vector<341x1024xf32>
    %sqrt3A = math.sqrt %add3A_43 : vector<341x1024xf32>
    %add3A_44 = arith.constant 9.99999997E-7 : f32
    %add3A_45 = vector.broadcast %add3A_44 : f32 to vector<341x1024xf32>
    %add3A_46 = arith.addf %sqrt3A, %add3A_45 : vector<341x1024xf32>
    %sub3A_47 = vector.broadcast %div3A_3 : vector<341x1xf32> to vector<341x1024xf32>
    %sub3A_48 = arith.subf %add3A_46, %sub3A_47 : vector<341x1024xf32>
    %add3A_49 = arith.constant 9.99999974E-6 : f32
    %add3A_50 = vector.broadcast %add3A_49 : f32 to vector<341x1xf32>
    %add3A_51 = arith.addf %sub3A, %add3A_50 : vector<341x1xf32>
    %sqrt3A_52 = math.sqrt %add3A_51 : vector<341x1xf32>
    %mul3A_53 = vector.broadcast %sqrt3A_52 : vector<341x1xf32> to vector<341x1024xf32>
    %mul3A_54 = arith.mulf %mul3A_53, %add3A_46 : vector<341x1024xf32>
    %div3A_55 = arith.divf %sub3A_48, %mul3A_54 : vector<341x1024xf32>
    %mul3A_56 = arith.mulf %get3A_14, %div3A_55 : vector<341x1024xf32>
    %mul3A_57 = arith.mulf %get3A_19, %div3A_55 : vector<341x1024xf32>
    %mul3A_58 = arith.mulf %get3A_24, %div3A_55 : vector<341x1024xf32>
    %mul3A_59 = vector.broadcast %get3A_29 : vector<1x1024xf32> to vector<341x1024xf32>
    %mul3A_60 = arith.mulf %mul3A_56, %mul3A_59 : vector<341x1024xf32>
    %mul3A_61 = vector.broadcast %get3A_34 : vector<1x1024xf32> to vector<341x1024xf32>
    %mul3A_62 = arith.mulf %mul3A_57, %mul3A_61 : vector<341x1024xf32>
    %add3A_63 = arith.addf %mul3A_60, %mul3A_62 : vector<341x1024xf32>
    %mul3A_64 = vector.broadcast %get3A_39 : vector<1x1024xf32> to vector<341x1024xf32>
    %mul3A_65 = arith.mulf %mul3A_58, %mul3A_64 : vector<341x1024xf32>
    %add3A_66 = arith.addf %add3A_63, %mul3A_65 : vector<341x1024xf32>
    %mul3A_67 = arith.mulf %get3A_29, %get3A_29 : vector<1x1024xf32>
    %mul3A_68 = arith.mulf %get3A_34, %get3A_34 : vector<1x1024xf32>
    %add3A_69 = arith.addf %mul3A_67, %mul3A_68 : vector<1x1024xf32>
    %mul3A_70 = arith.mulf %get3A_39, %get3A_39 : vector<1x1024xf32>
    %add3A_71 = arith.addf %add3A_69, %mul3A_70 : vector<1x1024xf32>
    %lt3A = arith.constant 0.000000e+00 : f32
    %lt3A_72 = vector.broadcast %lt3A : f32 to vector<341x1024xf32>
    %lt3A_73 = arith.cmpf olt, %add3A_66, %lt3A_72 : vector<341x1024xf32>
    %add3A_74 = arith.constant 9.99999997E-7 : f32
    %add3A_75 = vector.broadcast %add3A_74 : f32 to vector<1x1024xf32>
    %add3A_76 = arith.addf %add3A_71, %add3A_75 : vector<1x1024xf32>
    %div3A_77 = vector.broadcast %add3A_76 : vector<1x1024xf32> to vector<341x1024xf32>
    %div3A_78 = arith.divf %add3A_66, %div3A_77 : vector<341x1024xf32>
    %jit3A = arith.constant 0.000000e+00 : f32
    %broadcast_in_dim3A = vector.broadcast %jit3A : f32 to vector<341x1024xf32>
    %select_n3A = arith.select %lt3A_73, %div3A_78, %broadcast_in_dim3A : vector<341x1024xi1>, vector<341x1024xf32>
    %mul3A_79 = arith.constant 8.000000e-01 : f32
    %mul3A_80 = vector.broadcast %mul3A_79 : f32 to vector<341x1024xf32>
    %mul3A_81 = arith.mulf %mul3A_80, %select_n3A : vector<341x1024xf32>
    %mul3A_82 = vector.broadcast %get3A_29 : vector<1x1024xf32> to vector<341x1024xf32>
    %mul3A_83 = arith.mulf %mul3A_81, %mul3A_82 : vector<341x1024xf32>
    %sub3A_84 = arith.subf %mul3A_56, %mul3A_83 : vector<341x1024xf32>
    %swap3A = arith.constant 0 : index
    %swap3A_85 = arith.constant 0 : index
    %swap3A_86 = arith.constant 0 : index
    %swap3A_87 = vector.load %arg4[%swap3A, %swap3A_85, %swap3A_86] : memref<3x341x1024xf32, #tpu.memory_space<vmem>>, vector<1x341x1024xf32>
    %swap3A_88 = vector.shape_cast %swap3A_87 : vector<1x341x1024xf32> to vector<341x1024xf32>
    %swap3A_89 = vector.shape_cast %sub3A_84 : vector<341x1024xf32> to vector<1x341x1024xf32>
    tpu.vector_store %arg4[%swap3A, %swap3A_85, %swap3A_86], %swap3A_89 {strides = array<i32>} : memref<3x341x1024xf32, #tpu.memory_space<vmem>>, vector<1x341x1024xf32>,
    %mul3A_90 = vector.broadcast %get3A_34 : vector<1x1024xf32> to vector<341x1024xf32>
    %mul3A_91 = arith.mulf %mul3A_81, %mul3A_90 : vector<341x1024xf32>
    %sub3A_92 = arith.subf %mul3A_57, %mul3A_91 : vector<341x1024xf32>
    %swap3A_93 = arith.constant 1 : index
    %swap3A_94 = arith.constant 0 : index
    %swap3A_95 = arith.constant 0 : index
    %swap3A_96 = vector.load %arg4[%swap3A_93, %swap3A_94, %swap3A_95] : memref<3x341x1024xf32, #tpu.memory_space<vmem>>, vector<1x341x1024xf32>
    %swap3A_97 = vector.shape_cast %swap3A_96 : vector<1x341x1024xf32> to vector<341x1024xf32>
    %swap3A_98 = vector.shape_cast %sub3A_92 : vector<341x1024xf32> to vector<1x341x1024xf32>
    tpu.vector_store %arg4[%swap3A_93, %swap3A_94, %swap3A_95], %swap3A_98 {strides = array<i32>} : memref<3x341x1024xf32, #tpu.memory_space<vmem>>, vector<1x341x1024xf32>,
    %mul3A_99 = vector.broadcast %get3A_39 : vector<1x1024xf32> to vector<341x1024xf32>
    %mul3A_100 = arith.mulf %mul3A_81, %mul3A_99 : vector<341x1024xf32>
    %sub3A_101 = arith.subf %mul3A_58, %mul3A_100 : vector<341x1024xf32>
    %swap3A_102 = arith.constant 2 : index
    %swap3A_103 = arith.constant 0 : index
    %swap3A_104 = arith.constant 0 : index
    %swap3A_105 = vector.load %arg4[%swap3A_102, %swap3A_103, %swap3A_104] : memref<3x341x1024xf32, #tpu.memory_space<vmem>>, vector<1x341x1024xf32>
    %swap3A_106 = vector.shape_cast %swap3A_105 : vector<1x341x1024xf32> to vector<341x1024xf32>
    %swap3A_107 = vector.shape_cast %sub3A_101 : vector<341x1024xf32> to vector<1x341x1024xf32>
    tpu.vector_store %arg4[%swap3A_102, %swap3A_103, %swap3A_104], %swap3A_107 {strides = array<i32>} : memref<3x341x1024xf32, #tpu.memory_space<vmem>>, vector<1x341x1024xf32>,
    return
  }
  func.func @transform_0(%arg0: i32) -> (i32, i32, i32) {
    %c0_i32 = arith.constant 0 : i32
    %c0_i32_0 = arith.constant 0 : i32
    %c0_i32_1 = arith.constant 0 : i32
    return %c0_i32, %c0_i32_0, %arg0 : i32, i32, i32
  }
  func.func @transform_1(%arg0: i32) -> (i32, i32, i32) {
    %c0_i32 = arith.constant 0 : i32
    %c0_i32_0 = arith.constant 0 : i32
    %c0_i32_1 = arith.constant 0 : i32
    return %c0_i32, %c0_i32_0, %arg0 : i32, i32, i32
  }
  func.func @transform_2(%arg0: i32) -> (i32, i32) {
    %c0_i32 = arith.constant 0 : i32
    %c0_i32_0 = arith.constant 0 : i32
    %c0_i32_1 = arith.constant 0 : i32
    return %c0_i32, %c0_i32_0 : i32, i32
  }
  func.func @transform_3(%arg0: i32) -> (i32, i32, i32) {
    %c0_i32 = arith.constant 0 : i32
    %c0_i32_0 = arith.constant 0 : i32
    %c0_i32_1 = arith.constant 0 : i32
    return %c0_i32, %c0_i32_0, %arg0 : i32, i32, i32
  }
}

</mosaic_0001>

<sc_bundles>
// kernel: kernel.20.cloned.1.call-start
scs
__scs_entry_jumppad:
0x0: {  	(pc) =	sbr.rel $0x88, $3  }
0x1: {  	(tag) =	ssettag $0x0;
	lr =	simm.s32 $0x1  }
0x2: {  	[smem:$0x3F96] =	sst lr;
	_ =	strace $0xD0000000  }
0x3: {  	_ = 	snop  }
0x4: {  	_ = 	snop  }
0x5: {  	_ = 	snop  }
0x6: {  	_ = 	snop  }
0x7: {  	_ = 	snop  }
__scs_overlays_trampoline_lowered:
0x8: {  	[smem:$0x3FA5] =	sst s0  }
0x9: {  	[smem:$0x3FA6] =	sst s1  }
0xa: {  	[smem:$0x3FA7] =	sst s2  }
0xb: {  	[smem:$0x3FA8] =	sst s3  }
0xc: {  	[smem:$0x3FA9] =	sst s4  }
0xd: {  	[smem:$0x3FAA] =	sst s5  }
0xe: {  	[smem:$0x3FAB] =	sst s6  }
0xf: {  	[smem:$0x3FAC] =	sst s7  }
0x10: {  	[smem:$0x3FAD] =	sst s8  }
0x11: {  	[smem:$0x3FAE] =	sst s9;
	s0 =	simm.s32 @!p0 $0x0  }
0x12: {  	s1 =	sld [smem:$0x3F94];
	s0 =	simm.s32 @p0 $0x1  }
0x13: {  	[smem:$0x3FAF] =	sst s0;
	s0 =	simm.s32 @!p1 $0x0  }
0x14: {  	s2 =	sld [smem:$0x3F93];
	s0 =	simm.s32 @p1 $0x1  }
0x15: {  	[smem:$0x3FB0] =	sst s0;
	s0 =	simm.s32 @!p2 $0x0  }
0x16: {  	s3 =	sld [smem:$0x3FDB];
	s0 =	simm.s32 @p2 $0x1  }
0x17: {  	s4 =	simm.s32 $0x1BF5;
	[smem:$0x3FB2] =	sst s0  }
0x18: {  	s0 =	sld [smem:$0x3F95];
	_ =	swait.ge [sflag:s4], $0x0  }
0x19: {  	s7 =	sld [smem:$0x3F96]  }
0x1a: {  	s8 =	sadd.s32 $0xFFFFE003, lr  }
0x1b: {  	s9 =	sadd.s32 $0xFFFFFEF7, lr;
	s5 =	simm.s32 $0xFFFFFFFF;
	p2 =	slt.u32 s8, $0xFFFFF086  }
0x1c: {  	p1 =	slt.u32 s9, $0xF7A;
	s5 =	simm.s32 @!p2 $0x0  }
0x1d: {  	s5 =	simm.s32 @p1 $0x1;
	p0 =	seq.s32 s7, s2  }
0x1e: {  	s7 =	smul.u32 @!p0 $0xF7A, s2;
	p2 =	seq.s32 @!p0 s5, $0x0  }
0x1f: {  	s9 =	smul.u32 $0xF7A, s1;
	s8 =	simm.s32 @!p0 $0x1BF5;
	p2 =	por !p2, p0  }
0x20: {  	[sflag:s8] =	ssyncset.s32 @!p0 $0xFFFFF086;
	s6 =	sadd.s32 @!p0 s3, s7;
	s7 =	simm.s32 @!p0 $0x108  }
0x21: {  	s3 =	sadd.s32 s3, s9;
	s6 =	sadd.s32 @!p0 $0x88, s6;
	s7 =	simm.s32 @p2 $0x1082  }
0x22: {  	[simem:s7], [sflag:s8] =	dma.local @!p0 [hbm:s6], $0xF7A  }
0x23: {  	s9 =	sor.u32 $0xD0000000, s2;
	s6 =	simm.s32 $0x108;
	_ =	swait.ge @!p0 [sflag:s8], $0x0  }
0x24: {  	s3 =	sadd.s32 $0x88, s3;
	s6 =	simm.s32 @!p1 $0x1082;
	[sflag:s4] =	ssyncset.s32 $0xFFFFF086  }
0x25: {  	[simem:s6], [sflag:s4] =	dma.local [hbm:s3], $0xF7A  }
0x26: {  	[smem:$0x3F96] =	sst s1;
	(tag) =	ssettag s2;
	_ =	strace s9  }
0x27: {  	s1 =	sld [smem:$0x3FA6]  }
0x28: {  	s2 =	sld [smem:$0x3FA7]  }
0x29: {  	s4 =	sld [smem:$0x3FA9]  }
0x2a: {  	p0 =	seq.s32 s5, $0x0;
	s5 =	sld [smem:$0x3FAA]  }
0x2b: {  	s6 =	sld [smem:$0x3FAB]  }
0x2c: {  	s7 =	sld [smem:$0x3FAC]  }
0x2d: {  	s3 =	simm.s32 $0x108;
	s8 =	sld [smem:$0x3FAD]  }
0x2e: {  	s3 =	simm.s32 @!p0 $0x1082;
	s9 =	sld [smem:$0x3FAE]  }
0x2f: {  	lr =	sadd.s32 s0, s3;
	s0 =	sld [smem:$0x3FA5]  }
0x30: {  	s3 =	sld [smem:$0x3FA8]  }
0x31: {  	[smem:$0x3FB1] =	sst s10  }
0x32: {  	s10 =	sld [smem:$0x3FAF];
	_ =	sdelay $0x3  }
0x33: {  	p0 =	seq.s32 s10, $0x1;
	s10 =	sld [smem:$0x3FB1];
	_ =	sdelay $0x3  }
0x34: {  	[smem:$0x3FB1] =	sst s10  }
0x35: {  	s10 =	sld [smem:$0x3FB0];
	_ =	sdelay $0x3  }
0x36: {  	p1 =	seq.s32 s10, $0x1;
	s10 =	sld [smem:$0x3FB1];
	_ =	sdelay $0x3  }
0x37: {  	[smem:$0x3FB1] =	sst s10  }
0x38: {  	s10 =	sld [smem:$0x3FB2]  }
0x39: {  	_ = 	snop;
	(pc) =	sbr.ind lr, $3  }
0x3a: {  	_ = 	snop  }
0x3b: {  	_ = 	snop  }
0x3c: {  	p2 =	seq.s32 s10, $0x1;
	s10 =	sld [smem:$0x3FB1]  }
0x3d: {  	_ =	shalt  }
0x3e: {  	_ =	shalt  }
0x3f: {  	_ =	shalt  }
0x40: {  	_ =	shalt  }
0x41: {  	_ =	shalt  }
0x42: {  	_ =	shalt  }
0x43: {  	_ =	shalt  }
0x44: {  	_ =	shalt  }
0x45: {  	_ =	shalt  }
0x46: {  	_ =	shalt  }
0x47: {  	_ =	shalt  }
0x48: {  	_ =	shalt  }
0x49: {  	_ =	shalt  }
0x4a: {  	_ =	shalt  }
0x4b: {  	_ =	shalt  }
0x4c: {  	_ =	shalt  }
0x4d: {  	_ =	shalt  }
0x4e: {  	_ =	shalt  }
0x4f: {  	_ =	shalt  }
0x50: {  	_ =	shalt  }
0x51: {  	_ =	shalt  }
0x52: {  	_ =	shalt  }
0x53: {  	_ =	shalt  }
0x54: {  	_ =	shalt  }
0x55: {  	_ =	shalt  }
0x56: {  	_ =	shalt  }
0x57: {  	_ =	shalt  }
0x58: {  	_ =	shalt  }
0x59: {  	_ =	shalt  }
0x5a: {  	_ =	shalt  }
0x5b: {  	_ =	shalt  }
0x5c: {  	_ =	shalt  }
0x5d: {  	_ =	shalt  }
0x5e: {  	_ =	shalt  }
0x5f: {  	_ =	shalt  }
0x60: {  	_ =	shalt  }
0x61: {  	_ =	shalt  }
0x62: {  	_ =	shalt  }
0x63: {  	_ =	shalt  }
0x64: {  	_ =	shalt  }
0x65: {  	_ =	shalt  }
0x66: {  	_ =	shalt  }
0x67: {  	_ =	shalt  }
0x68: {  	_ =	shalt  }
0x69: {  	_ =	shalt  }
0x6a: {  	_ =	shalt  }
0x6b: {  	_ =	shalt  }
0x6c: {  	_ =	shalt  }
0x6d: {  	_ =	shalt  }
0x6e: {  	_ =	shalt  }
0x6f: {  	_ =	shalt  }
0x70: {  	_ =	shalt  }
0x71: {  	_ =	shalt  }
0x72: {  	_ =	shalt  }
0x73: {  	_ =	shalt  }
0x74: {  	_ =	shalt  }
0x75: {  	_ =	shalt  }
0x76: {  	_ =	shalt  }
0x77: {  	_ =	shalt  }
0x78: {  	_ =	shalt  }
0x79: {  	_ =	shalt  }
0x7a: {  	_ =	shalt  }
0x7b: {  	_ =	shalt  }
0x7c: {  	_ =	shalt  }
0x7d: {  	_ =	shalt  }
0x7e: {  	_ =	shalt  }
0x7f: {  	_ =	shalt  }
0x80: {  	_ =	shalt  }
0x81: {  	_ =	shalt  }
0x82: {  	_ =	shalt  }
0x83: {  	_ =	shalt  }
0x84: {  	_ =	shalt  }
0x85: {  	_ =	shalt  }
0x86: {  	_ =	shalt  }
0x87: {  	_ =	shalt  }
.Lfunc_end0:
.L_simem_size_0:
called_computation.1_lowered:
.L_overlay_start_0:
0x88: {  	s2 =	sld [smem:$0x3FD9]  }
0x89: {  	s3 =	sld [smem:$0x3FFE];
	_ =	sdelay $0x1  }
0x8a: {  	s1 =	srdreg.scid  }
0x8b: {  	s0 =	sand.u32 $0x1, s1  }
0x8c: {  	s17 =	sshll.u32 s0, $0xA;
	s2 =	sadd.s32 s3, s2  }
0x8d: {  	s2 =	sadd.s32 s2, s17  }
0x8e: {  	[smem:$0x3FBD] =	sst s2  }
0x8f: {  	_ = 	snop  }
0x90: {  	s2 =	sld [smem:$0x3FD0];
	(tm) =	ssettm $0x1  }
0x91: {  	s18 =	sld [smem:$0x3FFB];
	_ =	sdelay $0x3  }
0x92: {  	_ =	strace s18  }
0x93: {  	s3 =	sld [smem:$0x3FFC];
	_ =	sdelay $0x3  }
0x94: {  	_ =	strace s3  }
0x95: {  	s3 =	sld [smem:$0x3FFD];
	_ =	sdelay $0x3  }
0x96: {  	_ =	strace s3  }
0x97: {  	_ =	strace $0x8FFFFFFF  }
0x98: {  	s19 =	sld [smem:$0x3FDB];
	_ =	sdelay $0x1  }
0x99: {  	s4 =	simm.s32 $_scs_section_size  }
0x9a: {  	s5 =	simm.s32 $_size__tile_overlayer_lowered;
	s6 =	simm.s32 $_tile_overlayer_lowered  }
0x9b: {  	s22 =	simm.s32 $0x1BFF;
	s21 =	sshll.u32 s6, $0x1;
	s3 =	sadd.s32 s4, s19  }
0x9c: {  	s7 =	simm.s32 $0x0;
	s20 =	sshll.u32 s5, $0x1;
	s5 =	sadd.s32 s21, s3  }
0x9d: {  	[timem:s7], [sflag:s22] =	dma.local [hbm:s5], s20  }
0x9e: {  	_ =	swait.ge [sflag:s22], s20  }
0x9f: {  	s4 =	ssub.s32 $0x0, s20;
	[sflag:s22] =	ssyncset.done $0x0  }
0xa0: {  	[sflag:s22] =	ssyncadd.s32 s4;
	_ =	sdelay $0x1  }
0xa1: {  	s23 =	simm.s32 $0x1B8B  }
0xa2: {  	_ =	swait.ge [sflag:s23], $0x1  }
0xa3: {  	[sflag:s23] =	ssyncset.done $0x0  }
0xa4: {  	s25 =	simm.s32 $0x1B8E;
	s24 =	sld [smem:$0x3FFE];
	[sflag:s23] =	ssyncadd.s32 $0xFFFFFFFF  }
0xa5: {  	s26 =	simm.s32 $execute0_lowered;
	[smem:$0x3FD2] =	sst s25  }
0xa6: {  	s5 =	sshll.u32 s26, $0x1;
	_ =	strace $0x80000046;
	[dreg:$0x1] =	wrdreg $0xFFFFFFFF  }
0xa7: {  	s28 =	simm.s32 $_size_execute0_lowered;
	s3 =	sadd.s32 s3, s5;
	[dreg:$0x0] =	wrdreg $0x0  }
0xa8: {  	s5 =	sshll.u32 s28, $0x1;
	[dreg:$0x2] =	wrdreg s3  }
0xa9: {  	[dreg:$0x3] =	wrdreg s5  }
0xaa: {  	[dreg:$0x4] =	wrdreg $0xC0  }
0xab: {  	_ =	task [dreg:s7], $0x5FFFF  }
0xac: {  	[dreg:$0x1] =	wrdreg $0xFFFFFFFF  }
0xad: {  	[dreg:$0x0] =	wrdreg $0x60  }
0xae: {  	[dreg:$0x2] =	wrdreg s2  }
0xaf: {  	[dreg:$0x3] =	wrdreg s24  }
0xb0: {  	[dreg:$0x4] =	wrdreg $0x9  }
0xb1: {  	_ =	task.clear_ibuf [dreg:s7], $0x5FFFF;
	_ =	strace $0x90000046  }
0xb2: {  	s29 =	simm.s32 $0x9;
	_ =	strace $0x80000048  }
0xb3: {  	_ =	swait.ge [sflag:s29], $0x1  }
0xb4: {  	[sflag:s29] =	ssyncadd.s32 $0xFFFFFFFF  }
0xb5: {  	_ =	strace $0x90000048  }
0xb6: {  	_ =	sfence  }
0xb7: {  	s30 =	sld [smem:$0x0];
	_ =	sdelay $0x2  }
0xb8: {  	s31 =	sshll.u32 s1, $0xD;
	s1 =	sshrl.u32 s1, $0x2  }
0xb9: {  	s3 =	sand.u32 $0x4000, s31;
	s1 =	sadd.s32 s1, s30  }
0xba: {  	s0 =	sor.u32 s3, s0;
	s1 =	sshll.u32 s1, $0x11  }
0xbb: {  	s0 =	sor.u32 s1, s0  }
0xbc: {  	s0 =	sadd.s32 $0x8F2B, s0  }
0xbd: {  	[sflag:s0] =	ssyncadd.remote.s32 $0x1  }
0xbe: {  	_ =	sfence.sel $0xFFFF  }
0xbf: {  	[dreg:$0x0] =	wrdreg $0xFFFFFFFF;
	(pc) =	sbr.abs _section_cstart, $3  }
0xc0: {  	[dreg:$0x1] =	wrdreg $0xFFFFFFFF  }
0xc1: {  	_ =	task.clear_ibuf [dreg:s7], $0x2FFFF;
	_ =	strace $0x9FFFFFFF  }
0xc2: {  	(tm) =	ssettm $0x7FFFFFFF  }
0xc3: {  	_ =	shalt  }
tec
execute0_lowered:
.L_overlay_start_1:
0x0: {  	(tag) =	ssettag $0x1  }
0x1: {  	s1 =	rddreg [dreg:$0x0]  }
0x2: {  	s3 =	rddreg [dreg:$0x1]  }
0x3: {  	s0 =	rddreg [dreg:$0x2];
	s4 =	simm.s32 $0x0  }
0x4: {  	s2 =	stileid.u32;
	s5 =	srdreg.scid;
	s11 =	simm.s32 $0x0  }
0x5: {  	[smem:$0x7FF] =	sst s4;
	s6 =	smul.u32 $0x28000, s2;
	s5 =	sand.u32 $0x1, s5  }
0x6: {  	s8 =	sshll.u32 s2, $0x1;
	_ =	strace $0x80000047;
	s7 =	ssub.s32 $0x2, s5  }
0x7: {  	s9 =	smul.u32 $0x14000, s5;
	s5 =	sor.u32 s5, s8;
	s8 =	simm.s32 $0x2  }
0x8: {  	s6 =	sadd.s32 s6, s3;
	s10 =	sshrl.u32 s7, $0x1;
	s5 =	smul.u32 $0x1400, s5  }
0x9: {  	s7 =	ssub.s32 s7, s10;
	s31 =	sadd.s32 s9, s6;
	s9 =	simm.s32 $0x80  }
0xa: {  	s10 =	simm.s32 $0x1;
	s6 =	smax.u32 s7, $0x1;
	s7 =	sadd.s32 $0x5000, s31  }
.LBB2_1:
0xb: {  	s12 =	sand.u32 $0x1C00, s4  }
0xc: {  	s13 =	sand.u32 $0x380, s4;
	s12 =	sadd.s32 s5, s12  }
0xd: {  	s12 =	sor.u32 s13, s12  }
0xe: {  	s12 =	sshrl.u32 s12, $0x3  }
0xf: {  	s12 =	sadd.s32 s3, s12  }
0x10: {  	[tilespmem:s4], [sflag:$0x2] =	stream.linear.gather [hbm4b:s12+s4], $0x80, $0x38;
	[tilespmem:$0x4080] =	vst v63  }
0x11: {  	_ =	swait.ge [sflag:s8], $0x80  }
0x12: {  	[sflag:s8] =	ssyncset.done $0x0  }
0x13: {  	[sflag:s8] =	ssyncadd.s32 $0xFFFFFF80  }
0x14: {  	[tilespmem:s9], [sflag:$0x1] =	stream.indirect.gather [hbm4b:s1+s9], $0x80, s4, s9, $0xb8;
	[tilespmem:$0x4080] =	vst v63  }
0x15: {  	_ =	swait.ge [sflag:s10], $0x4000  }
0x16: {  	s31 =	simm.s32 $0x80;
	[sflag:s10] =	ssyncset.done $0x0  }
0x17: {  	s14 =	sand.u32 $0x1C00, s31;
	s13 =	simm.s32 $0x100;
	[sflag:s10] =	ssyncadd.s32 $0xFFFFC000  }
0x18: {  	[hbm4b:s7+s4] =	stream.linear.scatter [tilespmem:s9], [sflag:$0x2], $0x4000, $0x38;
	[tilespmem:$0x4080] =	vst v63  }
0x19: {  	s14 =	sadd.s32 s5, s14;
	s12 =	sand.u32 $0x380, s31;
	_ =	swait.ge [sflag:s8], $0x4000  }
0x1a: {  	s14 =	sor.u32 s12, s14;
	s12 =	sadd.s32 $0x800, s7;
	[sflag:s8] =	ssyncset.done $0x0  }
.LBB2_2:
0x1b: {  	s14 =	sshrl.u32 s14, $0x3  }
0x1c: {  	[sflag:s8] =	ssyncadd.s32 $0xFFFFC000;
	s15 =	smov.u32 s13;
	s16 =	sadd.s32 $0x80, s13  }
0x1d: {  	p0 =	sne.s32 s13, $0x1380;
	s13 =	sadd.s32 s3, s14  }
0x1e: {  	[tilespmem:s4], [sflag:$0x2] =	stream.linear.gather [hbm4b:s13+s4], $0x80, $0x38;
	[tilespmem:$0x4080] =	vst v63  }
0x1f: {  	_ =	swait.ge [sflag:s8], $0x80  }
0x20: {  	[sflag:s8] =	ssyncset.done $0x0  }
0x21: {  	[sflag:s8] =	ssyncadd.s32 $0xFFFFFF80  }
0x22: {  	[tilespmem:s9], [sflag:$0x1] =	stream.indirect.gather [hbm4b:s1+s9], $0x80, s4, s9, $0xb8;
	[tilespmem:$0x4080] =	vst v63  }
0x23: {  	_ =	swait.ge [sflag:s10], $0x4000  }
.Ltmp0:
0x24: {  	s13 =	sand.u32 $0x1C00, s15;
	[sflag:s10] =	ssyncset.done $0x0;
	(pc) =	sbr.rel @p0 .LBB2_2-.Ltmp0, $4  }
0x25: {  	s14 =	sand.u32 $0x380, s15;
	s13 =	sadd.s32 s5, s13;
	[sflag:s10] =	ssyncadd.s32 $0xFFFFC000  }
0x26: {  	[hbm4b:s12+s4] =	stream.linear.scatter [tilespmem:s9], [sflag:$0x2], $0x4000, $0x38;
	[tilespmem:$0x4080] =	vst v63  }
0x27: {  	s14 =	sor.u32 s14, s13;
	_ =	swait.ge [sflag:s8], $0x4000  }
0x28: {  	s13 =	smov.u32 s16;
	s12 =	sadd.s32 $0x800, s12;
	[sflag:s8] =	ssyncset.done $0x0  }
0x29: {  	s13 =	sshrl.u32 s14, $0x3  }
0x2a: {  	[sflag:s8] =	ssyncadd.s32 $0xFFFFC000;
	s13 =	sadd.s32 s3, s13  }
0x2b: {  	[tilespmem:s4], [sflag:$0x2] =	stream.linear.gather [hbm4b:s13+s4], $0x80, $0x38;
	[tilespmem:$0x4080] =	vst v63  }
0x2c: {  	_ =	swait.ge [sflag:s8], $0x80  }
0x2d: {  	[sflag:s8] =	ssyncset.done $0x0  }
0x2e: {  	[sflag:s8] =	ssyncadd.s32 $0xFFFFFF80  }
0x2f: {  	[tilespmem:s9], [sflag:$0x1] =	stream.indirect.gather [hbm4b:s1+s9], $0x80, s4, s9, $0xb8;
	[tilespmem:$0x4080] =	vst v63  }
0x30: {  	s11 =	sadd.s32 $0x1, s11;
	_ =	swait.ge [sflag:s10], $0x4000  }
0x31: {  	p0 =	sne.s32 s11, s6;
	[sflag:s10] =	ssyncset.done $0x0  }
.Ltmp1:
0x32: {  	[sflag:s10] =	ssyncadd.s32 $0xFFFFC000;
	(pc) =	sbr.rel @p0 .LBB2_1-.Ltmp1, $4  }
0x33: {  	[hbm4b:s12+s4] =	stream.linear.scatter [tilespmem:s9], [sflag:$0x2], $0x4000, $0x38;
	[tilespmem:$0x4080] =	vst v63  }
0x34: {  	_ =	swait.ge [sflag:s8], $0x4000  }
0x35: {  	[sflag:s8] =	ssyncset.done $0x0  }
0x36: {  	[sflag:s8] =	ssyncadd.s32 $0xFFFFC000  }
0x37: {  	_ =	sfence.sel $0x180000  }
0x38: {  	[bflag:$0x0] =	sbarrier.arrive $0xFFFF  }
0x39: {  	p0 =	sne.s32 s2, $0x0;
	_ =	strace $0x90000047  }
0x3a: {  	s0 =	sadd.s32 @!p0 $0x100000, s0;
	[bflag:$0x2] =	sbarrier.arrive $0xFFFF  }
0x3b: {  	[sflag:s0] =	ssyncadd.tile.s32 @!p0 $0x1;
	_ =	shalt  }
.Lfunc_end2:
_tile_overlayer_lowered:
.L_overlay_start_2:
0x3c: {  	(tag) =	ssettag $0x2  }
0x3d: {  	s0 =	rddreg [dreg:$0x0];
	s2 =	stileid.u32  }
0x3e: {  	s1 =	rddreg [dreg:$0x1];
	p0 =	sne.s32 s2, $0x0  }
0x3f: {  	s3 =	rddreg [dreg:$0x2];
	[bflag:$0x3] =	sbarrier.arrive $0xFFFF;
	s2 =	simm.s32 @!p0 $0x1C02  }
0x40: {  	[timem:s3], [sflag:s2] =	dma.local @!p0 [hbm:s0], s1  }
0x41: {  	s0 =	simm.s32 @!p0 $0x2  }
0x42: {  	_ =	swait.ge @!p0 [sflag:s0], s1  }
0x43: {  	s1 =	ssub.s32 @!p0 $0x0, s1;
	[sflag:s0] =	ssyncset.done @!p0 $0x0  }
0x44: {  	[sflag:s0] =	ssyncadd.s32 @!p0 s1  }
0x45: {  	[bflag:$0x3] =	sbarrier.arrive $0xFFFF  }
0x46: {  	_ =	shalt  }

// kernel: kernel.23.cloned.1.call-start
scs
__scs_entry_jumppad:
0x0: {  	(pc) =	sbr.rel $0x88, $3  }
0x1: {  	(tag) =	ssettag $0x0;
	lr =	simm.s32 $0x1  }
0x2: {  	[smem:$0x3F96] =	sst lr;
	_ =	strace $0xD0000000  }
0x3: {  	_ = 	snop  }
0x4: {  	_ = 	snop  }
0x5: {  	_ = 	snop  }
0x6: {  	_ = 	snop  }
0x7: {  	_ = 	snop  }
__scs_overlays_trampoline_lowered:
0x8: {  	[smem:$0x3FA5] =	sst s0  }
0x9: {  	[smem:$0x3FA6] =	sst s1  }
0xa: {  	[smem:$0x3FA7] =	sst s2  }
0xb: {  	[smem:$0x3FA8] =	sst s3  }
0xc: {  	[smem:$0x3FA9] =	sst s4  }
0xd: {  	[smem:$0x3FAA] =	sst s5  }
0xe: {  	[smem:$0x3FAB] =	sst s6  }
0xf: {  	[smem:$0x3FAC] =	sst s7  }
0x10: {  	[smem:$0x3FAD] =	sst s8  }
0x11: {  	[smem:$0x3FAE] =	sst s9;
	s0 =	simm.s32 @!p0 $0x0  }
0x12: {  	s1 =	sld [smem:$0x3F94];
	s0 =	simm.s32 @p0 $0x1  }
0x13: {  	[smem:$0x3FAF] =	sst s0;
	s0 =	simm.s32 @!p1 $0x0  }
0x14: {  	s2 =	sld [smem:$0x3F93];
	s0 =	simm.s32 @p1 $0x1  }
0x15: {  	[smem:$0x3FB0] =	sst s0;
	s0 =	simm.s32 @!p2 $0x0  }
0x16: {  	s3 =	sld [smem:$0x3FDB];
	s0 =	simm.s32 @p2 $0x1  }
0x17: {  	s4 =	simm.s32 $0x1BF5;
	[smem:$0x3FB2] =	sst s0  }
0x18: {  	s0 =	sld [smem:$0x3F95];
	_ =	swait.ge [sflag:s4], $0x0  }
0x19: {  	s7 =	sld [smem:$0x3F96]  }
0x1a: {  	s8 =	sadd.s32 $0xFFFFE003, lr  }
0x1b: {  	s9 =	sadd.s32 $0xFFFFFEF7, lr;
	s5 =	simm.s32 $0xFFFFFFFF;
	p2 =	slt.u32 s8, $0xFFFFF086  }
0x1c: {  	p1 =	slt.u32 s9, $0xF7A;
	s5 =	simm.s32 @!p2 $0x0  }
0x1d: {  	s5 =	simm.s32 @p1 $0x1;
	p0 =	seq.s32 s7, s2  }
0x1e: {  	s7 =	smul.u32 @!p0 $0xF7A, s2;
	p2 =	seq.s32 @!p0 s5, $0x0  }
0x1f: {  	s9 =	smul.u32 $0xF7A, s1;
	s8 =	simm.s32 @!p0 $0x1BF5;
	p2 =	por !p2, p0  }
0x20: {  	[sflag:s8] =	ssyncset.s32 @!p0 $0xFFFFF086;
	s6 =	sadd.s32 @!p0 s3, s7;
	s7 =	simm.s32 @!p0 $0x108  }
0x21: {  	s3 =	sadd.s32 s3, s9;
	s6 =	sadd.s32 @!p0 $0x88, s6;
	s7 =	simm.s32 @p2 $0x1082  }
0x22: {  	[simem:s7], [sflag:s8] =	dma.local @!p0 [hbm:s6], $0xF7A  }
0x23: {  	s9 =	sor.u32 $0xD0000000, s2;
	s6 =	simm.s32 $0x108;
	_ =	swait.ge @!p0 [sflag:s8], $0x0  }
0x24: {  	s3 =	sadd.s32 $0x88, s3;
	s6 =	simm.s32 @!p1 $0x1082;
	[sflag:s4] =	ssyncset.s32 $0xFFFFF086  }
0x25: {  	[simem:s6], [sflag:s4] =	dma.local [hbm:s3], $0xF7A  }
0x26: {  	[smem:$0x3F96] =	sst s1;
	(tag) =	ssettag s2;
	_ =	strace s9  }
0x27: {  	s1 =	sld [smem:$0x3FA6]  }
0x28: {  	s2 =	sld [smem:$0x3FA7]  }
0x29: {  	s4 =	sld [smem:$0x3FA9]  }
0x2a: {  	p0 =	seq.s32 s5, $0x0;
	s5 =	sld [smem:$0x3FAA]  }
0x2b: {  	s6 =	sld [smem:$0x3FAB]  }
0x2c: {  	s7 =	sld [smem:$0x3FAC]  }
0x2d: {  	s3 =	simm.s32 $0x108;
	s8 =	sld [smem:$0x3FAD]  }
0x2e: {  	s3 =	simm.s32 @!p0 $0x1082;
	s9 =	sld [smem:$0x3FAE]  }
0x2f: {  	lr =	sadd.s32 s0, s3;
	s0 =	sld [smem:$0x3FA5]  }
0x30: {  	s3 =	sld [smem:$0x3FA8]  }
0x31: {  	[smem:$0x3FB1] =	sst s10  }
0x32: {  	s10 =	sld [smem:$0x3FAF];
	_ =	sdelay $0x3  }
0x33: {  	p0 =	seq.s32 s10, $0x1;
	s10 =	sld [smem:$0x3FB1];
	_ =	sdelay $0x3  }
0x34: {  	[smem:$0x3FB1] =	sst s10  }
0x35: {  	s10 =	sld [smem:$0x3FB0];
	_ =	sdelay $0x3  }
0x36: {  	p1 =	seq.s32 s10, $0x1;
	s10 =	sld [smem:$0x3FB1];
	_ =	sdelay $0x3  }
0x37: {  	[smem:$0x3FB1] =	sst s10  }
0x38: {  	s10 =	sld [smem:$0x3FB2]  }
0x39: {  	_ = 	snop;
	(pc) =	sbr.ind lr, $3  }
0x3a: {  	_ = 	snop  }
0x3b: {  	_ = 	snop  }
0x3c: {  	p2 =	seq.s32 s10, $0x1;
	s10 =	sld [smem:$0x3FB1]  }
0x3d: {  	_ =	shalt  }
0x3e: {  	_ =	shalt  }
0x3f: {  	_ =	shalt  }
0x40: {  	_ =	shalt  }
0x41: {  	_ =	shalt  }
0x42: {  	_ =	shalt  }
0x43: {  	_ =	shalt  }
0x44: {  	_ =	shalt  }
0x45: {  	_ =	shalt  }
0x46: {  	_ =	shalt  }
0x47: {  	_ =	shalt  }
0x48: {  	_ =	shalt  }
0x49: {  	_ =	shalt  }
0x4a: {  	_ =	shalt  }
0x4b: {  	_ =	shalt  }
0x4c: {  	_ =	shalt  }
0x4d: {  	_ =	shalt  }
0x4e: {  	_ =	shalt  }
0x4f: {  	_ =	shalt  }
0x50: {  	_ =	shalt  }
0x51: {  	_ =	shalt  }
0x52: {  	_ =	shalt  }
0x53: {  	_ =	shalt  }
0x54: {  	_ =	shalt  }
0x55: {  	_ =	shalt  }
0x56: {  	_ =	shalt  }
0x57: {  	_ =	shalt  }
0x58: {  	_ =	shalt  }
0x59: {  	_ =	shalt  }
0x5a: {  	_ =	shalt  }
0x5b: {  	_ =	shalt  }
0x5c: {  	_ =	shalt  }
0x5d: {  	_ =	shalt  }
0x5e: {  	_ =	shalt  }
0x5f: {  	_ =	shalt  }
0x60: {  	_ =	shalt  }
0x61: {  	_ =	shalt  }
0x62: {  	_ =	shalt  }
0x63: {  	_ =	shalt  }
0x64: {  	_ =	shalt  }
0x65: {  	_ =	shalt  }
0x66: {  	_ =	shalt  }
0x67: {  	_ =	shalt  }
0x68: {  	_ =	shalt  }
0x69: {  	_ =	shalt  }
0x6a: {  	_ =	shalt  }
0x6b: {  	_ =	shalt  }
0x6c: {  	_ =	shalt  }
0x6d: {  	_ =	shalt  }
0x6e: {  	_ =	shalt  }
0x6f: {  	_ =	shalt  }
0x70: {  	_ =	shalt  }
0x71: {  	_ =	shalt  }
0x72: {  	_ =	shalt  }
0x73: {  	_ =	shalt  }
0x74: {  	_ =	shalt  }
0x75: {  	_ =	shalt  }
0x76: {  	_ =	shalt  }
0x77: {  	_ =	shalt  }
0x78: {  	_ =	shalt  }
0x79: {  	_ =	shalt  }
0x7a: {  	_ =	shalt  }
0x7b: {  	_ =	shalt  }
0x7c: {  	_ =	shalt  }
0x7d: {  	_ =	shalt  }
0x7e: {  	_ =	shalt  }
0x7f: {  	_ =	shalt  }
0x80: {  	_ =	shalt  }
0x81: {  	_ =	shalt  }
0x82: {  	_ =	shalt  }
0x83: {  	_ =	shalt  }
0x84: {  	_ =	shalt  }
0x85: {  	_ =	shalt  }
0x86: {  	_ =	shalt  }
0x87: {  	_ =	shalt  }
.Lfunc_end0:
.L_simem_size_0:
called_computation.2_lowered:
.L_overlay_start_0:
0x88: {  	s2 =	sld [smem:$0x3FD9]  }
0x89: {  	s3 =	sld [smem:$0x3FFE];
	_ =	sdelay $0x1  }
0x8a: {  	s1 =	srdreg.scid  }
0x8b: {  	s0 =	sand.u32 $0x1, s1  }
0x8c: {  	s17 =	sshll.u32 s0, $0xA;
	s2 =	sadd.s32 s3, s2  }
0x8d: {  	s2 =	sadd.s32 s2, s17  }
0x8e: {  	[smem:$0x3FBD] =	sst s2  }
0x8f: {  	_ = 	snop  }
0x90: {  	s2 =	sld [smem:$0x3FD0];
	(tm) =	ssettm $0x1  }
0x91: {  	s18 =	sld [smem:$0x3FFB];
	_ =	sdelay $0x3  }
0x92: {  	_ =	strace s18  }
0x93: {  	s3 =	sld [smem:$0x3FFC];
	_ =	sdelay $0x3  }
0x94: {  	_ =	strace s3  }
0x95: {  	s3 =	sld [smem:$0x3FFD];
	_ =	sdelay $0x3  }
0x96: {  	_ =	strace s3  }
0x97: {  	_ =	strace $0x8FFFFFFF  }
0x98: {  	s19 =	sld [smem:$0x3FDB];
	_ =	sdelay $0x1  }
0x99: {  	s4 =	simm.s32 $_scs_section_size  }
0x9a: {  	s5 =	simm.s32 $_size__tile_overlayer_lowered;
	s6 =	simm.s32 $_tile_overlayer_lowered  }
0x9b: {  	s22 =	simm.s32 $0x1BFF;
	s21 =	sshll.u32 s6, $0x1;
	s3 =	sadd.s32 s4, s19  }
0x9c: {  	s7 =	simm.s32 $0x0;
	s20 =	sshll.u32 s5, $0x1;
	s5 =	sadd.s32 s21, s3  }
0x9d: {  	[timem:s7], [sflag:s22] =	dma.local [hbm:s5], s20  }
0x9e: {  	_ =	swait.ge [sflag:s22], s20  }
0x9f: {  	s4 =	ssub.s32 $0x0, s20;
	[sflag:s22] =	ssyncset.done $0x0  }
0xa0: {  	[sflag:s22] =	ssyncadd.s32 s4;
	_ =	sdelay $0x1  }
0xa1: {  	s23 =	simm.s32 $0x1B8B  }
0xa2: {  	_ =	swait.ge [sflag:s23], $0x1  }
0xa3: {  	[sflag:s23] =	ssyncset.done $0x0  }
0xa4: {  	s25 =	simm.s32 $0x1B8E;
	s24 =	sld [smem:$0x3FFE];
	[sflag:s23] =	ssyncadd.s32 $0xFFFFFFFF  }
0xa5: {  	s26 =	simm.s32 $execute0_lowered;
	[smem:$0x3FD2] =	sst s25  }
0xa6: {  	s5 =	sshll.u32 s26, $0x1;
	_ =	strace $0x80000049;
	[dreg:$0x1] =	wrdreg $0xFFFFFFFF  }
0xa7: {  	s28 =	simm.s32 $_size_execute0_lowered;
	s3 =	sadd.s32 s3, s5;
	[dreg:$0x0] =	wrdreg $0x0  }
0xa8: {  	s5 =	sshll.u32 s28, $0x1;
	[dreg:$0x2] =	wrdreg s3  }
0xa9: {  	[dreg:$0x3] =	wrdreg s5  }
0xaa: {  	[dreg:$0x4] =	wrdreg $0xC0  }
0xab: {  	_ =	task [dreg:s7], $0x5FFFF  }
0xac: {  	[dreg:$0x1] =	wrdreg $0xFFFFFFFF  }
0xad: {  	[dreg:$0x0] =	wrdreg $0x60  }
0xae: {  	[dreg:$0x2] =	wrdreg s2  }
0xaf: {  	[dreg:$0x3] =	wrdreg s24  }
0xb0: {  	[dreg:$0x4] =	wrdreg $0x9  }
0xb1: {  	_ =	task.clear_ibuf [dreg:s7], $0x5FFFF;
	_ =	strace $0x90000049  }
0xb2: {  	s29 =	simm.s32 $0x9;
	_ =	strace $0x8000004B  }
0xb3: {  	_ =	swait.ge [sflag:s29], $0x1  }
0xb4: {  	[sflag:s29] =	ssyncadd.s32 $0xFFFFFFFF  }
0xb5: {  	_ =	strace $0x9000004B  }
0xb6: {  	_ =	sfence  }
0xb7: {  	s30 =	sld [smem:$0x0];
	_ =	sdelay $0x2  }
0xb8: {  	s31 =	sshll.u32 s1, $0xD;
	s1 =	sshrl.u32 s1, $0x2  }
0xb9: {  	s3 =	sand.u32 $0x4000, s31;
	s1 =	sadd.s32 s1, s30  }
0xba: {  	s0 =	sor.u32 s3, s0;
	s1 =	sshll.u32 s1, $0x11  }
0xbb: {  	s0 =	sor.u32 s1, s0  }
0xbc: {  	s0 =	sadd.s32 $0x8F2B, s0  }
0xbd: {  	[sflag:s0] =	ssyncadd.remote.s32 $0x1  }
0xbe: {  	_ =	sfence.sel $0xFFFF  }
0xbf: {  	[dreg:$0x0] =	wrdreg $0xFFFFFFFF;
	(pc) =	sbr.abs _section_cstart, $3  }
0xc0: {  	[dreg:$0x1] =	wrdreg $0xFFFFFFFF  }
0xc1: {  	_ =	task.clear_ibuf [dreg:s7], $0x2FFFF;
	_ =	strace $0x9FFFFFFF  }
0xc2: {  	(tm) =	ssettm $0x7FFFFFFF  }
0xc3: {  	_ =	shalt  }
tec
execute0_lowered:
.L_overlay_start_1:
0x0: {  	(tag) =	ssettag $0x1  }
0x1: {  	s1 =	rddreg [dreg:$0x0]  }
0x2: {  	s5 =	rddreg [dreg:$0x1]  }
0x3: {  	s0 =	rddreg [dreg:$0x2];
	s3 =	simm.s32 $0x0;
	s2 =	stileid.u32  }
0x4: {  	s6 =	srdreg.scid;
	s11 =	simm.s32 $0x0;
	[smem:$0x7FF] =	sst s3  }
0x5: {  	s4 =	sadd.s32 $0x15000, s5;
	s7 =	smul.u32 $0x28000, s2;
	s6 =	sand.u32 $0x1, s6  }
0x6: {  	s9 =	sshll.u32 s2, $0x1;
	_ =	strace $0x8000004A;
	s8 =	ssub.s32 $0x2, s6  }
0x7: {  	s10 =	smul.u32 $0x14000, s6;
	s6 =	sor.u32 s6, s9;
	s9 =	simm.s32 $0x80  }
0x8: {  	s7 =	sadd.s32 s7, s5;
	s31 =	sshrl.u32 s8, $0x1;
	s5 =	smul.u32 $0x1400, s6  }
0x9: {  	s8 =	ssub.s32 s8, s31;
	s7 =	sadd.s32 s10, s7;
	s10 =	simm.s32 $0x1  }
0xa: {  	s6 =	smax.u32 s8, $0x1;
	s7 =	sadd.s32 $0x1A000, s7;
	s8 =	simm.s32 $0x2  }
.LBB2_1:
0xb: {  	s12 =	sand.u32 $0x1C00, s3  }
0xc: {  	s13 =	sand.u32 $0x380, s3;
	s12 =	sadd.s32 s5, s12  }
0xd: {  	s12 =	sor.u32 s13, s12  }
0xe: {  	s12 =	sshrl.u32 s12, $0x3  }
0xf: {  	s12 =	sadd.s32 s4, s12  }
0x10: {  	[tilespmem:s3], [sflag:$0x2] =	stream.linear.gather [hbm4b:s12+s3], $0x80, $0x38;
	[tilespmem:$0x4080] =	vst v63  }
0x11: {  	_ =	swait.ge [sflag:s8], $0x80  }
0x12: {  	[sflag:s8] =	ssyncset.done $0x0  }
0x13: {  	[sflag:s8] =	ssyncadd.s32 $0xFFFFFF80  }
0x14: {  	[tilespmem:s9], [sflag:$0x1] =	stream.indirect.gather [hbm4b:s1+s9], $0x80, s3, s9, $0xb8;
	[tilespmem:$0x4080] =	vst v63  }
0x15: {  	_ =	swait.ge [sflag:s10], $0x4000  }
0x16: {  	s31 =	simm.s32 $0x80;
	[sflag:s10] =	ssyncset.done $0x0  }
0x17: {  	s14 =	sand.u32 $0x1C00, s31;
	s13 =	simm.s32 $0x100;
	[sflag:s10] =	ssyncadd.s32 $0xFFFFC000  }
0x18: {  	[hbm4b:s7+s3] =	stream.linear.scatter [tilespmem:s9], [sflag:$0x2], $0x4000, $0x38;
	[tilespmem:$0x4080] =	vst v63  }
0x19: {  	s14 =	sadd.s32 s5, s14;
	s12 =	sand.u32 $0x380, s31;
	_ =	swait.ge [sflag:s8], $0x4000  }
0x1a: {  	s14 =	sor.u32 s12, s14;
	s12 =	sadd.s32 $0x800, s7;
	[sflag:s8] =	ssyncset.done $0x0  }
.LBB2_2:
0x1b: {  	s14 =	sshrl.u32 s14, $0x3  }
0x1c: {  	[sflag:s8] =	ssyncadd.s32 $0xFFFFC000;
	s15 =	smov.u32 s13;
	s16 =	sadd.s32 $0x80, s13  }
0x1d: {  	p0 =	sne.s32 s13, $0x1380;
	s13 =	sadd.s32 s4, s14  }
0x1e: {  	[tilespmem:s3], [sflag:$0x2] =	stream.linear.gather [hbm4b:s13+s3], $0x80, $0x38;
	[tilespmem:$0x4080] =	vst v63  }
0x1f: {  	_ =	swait.ge [sflag:s8], $0x80  }
0x20: {  	[sflag:s8] =	ssyncset.done $0x0  }
0x21: {  	[sflag:s8] =	ssyncadd.s32 $0xFFFFFF80  }
0x22: {  	[tilespmem:s9], [sflag:$0x1] =	stream.indirect.gather [hbm4b:s1+s9], $0x80, s3, s9, $0xb8;
	[tilespmem:$0x4080] =	vst v63  }
0x23: {  	_ =	swait.ge [sflag:s10], $0x4000  }
.Ltmp0:
0x24: {  	s13 =	sand.u32 $0x1C00, s15;
	[sflag:s10] =	ssyncset.done $0x0;
	(pc) =	sbr.rel @p0 .LBB2_2-.Ltmp0, $4  }
0x25: {  	s14 =	sand.u32 $0x380, s15;
	s13 =	sadd.s32 s5, s13;
	[sflag:s10] =	ssyncadd.s32 $0xFFFFC000  }
0x26: {  	[hbm4b:s12+s3] =	stream.linear.scatter [tilespmem:s9], [sflag:$0x2], $0x4000, $0x38;
	[tilespmem:$0x4080] =	vst v63  }
0x27: {  	s14 =	sor.u32 s14, s13;
	_ =	swait.ge [sflag:s8], $0x4000  }
0x28: {  	s13 =	smov.u32 s16;
	s12 =	sadd.s32 $0x800, s12;
	[sflag:s8] =	ssyncset.done $0x0  }
0x29: {  	s13 =	sshrl.u32 s14, $0x3  }
0x2a: {  	[sflag:s8] =	ssyncadd.s32 $0xFFFFC000;
	s13 =	sadd.s32 s4, s13  }
0x2b: {  	[tilespmem:s3], [sflag:$0x2] =	stream.linear.gather [hbm4b:s13+s3], $0x80, $0x38;
	[tilespmem:$0x4080] =	vst v63  }
0x2c: {  	_ =	swait.ge [sflag:s8], $0x80  }
0x2d: {  	[sflag:s8] =	ssyncset.done $0x0  }
0x2e: {  	[sflag:s8] =	ssyncadd.s32 $0xFFFFFF80  }
0x2f: {  	[tilespmem:s9], [sflag:$0x1] =	stream.indirect.gather [hbm4b:s1+s9], $0x80, s3, s9, $0xb8;
	[tilespmem:$0x4080] =	vst v63  }
0x30: {  	s11 =	sadd.s32 $0x1, s11;
	_ =	swait.ge [sflag:s10], $0x4000  }
0x31: {  	p0 =	sne.s32 s11, s6;
	[sflag:s10] =	ssyncset.done $0x0  }
.Ltmp1:
0x32: {  	[sflag:s10] =	ssyncadd.s32 $0xFFFFC000;
	(pc) =	sbr.rel @p0 .LBB2_1-.Ltmp1, $4  }
0x33: {  	[hbm4b:s12+s3] =	stream.linear.scatter [tilespmem:s9], [sflag:$0x2], $0x4000, $0x38;
	[tilespmem:$0x4080] =	vst v63  }
0x34: {  	_ =	swait.ge [sflag:s8], $0x4000  }
0x35: {  	[sflag:s8] =	ssyncset.done $0x0  }
0x36: {  	[sflag:s8] =	ssyncadd.s32 $0xFFFFC000  }
0x37: {  	_ =	sfence.sel $0x180000  }
0x38: {  	[bflag:$0x0] =	sbarrier.arrive $0xFFFF  }
0x39: {  	p0 =	sne.s32 s2, $0x0;
	_ =	strace $0x9000004A  }
0x3a: {  	s0 =	sadd.s32 @!p0 $0x100000, s0;
	[bflag:$0x2] =	sbarrier.arrive $0xFFFF  }
0x3b: {  	[sflag:s0] =	ssyncadd.tile.s32 @!p0 $0x1;
	_ =	shalt  }
.Lfunc_end2:
_tile_overlayer_lowered:
.L_overlay_start_2:
0x3c: {  	(tag) =	ssettag $0x2  }
0x3d: {  	s0 =	rddreg [dreg:$0x0];
	s2 =	stileid.u32  }
0x3e: {  	s1 =	rddreg [dreg:$0x1];
	p0 =	sne.s32 s2, $0x0  }
0x3f: {  	s3 =	rddreg [dreg:$0x2];
	[bflag:$0x3] =	sbarrier.arrive $0xFFFF;
	s2 =	simm.s32 @!p0 $0x1C02  }
0x40: {  	[timem:s3], [sflag:s2] =	dma.local @!p0 [hbm:s0], s1  }
0x41: {  	s0 =	simm.s32 @!p0 $0x2  }
0x42: {  	_ =	swait.ge @!p0 [sflag:s0], s1  }
0x43: {  	s1 =	ssub.s32 @!p0 $0x0, s1;
	[sflag:s0] =	ssyncset.done @!p0 $0x0  }
0x44: {  	[sflag:s0] =	ssyncadd.s32 @!p0 s1  }
0x45: {  	[bflag:$0x3] =	sbarrier.arrive $0xFFFF  }
0x46: {  	_ =	shalt  }

// kernel: kernel.26.cloned.1.call-start
scs
__scs_entry_jumppad:
0x0: {  	(pc) =	sbr.rel $0x88, $3  }
0x1: {  	(tag) =	ssettag $0x0;
	lr =	simm.s32 $0x1  }
0x2: {  	[smem:$0x3F96] =	sst lr;
	_ =	strace $0xD0000000  }
0x3: {  	_ = 	snop  }
0x4: {  	_ = 	snop  }
0x5: {  	_ = 	snop  }
0x6: {  	_ = 	snop  }
0x7: {  	_ = 	snop  }
__scs_overlays_trampoline_lowered:
0x8: {  	[smem:$0x3FA5] =	sst s0  }
0x9: {  	[smem:$0x3FA6] =	sst s1  }
0xa: {  	[smem:$0x3FA7] =	sst s2  }
0xb: {  	[smem:$0x3FA8] =	sst s3  }
0xc: {  	[smem:$0x3FA9] =	sst s4  }
0xd: {  	[smem:$0x3FAA] =	sst s5  }
0xe: {  	[smem:$0x3FAB] =	sst s6  }
0xf: {  	[smem:$0x3FAC] =	sst s7  }
0x10: {  	[smem:$0x3FAD] =	sst s8  }
0x11: {  	[smem:$0x3FAE] =	sst s9;
	s0 =	simm.s32 @!p0 $0x0  }
0x12: {  	s1 =	sld [smem:$0x3F94];
	s0 =	simm.s32 @p0 $0x1  }
0x13: {  	[smem:$0x3FAF] =	sst s0;
	s0 =	simm.s32 @!p1 $0x0  }
0x14: {  	s2 =	sld [smem:$0x3F93];
	s0 =	simm.s32 @p1 $0x1  }
0x15: {  	[smem:$0x3FB0] =	sst s0;
	s0 =	simm.s32 @!p2 $0x0  }
0x16: {  	s3 =	sld [smem:$0x3FDB];
	s0 =	simm.s32 @p2 $0x1  }
0x17: {  	s4 =	simm.s32 $0x1BF5;
	[smem:$0x3FB2] =	sst s0  }
0x18: {  	s0 =	sld [smem:$0x3F95];
	_ =	swait.ge [sflag:s4], $0x0  }
0x19: {  	s7 =	sld [smem:$0x3F96]  }
0x1a: {  	s8 =	sadd.s32 $0xFFFFE003, lr  }
0x1b: {  	s9 =	sadd.s32 $0xFFFFFEF7, lr;
	s5 =	simm.s32 $0xFFFFFFFF;
	p2 =	slt.u32 s8, $0xFFFFF086  }
0x1c: {  	p1 =	slt.u32 s9, $0xF7A;
	s5 =	simm.s32 @!p2 $0x0  }
0x1d: {  	s5 =	simm.s32 @p1 $0x1;
	p0 =	seq.s32 s7, s2  }
0x1e: {  	s7 =	smul.u32 @!p0 $0xF7A, s2;
	p2 =	seq.s32 @!p0 s5, $0x0  }
0x1f: {  	s9 =	smul.u32 $0xF7A, s1;
	s8 =	simm.s32 @!p0 $0x1BF5;
	p2 =	por !p2, p0  }
0x20: {  	[sflag:s8] =	ssyncset.s32 @!p0 $0xFFFFF086;
	s6 =	sadd.s32 @!p0 s3, s7;
	s7 =	simm.s32 @!p0 $0x108  }
0x21: {  	s3 =	sadd.s32 s3, s9;
	s6 =	sadd.s32 @!p0 $0x88, s6;
	s7 =	simm.s32 @p2 $0x1082  }
0x22: {  	[simem:s7], [sflag:s8] =	dma.local @!p0 [hbm:s6], $0xF7A  }
0x23: {  	s9 =	sor.u32 $0xD0000000, s2;
	s6 =	simm.s32 $0x108;
	_ =	swait.ge @!p0 [sflag:s8], $0x0  }
0x24: {  	s3 =	sadd.s32 $0x88, s3;
	s6 =	simm.s32 @!p1 $0x1082;
	[sflag:s4] =	ssyncset.s32 $0xFFFFF086  }
0x25: {  	[simem:s6], [sflag:s4] =	dma.local [hbm:s3], $0xF7A  }
0x26: {  	[smem:$0x3F96] =	sst s1;
	(tag) =	ssettag s2;
	_ =	strace s9  }
0x27: {  	s1 =	sld [smem:$0x3FA6]  }
0x28: {  	s2 =	sld [smem:$0x3FA7]  }
0x29: {  	s4 =	sld [smem:$0x3FA9]  }
0x2a: {  	p0 =	seq.s32 s5, $0x0;
	s5 =	sld [smem:$0x3FAA]  }
0x2b: {  	s6 =	sld [smem:$0x3FAB]  }
0x2c: {  	s7 =	sld [smem:$0x3FAC]  }
0x2d: {  	s3 =	simm.s32 $0x108;
	s8 =	sld [smem:$0x3FAD]  }
0x2e: {  	s3 =	simm.s32 @!p0 $0x1082;
	s9 =	sld [smem:$0x3FAE]  }
0x2f: {  	lr =	sadd.s32 s0, s3;
	s0 =	sld [smem:$0x3FA5]  }
0x30: {  	s3 =	sld [smem:$0x3FA8]  }
0x31: {  	[smem:$0x3FB1] =	sst s10  }
0x32: {  	s10 =	sld [smem:$0x3FAF];
	_ =	sdelay $0x3  }
0x33: {  	p0 =	seq.s32 s10, $0x1;
	s10 =	sld [smem:$0x3FB1];
	_ =	sdelay $0x3  }
0x34: {  	[smem:$0x3FB1] =	sst s10  }
0x35: {  	s10 =	sld [smem:$0x3FB0];
	_ =	sdelay $0x3  }
0x36: {  	p1 =	seq.s32 s10, $0x1;
	s10 =	sld [smem:$0x3FB1];
	_ =	sdelay $0x3  }
0x37: {  	[smem:$0x3FB1] =	sst s10  }
0x38: {  	s10 =	sld [smem:$0x3FB2]  }
0x39: {  	_ = 	snop;
	(pc) =	sbr.ind lr, $3  }
0x3a: {  	_ = 	snop  }
0x3b: {  	_ = 	snop  }
0x3c: {  	p2 =	seq.s32 s10, $0x1;
	s10 =	sld [smem:$0x3FB1]  }
0x3d: {  	_ =	shalt  }
0x3e: {  	_ =	shalt  }
0x3f: {  	_ =	shalt  }
0x40: {  	_ =	shalt  }
0x41: {  	_ =	shalt  }
0x42: {  	_ =	shalt  }
0x43: {  	_ =	shalt  }
0x44: {  	_ =	shalt  }
0x45: {  	_ =	shalt  }
0x46: {  	_ =	shalt  }
0x47: {  	_ =	shalt  }
0x48: {  	_ =	shalt  }
0x49: {  	_ =	shalt  }
0x4a: {  	_ =	shalt  }
0x4b: {  	_ =	shalt  }
0x4c: {  	_ =	shalt  }
0x4d: {  	_ =	shalt  }
0x4e: {  	_ =	shalt  }
0x4f: {  	_ =	shalt  }
0x50: {  	_ =	shalt  }
0x51: {  	_ =	shalt  }
0x52: {  	_ =	shalt  }
0x53: {  	_ =	shalt  }
0x54: {  	_ =	shalt  }
0x55: {  	_ =	shalt  }
0x56: {  	_ =	shalt  }
0x57: {  	_ =	shalt  }
0x58: {  	_ =	shalt  }
0x59: {  	_ =	shalt  }
0x5a: {  	_ =	shalt  }
0x5b: {  	_ =	shalt  }
0x5c: {  	_ =	shalt  }
0x5d: {  	_ =	shalt  }
0x5e: {  	_ =	shalt  }
0x5f: {  	_ =	shalt  }
0x60: {  	_ =	shalt  }
0x61: {  	_ =	shalt  }
0x62: {  	_ =	shalt  }
0x63: {  	_ =	shalt  }
0x64: {  	_ =	shalt  }
0x65: {  	_ =	shalt  }
0x66: {  	_ =	shalt  }
0x67: {  	_ =	shalt  }
0x68: {  	_ =	shalt  }
0x69: {  	_ =	shalt  }
0x6a: {  	_ =	shalt  }
0x6b: {  	_ =	shalt  }
0x6c: {  	_ =	shalt  }
0x6d: {  	_ =	shalt  }
0x6e: {  	_ =	shalt  }
0x6f: {  	_ =	shalt  }
0x70: {  	_ =	shalt  }
0x71: {  	_ =	shalt  }
0x72: {  	_ =	shalt  }
0x73: {  	_ =	shalt  }
0x74: {  	_ =	shalt  }
0x75: {  	_ =	shalt  }
0x76: {  	_ =	shalt  }
0x77: {  	_ =	shalt  }
0x78: {  	_ =	shalt  }
0x79: {  	_ =	shalt  }
0x7a: {  	_ =	shalt  }
0x7b: {  	_ =	shalt  }
0x7c: {  	_ =	shalt  }
0x7d: {  	_ =	shalt  }
0x7e: {  	_ =	shalt  }
0x7f: {  	_ =	shalt  }
0x80: {  	_ =	shalt  }
0x81: {  	_ =	shalt  }
0x82: {  	_ =	shalt  }
0x83: {  	_ =	shalt  }
0x84: {  	_ =	shalt  }
0x85: {  	_ =	shalt  }
0x86: {  	_ =	shalt  }
0x87: {  	_ =	shalt  }
.Lfunc_end0:
.L_simem_size_0:
called_computation.3_lowered:
.L_overlay_start_0:
0x88: {  	s2 =	sld [smem:$0x3FD9]  }
0x89: {  	s3 =	sld [smem:$0x3FFE];
	_ =	sdelay $0x1  }
0x8a: {  	s1 =	srdreg.scid  }
0x8b: {  	s0 =	sand.u32 $0x1, s1  }
0x8c: {  	s17 =	sshll.u32 s0, $0xA;
	s2 =	sadd.s32 s3, s2  }
0x8d: {  	s2 =	sadd.s32 s2, s17  }
0x8e: {  	[smem:$0x3FBD] =	sst s2  }
0x8f: {  	_ = 	snop  }
0x90: {  	s2 =	sld [smem:$0x3FD0];
	(tm) =	ssettm $0x1  }
0x91: {  	s18 =	sld [smem:$0x3FFB];
	_ =	sdelay $0x3  }
0x92: {  	_ =	strace s18  }
0x93: {  	s3 =	sld [smem:$0x3FFC];
	_ =	sdelay $0x3  }
0x94: {  	_ =	strace s3  }
0x95: {  	s3 =	sld [smem:$0x3FFD];
	_ =	sdelay $0x3  }
0x96: {  	_ =	strace s3  }
0x97: {  	_ =	strace $0x8FFFFFFF  }
0x98: {  	s19 =	sld [smem:$0x3FDB];
	_ =	sdelay $0x1  }
0x99: {  	s4 =	simm.s32 $_scs_section_size  }
0x9a: {  	s5 =	simm.s32 $_size__tile_overlayer_lowered;
	s6 =	simm.s32 $_tile_overlayer_lowered  }
0x9b: {  	s22 =	simm.s32 $0x1BFF;
	s21 =	sshll.u32 s6, $0x1;
	s3 =	sadd.s32 s4, s19  }
0x9c: {  	s7 =	simm.s32 $0x0;
	s20 =	sshll.u32 s5, $0x1;
	s5 =	sadd.s32 s21, s3  }
0x9d: {  	[timem:s7], [sflag:s22] =	dma.local [hbm:s5], s20  }
0x9e: {  	_ =	swait.ge [sflag:s22], s20  }
0x9f: {  	s4 =	ssub.s32 $0x0, s20;
	[sflag:s22] =	ssyncset.done $0x0  }
0xa0: {  	[sflag:s22] =	ssyncadd.s32 s4;
	_ =	sdelay $0x1  }
0xa1: {  	s23 =	simm.s32 $0x1B8B  }
0xa2: {  	_ =	swait.ge [sflag:s23], $0x1  }
0xa3: {  	[sflag:s23] =	ssyncset.done $0x0  }
0xa4: {  	s25 =	simm.s32 $0x1B8E;
	s24 =	sld [smem:$0x3FFE];
	[sflag:s23] =	ssyncadd.s32 $0xFFFFFFFF  }
0xa5: {  	s26 =	simm.s32 $execute0_lowered;
	[smem:$0x3FD2] =	sst s25  }
0xa6: {  	s5 =	sshll.u32 s26, $0x1;
	_ =	strace $0x8000004C;
	[dreg:$0x1] =	wrdreg $0xFFFFFFFF  }
0xa7: {  	s28 =	simm.s32 $_size_execute0_lowered;
	s3 =	sadd.s32 s3, s5;
	[dreg:$0x0] =	wrdreg $0x0  }
0xa8: {  	s5 =	sshll.u32 s28, $0x1;
	[dreg:$0x2] =	wrdreg s3  }
0xa9: {  	[dreg:$0x3] =	wrdreg s5  }
0xaa: {  	[dreg:$0x4] =	wrdreg $0xC0  }
0xab: {  	_ =	task [dreg:s7], $0x5FFFF  }
0xac: {  	[dreg:$0x1] =	wrdreg $0xFFFFFFFF  }
0xad: {  	[dreg:$0x0] =	wrdreg $0x60  }
0xae: {  	[dreg:$0x2] =	wrdreg s2  }
0xaf: {  	[dreg:$0x3] =	wrdreg s24  }
0xb0: {  	[dreg:$0x4] =	wrdreg $0x9  }
0xb1: {  	_ =	task.clear_ibuf [dreg:s7], $0x5FFFF;
	_ =	strace $0x9000004C  }
0xb2: {  	s29 =	simm.s32 $0x9;
	_ =	strace $0x8000004E  }
0xb3: {  	_ =	swait.ge [sflag:s29], $0x1  }
0xb4: {  	[sflag:s29] =	ssyncadd.s32 $0xFFFFFFFF  }
0xb5: {  	_ =	strace $0x9000004E  }
0xb6: {  	_ =	sfence  }
0xb7: {  	s30 =	sld [smem:$0x0];
	_ =	sdelay $0x2  }
0xb8: {  	s31 =	sshll.u32 s1, $0xD;
	s1 =	sshrl.u32 s1, $0x2  }
0xb9: {  	s3 =	sand.u32 $0x4000, s31;
	s1 =	sadd.s32 s1, s30  }
0xba: {  	s0 =	sor.u32 s3, s0;
	s1 =	sshll.u32 s1, $0x11  }
0xbb: {  	s0 =	sor.u32 s1, s0  }
0xbc: {  	s0 =	sadd.s32 $0x8F2B, s0  }
0xbd: {  	[sflag:s0] =	ssyncadd.remote.s32 $0x1  }
0xbe: {  	_ =	sfence.sel $0xFFFF  }
0xbf: {  	[dreg:$0x0] =	wrdreg $0xFFFFFFFF;
	(pc) =	sbr.abs _section_cstart, $3  }
0xc0: {  	[dreg:$0x1] =	wrdreg $0xFFFFFFFF  }
0xc1: {  	_ =	task.clear_ibuf [dreg:s7], $0x2FFFF;
	_ =	strace $0x9FFFFFFF  }
0xc2: {  	(tm) =	ssettm $0x7FFFFFFF  }
0xc3: {  	_ =	shalt  }
tec
execute0_lowered:
.L_overlay_start_1:
0x0: {  	(tag) =	ssettag $0x1  }
0x1: {  	s1 =	rddreg [dreg:$0x0]  }
0x2: {  	s5 =	rddreg [dreg:$0x1]  }
0x3: {  	s0 =	rddreg [dreg:$0x2];
	s3 =	simm.s32 $0x0;
	s2 =	stileid.u32  }
0x4: {  	s6 =	srdreg.scid;
	s11 =	simm.s32 $0x0;
	[smem:$0x7FF] =	sst s3  }
0x5: {  	s4 =	sadd.s32 $0x2A000, s5;
	s7 =	smul.u32 $0x28000, s2;
	s6 =	sand.u32 $0x1, s6  }
0x6: {  	s9 =	sshll.u32 s2, $0x1;
	_ =	strace $0x8000004D;
	s8 =	ssub.s32 $0x2, s6  }
0x7: {  	s10 =	smul.u32 $0x14000, s6;
	s6 =	sor.u32 s6, s9;
	s9 =	simm.s32 $0x80  }
0x8: {  	s7 =	sadd.s32 s7, s5;
	s31 =	sshrl.u32 s8, $0x1;
	s5 =	smul.u32 $0x1400, s6  }
0x9: {  	s8 =	ssub.s32 s8, s31;
	s7 =	sadd.s32 s10, s7;
	s10 =	simm.s32 $0x1  }
0xa: {  	s6 =	smax.u32 s8, $0x1;
	s7 =	sadd.s32 $0x2F000, s7;
	s8 =	simm.s32 $0x2  }
.LBB2_1:
0xb: {  	s12 =	sand.u32 $0x1C00, s3  }
0xc: {  	s13 =	sand.u32 $0x380, s3;
	s12 =	sadd.s32 s5, s12  }
0xd: {  	s12 =	sor.u32 s13, s12  }
0xe: {  	s12 =	sshrl.u32 s12, $0x3  }
0xf: {  	s12 =	sadd.s32 s4, s12  }
0x10: {  	[tilespmem:s3], [sflag:$0x2] =	stream.linear.gather [hbm4b:s12+s3], $0x80, $0x38;
	[tilespmem:$0x4080] =	vst v63  }
0x11: {  	_ =	swait.ge [sflag:s8], $0x80  }
0x12: {  	[sflag:s8] =	ssyncset.done $0x0  }
0x13: {  	[sflag:s8] =	ssyncadd.s32 $0xFFFFFF80  }
0x14: {  	[tilespmem:s9], [sflag:$0x1] =	stream.indirect.gather [hbm4b:s1+s9], $0x80, s3, s9, $0xb8;
	[tilespmem:$0x4080] =	vst v63  }
0x15: {  	_ =	swait.ge [sflag:s10], $0x4000  }
0x16: {  	s31 =	simm.s32 $0x80;
	[sflag:s10] =	ssyncset.done $0x0  }
0x17: {  	s14 =	sand.u32 $0x1C00, s31;
	s13 =	simm.s32 $0x100;
	[sflag:s10] =	ssyncadd.s32 $0xFFFFC000  }
0x18: {  	[hbm4b:s7+s3] =	stream.linear.scatter [tilespmem:s9], [sflag:$0x2], $0x4000, $0x38;
	[tilespmem:$0x4080] =	vst v63  }
0x19: {  	s14 =	sadd.s32 s5, s14;
	s12 =	sand.u32 $0x380, s31;
	_ =	swait.ge [sflag:s8], $0x4000  }
0x1a: {  	s14 =	sor.u32 s12, s14;
	s12 =	sadd.s32 $0x800, s7;
	[sflag:s8] =	ssyncset.done $0x0  }
.LBB2_2:
0x1b: {  	s14 =	sshrl.u32 s14, $0x3  }
0x1c: {  	[sflag:s8] =	ssyncadd.s32 $0xFFFFC000;
	s15 =	smov.u32 s13;
	s16 =	sadd.s32 $0x80, s13  }
0x1d: {  	p0 =	sne.s32 s13, $0x1380;
	s13 =	sadd.s32 s4, s14  }
0x1e: {  	[tilespmem:s3], [sflag:$0x2] =	stream.linear.gather [hbm4b:s13+s3], $0x80, $0x38;
	[tilespmem:$0x4080] =	vst v63  }
0x1f: {  	_ =	swait.ge [sflag:s8], $0x80  }
0x20: {  	[sflag:s8] =	ssyncset.done $0x0  }
0x21: {  	[sflag:s8] =	ssyncadd.s32 $0xFFFFFF80  }
0x22: {  	[tilespmem:s9], [sflag:$0x1] =	stream.indirect.gather [hbm4b:s1+s9], $0x80, s3, s9, $0xb8;
	[tilespmem:$0x4080] =	vst v63  }
0x23: {  	_ =	swait.ge [sflag:s10], $0x4000  }
.Ltmp0:
0x24: {  	s13 =	sand.u32 $0x1C00, s15;
	[sflag:s10] =	ssyncset.done $0x0;
	(pc) =	sbr.rel @p0 .LBB2_2-.Ltmp0, $4  }
0x25: {  	s14 =	sand.u32 $0x380, s15;
	s13 =	sadd.s32 s5, s13;
	[sflag:s10] =	ssyncadd.s32 $0xFFFFC000  }
0x26: {  	[hbm4b:s12+s3] =	stream.linear.scatter [tilespmem:s9], [sflag:$0x2], $0x4000, $0x38;
	[tilespmem:$0x4080] =	vst v63  }
0x27: {  	s14 =	sor.u32 s14, s13;
	_ =	swait.ge [sflag:s8], $0x4000  }
0x28: {  	s13 =	smov.u32 s16;
	s12 =	sadd.s32 $0x800, s12;
	[sflag:s8] =	ssyncset.done $0x0  }
0x29: {  	s13 =	sshrl.u32 s14, $0x3  }
0x2a: {  	[sflag:s8] =	ssyncadd.s32 $0xFFFFC000;
	s13 =	sadd.s32 s4, s13  }
0x2b: {  	[tilespmem:s3], [sflag:$0x2] =	stream.linear.gather [hbm4b:s13+s3], $0x80, $0x38;
	[tilespmem:$0x4080] =	vst v63  }
0x2c: {  	_ =	swait.ge [sflag:s8], $0x80  }
0x2d: {  	[sflag:s8] =	ssyncset.done $0x0  }
0x2e: {  	[sflag:s8] =	ssyncadd.s32 $0xFFFFFF80  }
0x2f: {  	[tilespmem:s9], [sflag:$0x1] =	stream.indirect.gather [hbm4b:s1+s9], $0x80, s3, s9, $0xb8;
	[tilespmem:$0x4080] =	vst v63  }
0x30: {  	s11 =	sadd.s32 $0x1, s11;
	_ =	swait.ge [sflag:s10], $0x4000  }
0x31: {  	p0 =	sne.s32 s11, s6;
	[sflag:s10] =	ssyncset.done $0x0  }
.Ltmp1:
0x32: {  	[sflag:s10] =	ssyncadd.s32 $0xFFFFC000;
	(pc) =	sbr.rel @p0 .LBB2_1-.Ltmp1, $4  }
0x33: {  	[hbm4b:s12+s3] =	stream.linear.scatter [tilespmem:s9], [sflag:$0x2], $0x4000, $0x38;
	[tilespmem:$0x4080] =	vst v63  }
0x34: {  	_ =	swait.ge [sflag:s8], $0x4000  }
0x35: {  	[sflag:s8] =	ssyncset.done $0x0  }
0x36: {  	[sflag:s8] =	ssyncadd.s32 $0xFFFFC000  }
0x37: {  	_ =	sfence.sel $0x180000  }
0x38: {  	[bflag:$0x0] =	sbarrier.arrive $0xFFFF  }
0x39: {  	p0 =	sne.s32 s2, $0x0;
	_ =	strace $0x9000004D  }
0x3a: {  	s0 =	sadd.s32 @!p0 $0x100000, s0;
	[bflag:$0x2] =	sbarrier.arrive $0xFFFF  }
0x3b: {  	[sflag:s0] =	ssyncadd.tile.s32 @!p0 $0x1;
	_ =	shalt  }
.Lfunc_end2:
_tile_overlayer_lowered:
.L_overlay_start_2:
0x3c: {  	(tag) =	ssettag $0x2  }
0x3d: {  	s0 =	rddreg [dreg:$0x0];
	s2 =	stileid.u32  }
0x3e: {  	s1 =	rddreg [dreg:$0x1];
	p0 =	sne.s32 s2, $0x0  }
0x3f: {  	s3 =	rddreg [dreg:$0x2];
	[bflag:$0x3] =	sbarrier.arrive $0xFFFF;
	s2 =	simm.s32 @!p0 $0x1C02  }
0x40: {  	[timem:s3], [sflag:s2] =	dma.local @!p0 [hbm:s0], s1  }
0x41: {  	s0 =	simm.s32 @!p0 $0x2  }
0x42: {  	_ =	swait.ge @!p0 [sflag:s0], s1  }
0x43: {  	s1 =	ssub.s32 @!p0 $0x0, s1;
	[sflag:s0] =	ssyncset.done @!p0 $0x0  }
0x44: {  	[sflag:s0] =	ssyncadd.s32 @!p0 s1  }
0x45: {  	[bflag:$0x3] =	sbarrier.arrive $0xFFFF  }
0x46: {  	_ =	shalt  }

// kernel: kernel.29.cloned.1.call-start
scs
__scs_entry_jumppad:
0x0: {  	(pc) =	sbr.rel $0x88, $3  }
0x1: {  	(tag) =	ssettag $0x0;
	lr =	simm.s32 $0x1  }
0x2: {  	[smem:$0x3F96] =	sst lr;
	_ =	strace $0xD0000000  }
0x3: {  	_ = 	snop  }
0x4: {  	_ = 	snop  }
0x5: {  	_ = 	snop  }
0x6: {  	_ = 	snop  }
0x7: {  	_ = 	snop  }
__scs_overlays_trampoline_lowered:
0x8: {  	[smem:$0x3FA5] =	sst s0  }
0x9: {  	[smem:$0x3FA6] =	sst s1  }
0xa: {  	[smem:$0x3FA7] =	sst s2  }
0xb: {  	[smem:$0x3FA8] =	sst s3  }
0xc: {  	[smem:$0x3FA9] =	sst s4  }
0xd: {  	[smem:$0x3FAA] =	sst s5  }
0xe: {  	[smem:$0x3FAB] =	sst s6  }
0xf: {  	[smem:$0x3FAC] =	sst s7  }
0x10: {  	[smem:$0x3FAD] =	sst s8  }
0x11: {  	[smem:$0x3FAE] =	sst s9;
	s0 =	simm.s32 @!p0 $0x0  }
0x12: {  	s1 =	sld [smem:$0x3F94];
	s0 =	simm.s32 @p0 $0x1  }
0x13: {  	[smem:$0x3FAF] =	sst s0;
	s0 =	simm.s32 @!p1 $0x0  }
0x14: {  	s2 =	sld [smem:$0x3F93];
	s0 =	simm.s32 @p1 $0x1  }
0x15: {  	[smem:$0x3FB0] =	sst s0;
	s0 =	simm.s32 @!p2 $0x0  }
0x16: {  	s3 =	sld [smem:$0x3FDB];
	s0 =	simm.s32 @p2 $0x1  }
0x17: {  	s4 =	simm.s32 $0x1BF5;
	[smem:$0x3FB2] =	sst s0  }
0x18: {  	s0 =	sld [smem:$0x3F95];
	_ =	swait.ge [sflag:s4], $0x0  }
0x19: {  	s7 =	sld [smem:$0x3F96]  }
0x1a: {  	s8 =	sadd.s32 $0xFFFFE003, lr  }
0x1b: {  	s9 =	sadd.s32 $0xFFFFFEF7, lr;
	s5 =	simm.s32 $0xFFFFFFFF;
	p2 =	slt.u32 s8, $0xFFFFF086  }
0x1c: {  	p1 =	slt.u32 s9, $0xF7A;
	s5 =	simm.s32 @!p2 $0x0  }
0x1d: {  	s5 =	simm.s32 @p1 $0x1;
	p0 =	seq.s32 s7, s2  }
0x1e: {  	s7 =	smul.u32 @!p0 $0xF7A, s2;
	p2 =	seq.s32 @!p0 s5, $0x0  }
0x1f: {  	s9 =	smul.u32 $0xF7A, s1;
	s8 =	simm.s32 @!p0 $0x1BF5;
	p2 =	por !p2, p0  }
0x20: {  	[sflag:s8] =	ssyncset.s32 @!p0 $0xFFFFF086;
	s6 =	sadd.s32 @!p0 s3, s7;
	s7 =	simm.s32 @!p0 $0x108  }
0x21: {  	s3 =	sadd.s32 s3, s9;
	s6 =	sadd.s32 @!p0 $0x88, s6;
	s7 =	simm.s32 @p2 $0x1082  }
0x22: {  	[simem:s7], [sflag:s8] =	dma.local @!p0 [hbm:s6], $0xF7A  }
0x23: {  	s9 =	sor.u32 $0xD0000000, s2;
	s6 =	simm.s32 $0x108;
	_ =	swait.ge @!p0 [sflag:s8], $0x0  }
0x24: {  	s3 =	sadd.s32 $0x88, s3;
	s6 =	simm.s32 @!p1 $0x1082;
	[sflag:s4] =	ssyncset.s32 $0xFFFFF086  }
0x25: {  	[simem:s6], [sflag:s4] =	dma.local [hbm:s3], $0xF7A  }
0x26: {  	[smem:$0x3F96] =	sst s1;
	(tag) =	ssettag s2;
	_ =	strace s9  }
0x27: {  	s1 =	sld [smem:$0x3FA6]  }
0x28: {  	s2 =	sld [smem:$0x3FA7]  }
0x29: {  	s4 =	sld [smem:$0x3FA9]  }
0x2a: {  	p0 =	seq.s32 s5, $0x0;
	s5 =	sld [smem:$0x3FAA]  }
0x2b: {  	s6 =	sld [smem:$0x3FAB]  }
0x2c: {  	s7 =	sld [smem:$0x3FAC]  }
0x2d: {  	s3 =	simm.s32 $0x108;
	s8 =	sld [smem:$0x3FAD]  }
0x2e: {  	s3 =	simm.s32 @!p0 $0x1082;
	s9 =	sld [smem:$0x3FAE]  }
0x2f: {  	lr =	sadd.s32 s0, s3;
	s0 =	sld [smem:$0x3FA5]  }
0x30: {  	s3 =	sld [smem:$0x3FA8]  }
0x31: {  	[smem:$0x3FB1] =	sst s10  }
0x32: {  	s10 =	sld [smem:$0x3FAF];
	_ =	sdelay $0x3  }
0x33: {  	p0 =	seq.s32 s10, $0x1;
	s10 =	sld [smem:$0x3FB1];
	_ =	sdelay $0x3  }
0x34: {  	[smem:$0x3FB1] =	sst s10  }
0x35: {  	s10 =	sld [smem:$0x3FB0];
	_ =	sdelay $0x3  }
0x36: {  	p1 =	seq.s32 s10, $0x1;
	s10 =	sld [smem:$0x3FB1];
	_ =	sdelay $0x3  }
0x37: {  	[smem:$0x3FB1] =	sst s10  }
0x38: {  	s10 =	sld [smem:$0x3FB2]  }
0x39: {  	_ = 	snop;
	(pc) =	sbr.ind lr, $3  }
0x3a: {  	_ = 	snop  }
0x3b: {  	_ = 	snop  }
0x3c: {  	p2 =	seq.s32 s10, $0x1;
	s10 =	sld [smem:$0x3FB1]  }
0x3d: {  	_ =	shalt  }
0x3e: {  	_ =	shalt  }
0x3f: {  	_ =	shalt  }
0x40: {  	_ =	shalt  }
0x41: {  	_ =	shalt  }
0x42: {  	_ =	shalt  }
0x43: {  	_ =	shalt  }
0x44: {  	_ =	shalt  }
0x45: {  	_ =	shalt  }
0x46: {  	_ =	shalt  }
0x47: {  	_ =	shalt  }
0x48: {  	_ =	shalt  }
0x49: {  	_ =	shalt  }
0x4a: {  	_ =	shalt  }
0x4b: {  	_ =	shalt  }
0x4c: {  	_ =	shalt  }
0x4d: {  	_ =	shalt  }
0x4e: {  	_ =	shalt  }
0x4f: {  	_ =	shalt  }
0x50: {  	_ =	shalt  }
0x51: {  	_ =	shalt  }
0x52: {  	_ =	shalt  }
0x53: {  	_ =	shalt  }
0x54: {  	_ =	shalt  }
0x55: {  	_ =	shalt  }
0x56: {  	_ =	shalt  }
0x57: {  	_ =	shalt  }
0x58: {  	_ =	shalt  }
0x59: {  	_ =	shalt  }
0x5a: {  	_ =	shalt  }
0x5b: {  	_ =	shalt  }
0x5c: {  	_ =	shalt  }
0x5d: {  	_ =	shalt  }
0x5e: {  	_ =	shalt  }
0x5f: {  	_ =	shalt  }
0x60: {  	_ =	shalt  }
0x61: {  	_ =	shalt  }
0x62: {  	_ =	shalt  }
0x63: {  	_ =	shalt  }
0x64: {  	_ =	shalt  }
0x65: {  	_ =	shalt  }
0x66: {  	_ =	shalt  }
0x67: {  	_ =	shalt  }
0x68: {  	_ =	shalt  }
0x69: {  	_ =	shalt  }
0x6a: {  	_ =	shalt  }
0x6b: {  	_ =	shalt  }
0x6c: {  	_ =	shalt  }
0x6d: {  	_ =	shalt  }
0x6e: {  	_ =	shalt  }
0x6f: {  	_ =	shalt  }
0x70: {  	_ =	shalt  }
0x71: {  	_ =	shalt  }
0x72: {  	_ =	shalt  }
0x73: {  	_ =	shalt  }
0x74: {  	_ =	shalt  }
0x75: {  	_ =	shalt  }
0x76: {  	_ =	shalt  }
0x77: {  	_ =	shalt  }
0x78: {  	_ =	shalt  }
0x79: {  	_ =	shalt  }
0x7a: {  	_ =	shalt  }
0x7b: {  	_ =	shalt  }
0x7c: {  	_ =	shalt  }
0x7d: {  	_ =	shalt  }
0x7e: {  	_ =	shalt  }
0x7f: {  	_ =	shalt  }
0x80: {  	_ =	shalt  }
0x81: {  	_ =	shalt  }
0x82: {  	_ =	shalt  }
0x83: {  	_ =	shalt  }
0x84: {  	_ =	shalt  }
0x85: {  	_ =	shalt  }
0x86: {  	_ =	shalt  }
0x87: {  	_ =	shalt  }
.Lfunc_end0:
.L_simem_size_0:
called_computation.4_lowered:
.L_overlay_start_0:
0x88: {  	s2 =	sld [smem:$0x3FD9]  }
0x89: {  	s3 =	sld [smem:$0x3FFE];
	_ =	sdelay $0x1  }
0x8a: {  	s1 =	srdreg.scid  }
0x8b: {  	s0 =	sand.u32 $0x1, s1  }
0x8c: {  	s16 =	sshll.u32 s0, $0xA;
	s2 =	sadd.s32 s3, s2  }
0x8d: {  	s2 =	sadd.s32 s2, s16  }
0x8e: {  	[smem:$0x3FBD] =	sst s2  }
0x8f: {  	_ = 	snop  }
0x90: {  	(tm) =	ssettm $0x1  }
0x91: {  	s17 =	sld [smem:$0x3FFB];
	_ =	sdelay $0x3  }
0x92: {  	_ =	strace s17  }
0x93: {  	s2 =	sld [smem:$0x3FFC];
	_ =	sdelay $0x3  }
0x94: {  	_ =	strace s2  }
0x95: {  	s2 =	sld [smem:$0x3FFD];
	_ =	sdelay $0x3  }
0x96: {  	_ =	strace s2  }
0x97: {  	_ =	strace $0x8FFFFFFF  }
0x98: {  	s18 =	sld [smem:$0x3FDB];
	_ =	sdelay $0x1  }
0x99: {  	s19 =	simm.s32 $_scs_section_size  }
0x9a: {  	s4 =	simm.s32 $_size__tile_overlayer_lowered;
	s5 =	simm.s32 $_tile_overlayer_lowered  }
0x9b: {  	s22 =	simm.s32 $0x1BFF;
	s21 =	sshll.u32 s5, $0x1;
	s2 =	sadd.s32 s19, s18  }
0x9c: {  	s6 =	simm.s32 $0x0;
	s20 =	sshll.u32 s4, $0x1;
	s4 =	sadd.s32 s21, s2  }
0x9d: {  	[timem:s6], [sflag:s22] =	dma.local [hbm:s4], s20  }
0x9e: {  	_ =	swait.ge [sflag:s22], s20  }
0x9f: {  	s3 =	ssub.s32 $0x0, s20;
	[sflag:s22] =	ssyncset.done $0x0  }
0xa0: {  	[sflag:s22] =	ssyncadd.s32 s3;
	_ =	sdelay $0x1  }
0xa1: {  	s23 =	simm.s32 $0x1B8B  }
0xa2: {  	_ =	swait.ge [sflag:s23], $0x1  }
0xa3: {  	[sflag:s23] =	ssyncset.done $0x0  }
0xa4: {  	s25 =	simm.s32 $0x1B8E;
	s24 =	sld [smem:$0x3FFE];
	[sflag:s23] =	ssyncadd.s32 $0xFFFFFFFF  }
0xa5: {  	s26 =	simm.s32 $execute0_lowered;
	[smem:$0x3FD2] =	sst s25  }
0xa6: {  	s4 =	sshll.u32 s26, $0x1;
	_ =	strace $0x8000004F;
	[dreg:$0x1] =	wrdreg $0xFFFFFFFF  }
0xa7: {  	s28 =	simm.s32 $_size_execute0_lowered;
	s2 =	sadd.s32 s2, s4;
	[dreg:$0x0] =	wrdreg $0x0  }
0xa8: {  	s4 =	sshll.u32 s28, $0x1;
	[dreg:$0x2] =	wrdreg s2  }
0xa9: {  	[dreg:$0x3] =	wrdreg s4  }
0xaa: {  	[dreg:$0x4] =	wrdreg $0xC0  }
0xab: {  	_ =	task [dreg:s6], $0x5FFFF  }
0xac: {  	[dreg:$0x1] =	wrdreg $0xFFFFFFFF  }
0xad: {  	[dreg:$0x0] =	wrdreg $0x60  }
0xae: {  	[dreg:$0x2] =	wrdreg s24  }
0xaf: {  	[dreg:$0x3] =	wrdreg $0x9  }
0xb0: {  	_ =	task.clear_ibuf [dreg:s6], $0x4FFFF;
	_ =	strace $0x9000004F  }
0xb1: {  	s29 =	simm.s32 $0x9;
	_ =	strace $0x80000051  }
0xb2: {  	_ =	swait.ge [sflag:s29], $0x1  }
0xb3: {  	[sflag:s29] =	ssyncadd.s32 $0xFFFFFFFF  }
0xb4: {  	_ =	strace $0x90000051  }
0xb5: {  	_ =	sfence  }
0xb6: {  	s30 =	sld [smem:$0x0];
	_ =	sdelay $0x2  }
0xb7: {  	s31 =	sshll.u32 s1, $0xD;
	s1 =	sshrl.u32 s1, $0x2  }
0xb8: {  	s3 =	sand.u32 $0x4000, s31;
	s1 =	sadd.s32 s1, s30  }
0xb9: {  	s0 =	sor.u32 s3, s0;
	s1 =	sshll.u32 s1, $0x11  }
0xba: {  	s0 =	sor.u32 s1, s0  }
0xbb: {  	s0 =	sadd.s32 $0x8F2B, s0  }
0xbc: {  	[sflag:s0] =	ssyncadd.remote.s32 $0x1  }
0xbd: {  	_ =	sfence.sel $0xFFFF  }
0xbe: {  	[dreg:$0x0] =	wrdreg $0xFFFFFFFF;
	(pc) =	sbr.abs _section_cstart, $3  }
0xbf: {  	[dreg:$0x1] =	wrdreg $0xFFFFFFFF  }
0xc0: {  	_ =	task.clear_ibuf [dreg:s6], $0x2FFFF;
	_ =	strace $0x9FFFFFFF  }
0xc1: {  	(tm) =	ssettm $0x7FFFFFFF  }
tec
execute0_lowered:
.L_overlay_start_1:
0x0: {  	(tag) =	ssettag $0x1  }
0x1: {  	s5 =	rddreg [dreg:$0x0]  }
0x2: {  	s0 =	rddreg [dreg:$0x1]  }
0x3: {  	s2 =	simm.s32 $0x0;
	s1 =	stileid.u32;
	s6 =	srdreg.scid  }
0x4: {  	s11 =	simm.s32 $0x0;
	[smem:$0x7FF] =	sst s2;
	s3 =	sadd.s32 $0x2A000, s5  }
0x5: {  	s4 =	sadd.s32 $0x4A000, s5;
	s7 =	smul.u32 $0x28000, s1;
	s6 =	sand.u32 $0x1, s6  }
0x6: {  	s9 =	sshll.u32 s1, $0x1;
	_ =	strace $0x80000050;
	s8 =	ssub.s32 $0x2, s6  }
0x7: {  	s10 =	smul.u32 $0x14000, s6;
	s6 =	sor.u32 s6, s9;
	s9 =	simm.s32 $0x80  }
0x8: {  	s7 =	sadd.s32 s7, s5;
	s31 =	sshrl.u32 s8, $0x1;
	s5 =	smul.u32 $0x1400, s6  }
0x9: {  	s8 =	ssub.s32 s8, s31;
	s7 =	sadd.s32 s10, s7;
	s10 =	simm.s32 $0x1  }
0xa: {  	s6 =	smax.u32 s8, $0x1;
	s7 =	sadd.s32 $0x4F000, s7;
	s8 =	simm.s32 $0x2  }
.LBB2_1:
0xb: {  	s12 =	sand.u32 $0x1C00, s2  }
0xc: {  	s13 =	sand.u32 $0x380, s2;
	s12 =	sadd.s32 s5, s12  }
0xd: {  	s12 =	sor.u32 s13, s12  }
0xe: {  	s12 =	sshrl.u32 s12, $0x3  }
0xf: {  	s12 =	sadd.s32 s4, s12  }
0x10: {  	[tilespmem:s2], [sflag:$0x2] =	stream.linear.gather [hbm4b:s12+s2], $0x80, $0x38;
	[tilespmem:$0x4080] =	vst v63  }
0x11: {  	_ =	swait.ge [sflag:s8], $0x80  }
0x12: {  	[sflag:s8] =	ssyncset.done $0x0  }
0x13: {  	[sflag:s8] =	ssyncadd.s32 $0xFFFFFF80  }
0x14: {  	[tilespmem:s9], [sflag:$0x1] =	stream.indirect.gather [hbm4b:s3+s9], $0x80, s2, s9, $0xb8;
	[tilespmem:$0x4080] =	vst v63  }
0x15: {  	_ =	swait.ge [sflag:s10], $0x4000  }
0x16: {  	s31 =	simm.s32 $0x80;
	[sflag:s10] =	ssyncset.done $0x0  }
0x17: {  	s14 =	sand.u32 $0x1C00, s31;
	s13 =	simm.s32 $0x100;
	[sflag:s10] =	ssyncadd.s32 $0xFFFFC000  }
0x18: {  	[hbm4b:s7+s2] =	stream.linear.scatter [tilespmem:s9], [sflag:$0x2], $0x4000, $0x38;
	[tilespmem:$0x4080] =	vst v63  }
0x19: {  	s14 =	sadd.s32 s5, s14;
	s12 =	sand.u32 $0x380, s31;
	_ =	swait.ge [sflag:s8], $0x4000  }
0x1a: {  	s14 =	sor.u32 s12, s14;
	s12 =	sadd.s32 $0x800, s7;
	[sflag:s8] =	ssyncset.done $0x0  }
.LBB2_2:
0x1b: {  	s14 =	sshrl.u32 s14, $0x3  }
0x1c: {  	[sflag:s8] =	ssyncadd.s32 $0xFFFFC000;
	s15 =	smov.u32 s13;
	s16 =	sadd.s32 $0x80, s13  }
0x1d: {  	p0 =	sne.s32 s13, $0x1380;
	s13 =	sadd.s32 s4, s14  }
0x1e: {  	[tilespmem:s2], [sflag:$0x2] =	stream.linear.gather [hbm4b:s13+s2], $0x80, $0x38;
	[tilespmem:$0x4080] =	vst v63  }
0x1f: {  	_ =	swait.ge [sflag:s8], $0x80  }
0x20: {  	[sflag:s8] =	ssyncset.done $0x0  }
0x21: {  	[sflag:s8] =	ssyncadd.s32 $0xFFFFFF80  }
0x22: {  	[tilespmem:s9], [sflag:$0x1] =	stream.indirect.gather [hbm4b:s3+s9], $0x80, s2, s9, $0xb8;
	[tilespmem:$0x4080] =	vst v63  }
0x23: {  	_ =	swait.ge [sflag:s10], $0x4000  }
.Ltmp0:
0x24: {  	s13 =	sand.u32 $0x1C00, s15;
	[sflag:s10] =	ssyncset.done $0x0;
	(pc) =	sbr.rel @p0 .LBB2_2-.Ltmp0, $4  }
0x25: {  	s14 =	sand.u32 $0x380, s15;
	s13 =	sadd.s32 s5, s13;
	[sflag:s10] =	ssyncadd.s32 $0xFFFFC000  }
0x26: {  	[hbm4b:s12+s2] =	stream.linear.scatter [tilespmem:s9], [sflag:$0x2], $0x4000, $0x38;
	[tilespmem:$0x4080] =	vst v63  }
0x27: {  	s14 =	sor.u32 s14, s13;
	_ =	swait.ge [sflag:s8], $0x4000  }
0x28: {  	s13 =	smov.u32 s16;
	s12 =	sadd.s32 $0x800, s12;
	[sflag:s8] =	ssyncset.done $0x0  }
0x29: {  	s13 =	sshrl.u32 s14, $0x3  }
0x2a: {  	[sflag:s8] =	ssyncadd.s32 $0xFFFFC000;
	s13 =	sadd.s32 s4, s13  }
0x2b: {  	[tilespmem:s2], [sflag:$0x2] =	stream.linear.gather [hbm4b:s13+s2], $0x80, $0x38;
	[tilespmem:$0x4080] =	vst v63  }
0x2c: {  	_ =	swait.ge [sflag:s8], $0x80  }
0x2d: {  	[sflag:s8] =	ssyncset.done $0x0  }
0x2e: {  	[sflag:s8] =	ssyncadd.s32 $0xFFFFFF80  }
0x2f: {  	[tilespmem:s9], [sflag:$0x1] =	stream.indirect.gather [hbm4b:s3+s9], $0x80, s2, s9, $0xb8;
	[tilespmem:$0x4080] =	vst v63  }
0x30: {  	s11 =	sadd.s32 $0x1, s11;
	_ =	swait.ge [sflag:s10], $0x4000  }
0x31: {  	p0 =	sne.s32 s11, s6;
	[sflag:s10] =	ssyncset.done $0x0  }
.Ltmp1:
0x32: {  	[sflag:s10] =	ssyncadd.s32 $0xFFFFC000;
	(pc) =	sbr.rel @p0 .LBB2_1-.Ltmp1, $4  }
0x33: {  	[hbm4b:s12+s2] =	stream.linear.scatter [tilespmem:s9], [sflag:$0x2], $0x4000, $0x38;
	[tilespmem:$0x4080] =	vst v63  }
0x34: {  	_ =	swait.ge [sflag:s8], $0x4000  }
0x35: {  	[sflag:s8] =	ssyncset.done $0x0  }
0x36: {  	[sflag:s8] =	ssyncadd.s32 $0xFFFFC000  }
0x37: {  	_ =	sfence.sel $0x180000  }
0x38: {  	[bflag:$0x0] =	sbarrier.arrive $0xFFFF  }
0x39: {  	p0 =	sne.s32 s1, $0x0;
	_ =	strace $0x90000050  }
0x3a: {  	s0 =	sadd.s32 @!p0 $0x100000, s0;
	[bflag:$0x2] =	sbarrier.arrive $0xFFFF  }
0x3b: {  	[sflag:s0] =	ssyncadd.tile.s32 @!p0 $0x1;
	_ =	shalt  }
.Lfunc_end2:
_tile_overlayer_lowered:
.L_overlay_start_2:
0x3c: {  	(tag) =	ssettag $0x2  }
0x3d: {  	s0 =	rddreg [dreg:$0x0];
	s2 =	stileid.u32  }
0x3e: {  	s1 =	rddreg [dreg:$0x1];
	p0 =	sne.s32 s2, $0x0  }
0x3f: {  	s3 =	rddreg [dreg:$0x2];
	[bflag:$0x3] =	sbarrier.arrive $0xFFFF;
	s2 =	simm.s32 @!p0 $0x1C02  }
0x40: {  	[timem:s3], [sflag:s2] =	dma.local @!p0 [hbm:s0], s1  }
0x41: {  	s0 =	simm.s32 @!p0 $0x2  }
0x42: {  	_ =	swait.ge @!p0 [sflag:s0], s1  }
0x43: {  	s1 =	ssub.s32 @!p0 $0x0, s1;
	[sflag:s0] =	ssyncset.done @!p0 $0x0  }
0x44: {  	[sflag:s0] =	ssyncadd.s32 @!p0 s1  }
0x45: {  	[bflag:$0x3] =	sbarrier.arrive $0xFFFF  }
0x46: {  	_ =	shalt  }

// kernel: sparse-core-data-format-call.cloned.1.call-start
scs
called_computation_lowered:
.L_overlay_start_0:
0x0: {  	s2 =	sld [smem:$0x3FD9]  }
0x1: {  	s3 =	sld [smem:$0x3FFE];
	_ =	sdelay $0x1  }
0x2: {  	s1 =	srdreg.scid  }
0x3: {  	s0 =	sand.u32 $0x1, s1  }
0x4: {  	s18 =	sshll.u32 s0, $0xA;
	s2 =	sadd.s32 s3, s2  }
0x5: {  	s2 =	sadd.s32 s2, s18  }
0x6: {  	[smem:$0x3FBD] =	sst s2  }
0x7: {  	_ = 	snop  }
0x8: {  	s2 =	sld [smem:$0x3FD0];
	(tm) =	ssettm $0x1  }
0x9: {  	s19 =	sld [smem:$0x3FFB];
	_ =	sdelay $0x3  }
0xa: {  	_ =	strace s19  }
0xb: {  	s3 =	sld [smem:$0x3FFC];
	_ =	sdelay $0x3  }
0xc: {  	_ =	strace s3  }
0xd: {  	s3 =	sld [smem:$0x3FFD];
	_ =	sdelay $0x3  }
0xe: {  	_ =	strace s3  }
0xf: {  	_ =	strace $0x8FFFFFFF  }
0x10: {  	s20 =	sld [smem:$0x3FDB];
	_ =	sdelay $0x1  }
0x11: {  	s4 =	simm.s32 $_scs_section_size  }
0x12: {  	s5 =	simm.s32 $_size__tile_overlayer_lowered;
	s6 =	simm.s32 $_tile_overlayer_lowered  }
0x13: {  	s23 =	simm.s32 $0x1BFF;
	s22 =	sshll.u32 s6, $0x1;
	s3 =	sadd.s32 s4, s20  }
0x14: {  	s7 =	simm.s32 $0x0;
	s21 =	sshll.u32 s5, $0x1;
	s5 =	sadd.s32 s22, s3  }
0x15: {  	[timem:s7], [sflag:s23] =	dma.local [hbm:s5], s21  }
0x16: {  	_ =	swait.ge [sflag:s23], s21  }
0x17: {  	s4 =	ssub.s32 $0x0, s21;
	[sflag:s23] =	ssyncset.done $0x0  }
0x18: {  	[sflag:s23] =	ssyncadd.s32 s4;
	_ =	sdelay $0x1  }
0x19: {  	s24 =	simm.s32 $0x1B8B  }
0x1a: {  	_ =	swait.ge [sflag:s24], $0x1  }
0x1b: {  	[sflag:s24] =	ssyncset.done $0x0  }
0x1c: {  	s26 =	simm.s32 $0x1B8E;
	s25 =	sld [smem:$0x3FFE];
	[sflag:s24] =	ssyncadd.s32 $0xFFFFFFFF  }
0x1d: {  	s27 =	simm.s32 $execute0_lowered;
	[smem:$0x3FD2] =	sst s26  }
0x1e: {  	s5 =	sshll.u32 s27, $0x1;
	_ =	strace $0x80000052;
	[dreg:$0x1] =	wrdreg $0xFFFFFFFF  }
0x1f: {  	s28 =	simm.s32 $_size_execute0_lowered;
	s3 =	sadd.s32 s3, s5;
	[dreg:$0x0] =	wrdreg $0x0  }
0x20: {  	s5 =	sshll.u32 s28, $0x1;
	[dreg:$0x2] =	wrdreg s3  }
0x21: {  	[dreg:$0x3] =	wrdreg s5  }
0x22: {  	[dreg:$0x4] =	wrdreg $0xC0  }
0x23: {  	_ =	task [dreg:s7], $0x5FFFF  }
0x24: {  	[dreg:$0x1] =	wrdreg $0xFFFFFFFF  }
0x25: {  	[dreg:$0x0] =	wrdreg $0x60  }
0x26: {  	[dreg:$0x2] =	wrdreg s25  }
0x27: {  	[dreg:$0x3] =	wrdreg s2  }
0x28: {  	[dreg:$0x4] =	wrdreg $0x9  }
0x29: {  	_ =	task.clear_ibuf [dreg:s7], $0x5FFFF;
	_ =	strace $0x90000052  }
0x2a: {  	s29 =	simm.s32 $0x9;
	_ =	strace $0x80000054  }
0x2b: {  	_ =	swait.ge [sflag:s29], $0x1  }
0x2c: {  	[sflag:s29] =	ssyncadd.s32 $0xFFFFFFFF  }
0x2d: {  	_ =	strace $0x90000054  }
0x2e: {  	_ =	sfence  }
0x2f: {  	s30 =	sld [smem:$0x0];
	_ =	sdelay $0x2  }
0x30: {  	s31 =	sshll.u32 s1, $0xD;
	s1 =	sshrl.u32 s1, $0x2  }
0x31: {  	s3 =	sand.u32 $0x4000, s31;
	s1 =	sadd.s32 s1, s30  }
0x32: {  	s0 =	sor.u32 s3, s0;
	s1 =	sshll.u32 s1, $0x11  }
0x33: {  	s0 =	sor.u32 s1, s0  }
0x34: {  	s0 =	sadd.s32 $0x8F2B, s0  }
0x35: {  	[sflag:s0] =	ssyncadd.remote.s32 $0x1  }
0x36: {  	_ =	sfence.sel $0xFFFF  }
0x37: {  	[dreg:$0x0] =	wrdreg $0xFFFFFFFF;
	(pc) =	sbr.abs _section_cstart, $3  }
0x38: {  	[dreg:$0x1] =	wrdreg $0xFFFFFFFF  }
0x39: {  	_ =	task.clear_ibuf [dreg:s7], $0x2FFFF;
	_ =	strace $0x9FFFFFFF  }
0x3a: {  	(tm) =	ssettm $0x7FFFFFFF  }
0x3b: {  	_ =	shalt  }
tec
execute0_lowered:
.L_overlay_start_1:
0x0: {  	(tag) =	ssettag $0x1  }
0x1: {  	s0 =	srdreg.scid  }
0x2: {  	s30 =	stileid.u32;
	s2 =	rddreg [dreg:$0x0];
	s1 =	sshll.u32 s0, $0x4  }
0x3: {  	s4 =	rddreg [dreg:$0x1];
	_ =	strace $0x80000053;
	s1 =	sand.u32 $0x10, s1  }
0x4: {  	s31 =	simm.s32 $0x2;
	s16 =	simm.s32 $0x0;
	s1 =	sor.u32 s30, s1  }
0x5: {  	s8 =	simm.s32 $0x2000;
	s9 =	simm.s32 $0x6000;
	s3 =	sshll.u32 s1, $0x1  }
.Ltmp0:
0x6: {  	s15 =	simm.s32 $0x0;
	s5 =	ssub.s32 $0x154, s3;
	(pc) =	sbr.rel .LBB1_1-.Ltmp0, $4  }
0x7: {  	s10 =	simm.s32 $0x0;
	s12 =	simm.s32 $0x0;
	s6 =	sshrl.u32 s5, $0x6  }
0x8: {  	s13 =	simm.s32 $0x0;
	s5 =	simm.s32 $0x1;
	s7 =	smul.u32 $0x3, s6  }
0x9: {  	s14 =	simm.s32 $0x0;
	s11 =	smov.u32 s3;
	[sflag:s5] =	ssyncpa.u1 $0x0  }
0xa: {  	[sflag:s31] =	ssyncpa.u1 $0x0;
	s6 =	sadd.s32 $0x3, s7;
	s7 =	sadd.s32 $0x4, s7  }
.LBB1_11:
0xb: {  	s0 =	smul.u32 $0xC00, s10;
	s1 =	sshll.u32 s12, $0xA  }
0xc: {  	s1 =	sadd.s32 s4, s1  }
0xd: {  	s18 =	sor.u32 $0x8000, s20;
	s0 =	sadd.s32 s0, s1  }
0xe: {  	[hbm4b:s0+s8] =	stream.strided.scatter [tilespmem:s18], [sflag:$0x2], s17, s9, s8, $0x38;
	[tilespmem:$0x10000] =	vst v63  }
.LBB1_12:
0xf: {  	p0 =	slt.u32 s14, $0x2  }
0x10: {  	p1 =	sgt.s32 @!p0 s16, $0x153  }
0x11: {  	s0 =	smov.u32 s16;
	s1 =	sshra.s32 @!p0 s16, $0x1F;
	p1 =	por !p1, p0  }
0x12: {  	s17 =	sshra.s32 @!p0 s15, $0x1F;
	s0 =	simm.s32 @p1 $0x153;
	p1 =	sgt.s32 @!p0 s15, $0x2  }
0x13: {  	s1 =	sand.u32 @!p0 s1, s16;
	s16 =	smov.u32 s15;
	p1 =	por !p1, p0  }
0x14: {  	s0 =	ssub.s32 @!p0 s0, s1;
	s1 =	sand.u32 @!p0 s17, s15;
	s16 =	simm.s32 @p1 $0x2  }
0x15: {  	s1 =	ssub.s32 @!p0 s16, s1  }
0x16: {  	s15 =	sadd.s32 @!p0 $0xFFFFFEAD, s0;
	s0 =	ssub.s32 @!p0 $0x155, s0;
	s1 =	sadd.s32 @!p0 $0xFFFFFFFE, s1  }
0x17: {  	p1 =	sgt.s32 @!p0 s15, $0x1;
	p2 =	sgt.s32 @!p0 s1, $0x0;
	s1 =	sshll.u32 @!p0 s1, $0xD  }
0x18: {  	p1 =	por !p1, p0;
	s1 =	ssub.s32 @!p0 $0x2000, s1;
	p2 =	por !p2, p0  }
0x19: {  	s0 =	simm.s32 @!p1 $0x0;
	s1 =	simm.s32 @!p2 $0x0  }
0x1a: {  	s0 =	smul.u32 @!p0 s0, s1;
	s1 =	sadd.s32 $0x40, s11  }
0x1b: {  	s15 =	simm.s32 $0x1;
	p1 =	sgt.s32 s1, $0x154  }
0x1c: {  	s15 =	simm.s32 @!p1 $0x0  }
0x1d: {  	s18 =	sadd.s32 s15, s13  }
0x1e: {  	s1 =	smov.u32 @p1 s3;
	p1 =	sgt.s32 s18, $0x2  }
0x1f: {  	s18 =	simm.s32 @p1 $0x0;
	p1 =	sne.s32 s14, s7  }
.Ltmp1:
0x20: {  	s17 =	simm.s32 @!p0 $0x2;
	(pc) =	sbr.rel @!p1 .LBB1_13-.Ltmp1, $4  }
0x21: {  	s16 =	smov.u32 s10;
	s10 =	smov.u32 s11;
	s0 =	sand.u32 @!p0 $0x3FFFE000, s0  }
0x22: {  	_ =	swait.ge @!p0 [sflag:s17], s0;
	s0 =	ssub.s32 @!p0 $0x0, s0;
	s15 =	smov.u32 s12  }
0x23: {  	s12 =	smov.u32 s13;
	s11 =	smov.u32 s1;
	[sflag:s17] =	ssyncset.done @!p0 $0x0  }
0x24: {  	s14 =	sadd.s32 $0x1, s14;
	[sflag:s17] =	ssyncadd.s32 @!p0 s0;
	s13 =	smov.u32 s18  }
.LBB1_1:
0x25: {  	p0 =	sge.u32 s14, s6  }
0x26: {  	p1 =	sgt.s32 @!p0 s13, $0x2  }
0x27: {  	s17 =	smov.u32 s13;
	s19 =	smov.u32 s11;
	p1 =	por !p1, p0  }
0x28: {  	s18 =	sshra.s32 @!p0 s13, $0x1F;
	s17 =	simm.s32 @p1 $0x2;
	p1 =	sgt.s32 @!p0 s11, $0x153  }
0x29: {  	s20 =	sshra.s32 @!p0 s11, $0x1F;
	s18 =	sand.u32 @!p0 s18, s13;
	p1 =	por !p1, p0  }
0x2a: {  	s20 =	sand.u32 @!p0 s20, s11;
	s17 =	ssub.s32 @!p0 s17, s18;
	s19 =	simm.s32 @p1 $0x153  }
0x2b: {  	s17 =	sadd.s32 @!p0 $0xFFFFFFFE, s17;
	s18 =	ssub.s32 @!p0 s19, s20  }
0x2c: {  	p1 =	sgt.s32 @!p0 s17, $0x0;
	s17 =	sshll.u32 @!p0 s17, $0xD;
	s19 =	sadd.s32 @!p0 $0xFFFFFEAD, s18  }
0x2d: {  	s20 =	smul.u32 @!p0 $0x55400, s13;
	s18 =	ssub.s32 @!p0 $0x155, s18;
	p2 =	sgt.s32 @!p0 s19, $0x1  }
0x2e: {  	s17 =	ssub.s32 @!p0 $0x2000, s17;
	p1 =	por !p1, p0;
	p2 =	por !p2, p0  }
0x2f: {  	s19 =	sxor.u32 @!p0 $0xFFFFFFFF, s14;
	s17 =	simm.s32 @!p1 $0x0;
	s18 =	simm.s32 @!p2 $0x0  }
0x30: {  	s19 =	sshll.u32 @!p0 s19, $0xE;
	s17 =	smul.u32 @!p0 s18, s17  }
0x31: {  	s20 =	sadd.s32 @!p0 s2, s20;
	s18 =	sand.u32 @!p0 $0x4000, s19;
	s19 =	sshll.u32 @!p0 s11, $0xA  }
0x32: {  	s19 =	sadd.s32 @!p0 s19, s20;
	s20 =	simm.s32 @!p0 $0x0;
	s17 =	sand.u32 @!p0 $0x3FFFE000, s17  }
0x33: {  	[tilespmem:s18], [sflag:$0x1] =	stream.linear.gather @!p0 [hbm4b:s19+s20], s17, $0x38;
	[tilespmem:$0x10000] =	vst v63  }
0x34: {  	p0 =	seq.s32 s14, $0x0  }
0x35: {  	p1 =	sge.u32 @!p0 s14, s7  }
0x36: {  	p0 =	por p0, p1  }
.Ltmp2:
0x37: {  	_ = 	snop;
	(pc) =	sbr.rel @p0 .LBB1_12-.Ltmp2, $1  }
0x38: {  	_ =	sdelay $0x3  }
0x39: {  	p0 =	sgt.s32 s12, $0x2;
	s17 =	smov.u32 s12  }
0x3a: {  	s18 =	sshra.s32 s12, $0x1F;
	s19 =	smov.u32 s10;
	s20 =	sshra.s32 s10, $0x1F  }
0x3b: {  	s17 =	simm.s32 @!p0 $0x2;
	s18 =	sand.u32 s18, s12;
	p0 =	sgt.s32 s10, $0x153  }
0x3c: {  	s30 =	sand.u32 s20, s10;
	s17 =	ssub.s32 s17, s18;
	s19 =	simm.s32 @!p0 $0x153  }
0x3d: {  	s20 =	sadd.s32 $0x2, s10;
	s17 =	sadd.s32 $0xFFFFFFFE, s17;
	s18 =	ssub.s32 s19, s30  }
0x3e: {  	p0 =	sgt.s32 s17, $0x0;
	s19 =	sadd.s32 $0xFFFFFEAD, s18;
	s17 =	sshll.u32 s17, $0xD  }
0x3f: {  	p1 =	sgt.s32 s19, $0x1;
	s17 =	ssub.s32 $0x2000, s17;
	s19 =	sadd.s32 $0x1, s12  }
0x40: {  	s18 =	ssub.s32 $0x155, s18;
	s17 =	simm.s32 @p0 $0x0;
	p0 =	slt.s32 s19, $0x3  }
0x41: {  	s18 =	simm.s32 @p1 $0x0;
	s19 =	simm.s32 @!p0 $0x3;
	p0 =	slt.s32 s20, $0x155  }
0x42: {  	s17 =	smul.u32 s18, s17;
	s18 =	ssub.s32 s19, s12;
	s20 =	simm.s32 @!p0 $0x155  }
0x43: {  	s19 =	ssub.s32 s20, s10;
	p0 =	slt.s32 s18, $0x1  }
0x44: {  	p1 =	slt.s32 @!p0 s19, $0x1  }
0x45: {  	p1 =	por p0, p1  }
.Ltmp3:
0x46: {  	_ = 	snop;
	(pc) =	sbr.rel @p1 .LBB1_11-.Ltmp3, $4  }
0x47: {  	s17 =	sand.u32 $0x3FFFE000, s17  }
0x48: {  	_ =	swait.ge [sflag:s5], s17  }
0x49: {  	s21 =	sshll.u32 s14, $0xE;
	s31 =	ssub.s32 $0x0, s17;
	[sflag:s5] =	ssyncset.done $0x0  }
0x4a: {  	s20 =	sand.u32 $0x4000, s21;
	[sflag:s5] =	ssyncadd.s32 s31  }
0x4b: {  	s21 =	sor.u32 @!p0 $0x8000, s20;
	s22 =	simm.s32 $0x0  }
.LBB1_4:
0x4c: {  	s23 =	sshll.u32 s22, $0x10  }
0x4d: {  	s23 =	sshra.s32 s23, $0x2  }
0x4e: {  	s24 =	simm.s32 $0x0;
	s23 =	sadd.s32 s23, s20  }
.LBB1_5:
0x4f: {  	s25 =	sadd.s32 s22, s24  }
0x50: {  	s26 =	sshll.u32 s24, $0xF;
	s25 =	sshll.u32 s25, $0xF  }
0x51: {  	s26 =	sshra.s32 s26, $0x2;
	s27 =	sshra.s32 s25, $0x2  }
0x52: {  	s25 =	sadd.s32 s26, s23;
	s26 =	sadd.s32 s27, s21;
	s27 =	simm.s32 $0x0  }
.LBB1_6:
0x53: {  	s28 =	sshll.u32 s27, $0x7  }
0x54: {  	s29 =	sor.u32 $0x10, s28;
	v0 =	vmov s28  }
0x55: {  	s30 =	sor.u32 $0x20, s28;
	s31 =	sor.u32 $0x30, s28;
	s1 =	sor.u32 $0x40, s28;
	v1 =	vmov s29  }
0x56: {  	s0 =	sor.u32 $0x60, s28;
	s29 =	sor.u32 $0x50, s28;
	s28 =	sor.u32 $0x70, s28;
	v2 =	vmov s30;
	v3 =	vmov s31;
	v4 =	vmov s1  }
0x57: {  	p0 =	por $0x1, $0x1;
	v6 =	vmov s0;
	v5 =	vmov s29;
	v7 =	vmov s28;
	s28 =	simm.s32 $0x0  }
.LBB1_7:
0x58: {  	s0 =	sadd.s32 s28, s25  }
0x59: {  	v8 =	vld.idx.msk [tilespmem:v0+s0+$0x0 ss:$0x1], $0xffff  }
0x5a: {  	v9 =	vld.idx.msk [tilespmem:v1+s0+$0x0 ss:$0x1], $0xffff  }
0x5b: {  	v10 =	vld.idx.msk [tilespmem:v2+s0+$0x0 ss:$0x1], $0xffff  }
0x5c: {  	v11 =	vld.idx.msk [tilespmem:v3+s0+$0x0 ss:$0x1], $0xffff  }
0x5d: {  	s1 =	sadd.s32 s28, s26;
	v12 =	vld.idx.msk [tilespmem:v4+s0+$0x0 ss:$0x1], $0xffff  }
0x5e: {  	[tilespmem:v0+s1+$0x0 ss:$0x1] =	vst.idx.msk $0xffff, v8;
	v8 =	vld.idx.msk [tilespmem:v5+s0+$0x0 ss:$0x1], $0xffff  }
0x5f: {  	s29 =	sor.u32 $0x400, s28;
	v43 =	vld.idx.msk [tilespmem:v6+s0+$0x0 ss:$0x1], $0xffff;
	[tilespmem:v1+s1+$0x0 ss:$0x1] =	vst.idx.msk $0xffff, v9  }
0x60: {  	v44 =	vld.idx.msk [tilespmem:v7+s0+$0x0 ss:$0x1], $0xffff;
	s31 =	sadd.s32 s29, s25;
	[tilespmem:v2+s1+$0x0 ss:$0x1] =	vst.idx.msk $0xffff, v10  }
0x61: {  	v45 =	vld.idx.msk [tilespmem:v0+s31+$0x0 ss:$0x1], $0xffff;
	[tilespmem:v3+s1+$0x0 ss:$0x1] =	vst.idx.msk $0xffff, v11  }
0x62: {  	v46 =	vld.idx.msk [tilespmem:v1+s31+$0x0 ss:$0x1], $0xffff;
	[tilespmem:v4+s1+$0x0 ss:$0x1] =	vst.idx.msk $0xffff, v12  }
0x63: {  	[tilespmem:v5+s1+$0x0 ss:$0x1] =	vst.idx.msk $0xffff, v8;
	v8 =	vld.idx.msk [tilespmem:v2+s31+$0x0 ss:$0x1], $0xffff  }
0x64: {  	v47 =	vld.idx.msk [tilespmem:v3+s31+$0x0 ss:$0x1], $0xffff;
	[tilespmem:v6+s1+$0x0 ss:$0x1] =	vst.idx.msk $0xffff, v43  }
0x65: {  	v48 =	vld.idx.msk [tilespmem:v4+s31+$0x0 ss:$0x1], $0xffff;
	[tilespmem:v7+s1+$0x0 ss:$0x1] =	vst.idx.msk $0xffff, v44;
	s1 =	sadd.s32 s29, s26  }
0x66: {  	v49 =	vld.idx.msk [tilespmem:v5+s31+$0x0 ss:$0x1], $0xffff;
	[tilespmem:v0+s1+$0x0 ss:$0x1] =	vst.idx.msk $0xffff, v45  }
0x67: {  	s30 =	sor.u32 $0x800, s28;
	v50 =	vld.idx.msk [tilespmem:v6+s31+$0x0 ss:$0x1], $0xffff;
	[tilespmem:v1+s1+$0x0 ss:$0x1] =	vst.idx.msk $0xffff, v46  }
0x68: {  	[tilespmem:v2+s1+$0x0 ss:$0x1] =	vst.idx.msk $0xffff, v8;
	v8 =	vld.idx.msk [tilespmem:v7+s31+$0x0 ss:$0x1], $0xffff;
	s31 =	sadd.s32 s30, s25  }
0x69: {  	[tilespmem:v3+s1+$0x0 ss:$0x1] =	vst.idx.msk $0xffff, v47;
	v51 =	vld.idx.msk [tilespmem:v0+s31+$0x0 ss:$0x1], $0xffff  }
0x6a: {  	[tilespmem:v4+s1+$0x0 ss:$0x1] =	vst.idx.msk $0xffff, v48;
	v52 =	vld.idx.msk [tilespmem:v1+s31+$0x0 ss:$0x1], $0xffff  }
0x6b: {  	[tilespmem:v5+s1+$0x0 ss:$0x1] =	vst.idx.msk $0xffff, v49;
	v53 =	vld.idx.msk [tilespmem:v2+s31+$0x0 ss:$0x1], $0xffff  }
0x6c: {  	[tilespmem:v6+s1+$0x0 ss:$0x1] =	vst.idx.msk $0xffff, v50;
	v54 =	vld.idx.msk [tilespmem:v3+s31+$0x0 ss:$0x1], $0xffff  }
0x6d: {  	s29 =	sadd.s32 s30, s26;
	v55 =	vld.idx.msk [tilespmem:v5+s31+$0x0 ss:$0x1], $0xffff;
	[tilespmem:v7+s1+$0x0 ss:$0x1] =	vst.idx.msk $0xffff, v8  }
0x6e: {  	v8 =	vld.idx.msk [tilespmem:v4+s31+$0x0 ss:$0x1], $0xffff;
	[tilespmem:v0+s29+$0x0 ss:$0x1] =	vst.idx.msk $0xffff, v51  }
0x6f: {  	s28 =	sor.u32 $0xC00, s28;
	v56 =	vld.idx.msk [tilespmem:v6+s31+$0x0 ss:$0x1], $0xffff;
	[tilespmem:v1+s29+$0x0 ss:$0x1] =	vst.idx.msk $0xffff, v52  }
0x70: {  	s30 =	sadd.s32 s28, s25;
	v57 =	vld.idx.msk [tilespmem:v7+s31+$0x0 ss:$0x1], $0xffff;
	[tilespmem:v2+s29+$0x0 ss:$0x1] =	vst.idx.msk $0xffff, v53  }
0x71: {  	v58 =	vld.idx.msk [tilespmem:v0+s30+$0x0 ss:$0x1], $0xffff;
	[tilespmem:v3+s29+$0x0 ss:$0x1] =	vst.idx.msk $0xffff, v54  }
0x72: {  	v59 =	vld.idx.msk [tilespmem:v2+s30+$0x0 ss:$0x1], $0xffff;
	[tilespmem:v5+s29+$0x0 ss:$0x1] =	vst.idx.msk $0xffff, v55  }
0x73: {  	[tilespmem:v4+s29+$0x0 ss:$0x1] =	vst.idx.msk $0xffff, v8;
	v8 =	vld.idx.msk [tilespmem:v1+s30+$0x0 ss:$0x1], $0xffff  }
0x74: {  	v60 =	vld.idx.msk [tilespmem:v3+s30+$0x0 ss:$0x1], $0xffff;
	[tilespmem:v6+s29+$0x0 ss:$0x1] =	vst.idx.msk $0xffff, v56  }
0x75: {  	v61 =	vld.idx.msk [tilespmem:v4+s30+$0x0 ss:$0x1], $0xffff;
	s31 =	sadd.s32 s28, s26;
	[tilespmem:v7+s29+$0x0 ss:$0x1] =	vst.idx.msk $0xffff, v57  }
0x76: {  	v62 =	vld.idx.msk [tilespmem:v5+s30+$0x0 ss:$0x1], $0xffff;
	[tilespmem:v0+s31+$0x0 ss:$0x1] =	vst.idx.msk $0xffff, v58  }
0x77: {  	v63 =	vld.idx.msk [tilespmem:v7+s30+$0x0 ss:$0x1], $0xffff;
	[tilespmem:v2+s31+$0x0 ss:$0x1] =	vst.idx.msk $0xffff, v59  }
0x78: {  	p1 =	por p0, p0;
	[tilespmem:v1+s31+$0x0 ss:$0x1] =	vst.idx.msk $0xffff, v8;
	v8 =	vld.idx.msk [tilespmem:v6+s30+$0x0 ss:$0x1], $0xffff  }
.Ltmp4:
0x79: {  	[tilespmem:v3+s31+$0x0 ss:$0x1] =	vst.idx.msk $0xffff, v60;
	(pc) =	sbr.rel @p1 .LBB1_7-.Ltmp4, $4  }
0x7a: {  	[tilespmem:v4+s31+$0x0 ss:$0x1] =	vst.idx.msk $0xffff, v61  }
0x7b: {  	[tilespmem:v5+s31+$0x0 ss:$0x1] =	vst.idx.msk $0xffff, v62  }
0x7c: {  	[tilespmem:v7+s31+$0x0 ss:$0x1] =	vst.idx.msk $0xffff, v63  }
0x7d: {  	p0 =	por $0x0, $0x0;
	s28 =	simm.s32 $0x1000;
	[tilespmem:v6+s31+$0x0 ss:$0x1] =	vst.idx.msk $0xffff, v8  }
0x7e: {  	s27 =	sadd.s32 $0x1, s27  }
0x7f: {  	p0 =	sne.s32 s27, $0x8  }
.Ltmp5:
0x80: {  	_ = 	snop;
	(pc) =	sbr.rel @p0 .LBB1_6-.Ltmp5, $1  }
0x81: {  	_ =	sdelay $0x3  }
0x82: {  	s24 =	sadd.s32 $0x1, s24  }
0x83: {  	p0 =	sne.s32 s24, s19  }
.Ltmp6:
0x84: {  	_ = 	snop;
	(pc) =	sbr.rel @p0 .LBB1_5-.Ltmp6, $1  }
0x85: {  	_ =	sdelay $0x3  }
0x86: {  	s22 =	sadd.s32 $0x1, s22  }
0x87: {  	p0 =	sne.s32 s22, s18  }
.Ltmp7:
0x88: {  	_ = 	snop;
	(pc) =	sbr.rel @p0 .LBB1_4-.Ltmp7, $4  }
.Ltmp8:
0x89: {  	_ = 	snop;
	(pc) =	sbr.rel @!p0 .LBB1_11-.Ltmp8, $4  }
0x8a: {  	_ = 	snop  }
0x8b: {  	_ = 	snop  }
0x8c: {  	_ = 	snop  }
0x8d: {  	_ = 	snop  }
.LBB1_13:
0x8e: {  	_ =	sfence.sel $0x180000  }
0x8f: {  	s0 =	simm.s32 $0x1;
	[bflag:$0x0] =	sbarrier.arrive $0xFFFF  }
0x90: {  	s30 =	simm.s32 $0x2;
	[sflag:s0] =	ssyncpa.u1 $0x1  }
0x91: {  	[sflag:s30] =	ssyncpa.u1 $0x1  }
0x92: {  	_ =	strace $0x90000053  }
0x93: {  	s31 =	stileid.u32;
	[bflag:$0x2] =	sbarrier.arrive $0xFFFF  }
0x94: {  	p0 =	sne.s32 s31, $0x0;
	s0 =	rddreg [dreg:$0x2]  }
0x95: {  	s0 =	sadd.s32 @!p0 $0x100000, s0  }
0x96: {  	[sflag:s0] =	ssyncadd.tile.s32 @!p0 $0x1;
	_ =	shalt  }
.Lfunc_end1:
_tile_overlayer_lowered:
.L_overlay_start_2:
0x97: {  	(tag) =	ssettag $0x2  }
0x98: {  	s0 =	rddreg [dreg:$0x0];
	s2 =	stileid.u32  }
0x99: {  	s1 =	rddreg [dreg:$0x1];
	p0 =	sne.s32 s2, $0x0  }
0x9a: {  	s3 =	rddreg [dreg:$0x2];
	[bflag:$0x3] =	sbarrier.arrive $0xFFFF;
	s2 =	simm.s32 @!p0 $0x1C01  }
0x9b: {  	[timem:s3], [sflag:s2] =	dma.local @!p0 [hbm:s0], s1  }
0x9c: {  	s0 =	simm.s32 @!p0 $0x1  }
0x9d: {  	_ =	swait.ge @!p0 [sflag:s0], s1  }
0x9e: {  	s1 =	ssub.s32 @!p0 $0x0, s1;
	[sflag:s0] =	ssyncset.done @!p0 $0x0  }
0x9f: {  	[sflag:s0] =	ssyncadd.s32 @!p0 s1  }
0xa0: {  	[bflag:$0x3] =	sbarrier.arrive $0xFFFF  }
0xa1: {  	_ =	shalt  }

</sc_bundles>
